<compile_context>
chip_gen: v7x
topology: tpu7x:2x2x1
jax: 0.10.2.dev20260603
libtpu: 0.0.44.dev20260713+nightly
codegen_flags: <defaults>
</compile_context>

<pallas_src>
import functools

import jax
import jax.numpy as jnp
from jax import lax
from jax.experimental import pallas as pl
from jax.experimental.pallas import tpu as pltpu
from jax.experimental.pallas import tpu_sc as plsc

STEPS = 8
G = 128

N = 10000
E = 320000
D = 128
T = 3

BN = 1000
NB = N // BN

NSC = 2
NSUB = 16
NW = NSC * NSUB
K = 128
NCH = 79
EPT = K * NCH
EP = EPT * NW
RSUB = 632
NACC = NSUB * RSUB


def _gru_math(a, h, wih_ref, whh_ref, bih_ref, bhh_ref):
    gi = lax.dot_general(a, wih_ref[...], (((1,), (1,)), ((), ())),
                         preferred_element_type=jnp.float32) + bih_ref[...][None, :]
    gh = lax.dot_general(h, whh_ref[...], (((1,), (1,)), ((), ())),
                         preferred_element_type=jnp.float32) + bhh_ref[...][None, :]
    r = jax.nn.sigmoid(gi[:, :D] + gh[:, :D])
    z = jax.nn.sigmoid(gi[:, D:2 * D] + gh[:, D:2 * D])
    n = jnp.tanh(gi[:, 2 * D:] + r * gh[:, 2 * D:])
    return (1.0 - z) * n + z * h




def _proj_body(h_ref, we_ref, be_ref, p_ref):
    h = h_ref[...]
    p = lax.dot_general(h, we_ref[0], (((1,), (1,)), ((), ())),
                        preferred_element_type=jnp.float32)
    p_ref[0] = p + be_ref[0, 0][None, :]


def _proj_call(h, W_e, be3):
    return pl.pallas_call(
        _proj_body,
        grid=(T, NB),
        in_specs=[
            pl.BlockSpec((BN, D), lambda t, i: (i, 0)),
            pl.BlockSpec((1, D, D), lambda t, i: (t, 0, 0)),
            pl.BlockSpec((1, 1, D), lambda t, i: (t, 0, 0)),
        ],
        out_specs=pl.BlockSpec((1, BN, D), lambda t, i: (t, i, 0)),
        out_shape=jax.ShapeDtypeStruct((T, N, D), jnp.float32),
    )(h, W_e, be3)




def _sc_agg_body(p_hbm, idx_hbm, dst_hbm, zeros_hbm, out_hbm,
                 idx_v, dst_v, rows_v, acc_sh, sem):
    c = lax.axis_index("c")
    s = lax.axis_index("s")
    w = c * NSUB + s
    pltpu.sync_copy(zeros_hbm.at[pl.ds(s * RSUB, RSUB)],
                    acc_sh.at[pl.ds(s * RSUB, RSUB)])
    plsc.subcore_barrier()
    base = w * EPT

    def body(i, carry):
        off = pl.multiple_of(base + i * K, 8)
        pltpu.sync_copy(idx_hbm.at[pl.ds(off, K)], idx_v)
        pltpu.async_copy(p_hbm.at[idx_v], rows_v, sem).wait()
        pltpu.sync_copy(dst_hbm.at[pl.ds(off, K)], dst_v)
        pltpu.sync_copy(rows_v, acc_sh.at[dst_v], add=True)
        return carry

    lax.fori_loop(0, NCH, body, 0)
    plsc.subcore_barrier()
    pltpu.sync_copy(acc_sh.at[pl.ds(s * RSUB, RSUB)],
                    out_hbm.at[c].at[pl.ds(s * RSUB, RSUB)])


_sc_agg = functools.partial(
    pl.kernel,
    mesh=plsc.VectorSubcoreMesh(core_axis_name="c", subcore_axis_name="s",
                                num_cores=NSC, num_subcores=NSUB),
    out_type=jax.ShapeDtypeStruct((NSC, NACC, D), jnp.float32),
    scratch_types=[
        pltpu.VMEM((K,), jnp.int32),
        pltpu.VMEM((K,), jnp.int32),
        pltpu.VMEM((K, D), jnp.float32),
        pltpu.VMEM_SHARED((NACC, D), jnp.float32),
        pltpu.SemaphoreType.DMA,
    ],
)(_sc_agg_body)




def _gru_proj_body(parts_ref, h_ref, wih_ref, whh_ref, bih_ref, bhh_ref,
                   we_ref, be_ref, hnew_ref, p_ref):
    a = parts_ref[0] + parts_ref[1]
    h = h_ref[...]
    h_new = _gru_math(a, h, wih_ref, whh_ref, bih_ref, bhh_ref)
    hnew_ref[...] = h_new
    for t in range(T):
        p = lax.dot_general(h_new, we_ref[t], (((1,), (1,)), ((), ())),
                            preferred_element_type=jnp.float32)
        p_ref[t] = p + be_ref[t, 0][None, :]


def _gru_proj_call(parts, h, W_ih, W_hh, b_ih, b_hh, W_e, be3):
    return pl.pallas_call(
        _gru_proj_body,
        grid=(NB,),
        in_specs=[
            pl.BlockSpec((NSC, BN, D), lambda i: (0, i, 0)),
            pl.BlockSpec((BN, D), lambda i: (i, 0)),
            pl.BlockSpec((3 * D, D), lambda i: (0, 0)),
            pl.BlockSpec((3 * D, D), lambda i: (0, 0)),
            pl.BlockSpec((3 * D,), lambda i: (0,)),
            pl.BlockSpec((3 * D,), lambda i: (0,)),
            pl.BlockSpec((T, D, D), lambda i: (0, 0, 0)),
            pl.BlockSpec((T, 1, D), lambda i: (0, 0, 0)),
        ],
        out_specs=[
            pl.BlockSpec((BN, D), lambda i: (i, 0)),
            pl.BlockSpec((T, BN, D), lambda i: (0, i, 0)),
        ],
        out_shape=[
            jax.ShapeDtypeStruct((N, D), jnp.float32),
            jax.ShapeDtypeStruct((T, N, D), jnp.float32),
        ],
    )(parts, h, W_ih, W_hh, b_ih, b_hh, W_e, be3)




def _gru_pool_body(parts_ref, h_ref, wih_ref, whh_ref, bih_ref, bhh_ref,
                   gids_ref, wc_ref, bc_ref, res_ref, ggnn_ref, acc_ref):
    i = pl.program_id(0)
    a = parts_ref[0] + parts_ref[1]
    h = h_ref[...]
    h_new = _gru_math(a, h, wih_ref, whh_ref, bih_ref, bhh_ref)
    gids = gids_ref[0, 0, :]
    onehot = (lax.broadcasted_iota(jnp.int32, (G, BN), 0)
              == gids[None, :]).astype(jnp.float32)
    contrib = lax.dot_general(onehot, h_new, (((1,), (0,)), ((), ())),
                              preferred_element_type=jnp.float32, precision=lax.Precision.HIGHEST)

    @pl.when(i == 0)
    def _():
        acc_ref[...] = contrib

    @pl.when(i > 0)
    def _():
        acc_ref[...] = acc_ref[...] + contrib

    @pl.when(i == NB - 1)
    def _():
        acc = acc_ref[...]
        wc = wc_ref[...]
        gg_col = lax.dot_general(acc, wc, (((1,), (1,)), ((), ())),
                                 preferred_element_type=jnp.float32)
        gg_row = lax.dot_general(wc, acc, (((1,), (1,)), ((), ())),
                                 preferred_element_type=jnp.float32)
        ggnn_ref[...] = gg_col[:, 0:1] + bc_ref[0]
        res_ref[...] = jax.nn.sigmoid(gg_row + bc_ref[0])[0]


def _gru_pool_call(parts, h, W_ih, W_hh, b_ih, b_hh, gids3, wcv, bc):
    return pl.pallas_call(
        _gru_pool_body,
        grid=(NB,),
        in_specs=[
            pl.BlockSpec((NSC, BN, D), lambda i: (0, i, 0)),
            pl.BlockSpec((BN, D), lambda i: (i, 0)),
            pl.BlockSpec((3 * D, D), lambda i: (0, 0)),
            pl.BlockSpec((3 * D, D), lambda i: (0, 0)),
            pl.BlockSpec((3 * D,), lambda i: (0,)),
            pl.BlockSpec((3 * D,), lambda i: (0,)),
            pl.BlockSpec((1, 1, BN), lambda i: (i, 0, 0)),
            pl.BlockSpec((8, D), lambda i: (0, 0)),
            pl.BlockSpec(memory_space=pltpu.SMEM),
        ],
        out_specs=[
            pl.BlockSpec((G,), lambda i: (0,)),
            pl.BlockSpec((G, 1), lambda i: (0, 0)),
        ],
        out_shape=[
            jax.ShapeDtypeStruct((G,), jnp.float32),
            jax.ShapeDtypeStruct((G, 1), jnp.float32),
        ],
        scratch_shapes=[pltpu.VMEM((G, D), jnp.float32)],
    )(parts, h, W_ih, W_hh, b_ih, b_hh, gids3, wcv, bc)




def kernel(x, edge_index, edge_types, graph_ids, W_e, b_e, W_ih, W_hh,
           b_ih, b_hh, Wc, bc):
    src = edge_index[0]
    dst = edge_index[1]
    pad = EP - E
    flat_idx = edge_types * N + src
    idx_p = jnp.concatenate([flat_idx, jnp.zeros((pad,), jnp.int32)])
    dst_p = jnp.concatenate([dst, jnp.full((pad,), N, jnp.int32)])
    zeros_acc = jnp.zeros((NACC, D), jnp.float32)
    gids3 = graph_ids.reshape(NB, 1, BN)
    be3 = b_e.reshape(T, 1, D)
    wcv = jnp.pad(Wc, ((0, 7), (0, 0)))

    h = x
    P = _proj_call(h, W_e, be3)
    for step in range(STEPS):
        parts = _sc_agg(P.reshape(T * N, D), idx_p, dst_p, zeros_acc)
        if step < STEPS - 1:
            h, P = _gru_proj_call(parts, h, W_ih, W_hh, b_ih, b_hh, W_e, be3)
        else:
            result, ggnn = _gru_pool_call(parts, h, W_ih, W_hh, b_ih, b_hh,
                                          gids3, wcv, bc)
    return result, ggnn

# --- scband reference (transcript-rebuilt; emitter-appended) ---
"""Pipeline reference for scband-ggnnsum-1958505087108 (READ-ONLY COPY).

The authoritative reference and input builder live on the scoring server;
editing this copy changes nothing except your own understanding.
"""

import jax, jax.numpy as jnp
import numpy as np

N = 10000
E = 320000
D = 128
T = 3
STEPS = 8
G = 128


def setup_inputs(seed: int = 0) -> dict:
    key = jax.random.key(seed)
    ks = jax.random.split(key, 12)
    scale = 1.0 / np.sqrt(D)
    x = jax.random.normal(ks[0], (N, D), dtype=jnp.float32)
    edge_index = jax.random.randint(ks[1], (2, E), 0, N, dtype=jnp.int32)
    edge_types = jax.random.randint(ks[2], (E,), 0, T, dtype=jnp.int32)
    graph_ids = jnp.sort(jax.random.randint(ks[3], (N,), 0, G, dtype=jnp.int32))
    # GatedGraphConv params: one Linear(out,out) per edge type (torch layout [out,in])
    W_e = jax.random.normal(ks[4], (T, D, D), dtype=jnp.float32) * scale
    b_e = jax.random.normal(ks[5], (T, D), dtype=jnp.float32) * scale
    # GRUCell params (torch layout: gates stacked r,z,n)
    W_ih = jax.random.normal(ks[6], (3 * D, D), dtype=jnp.float32) * scale
    W_hh = jax.random.normal(ks[7], (3 * D, D), dtype=jnp.float32) * scale
    b_ih = jax.random.normal(ks[8], (3 * D,), dtype=jnp.float32) * scale
    b_hh = jax.random.normal(ks[9], (3 * D,), dtype=jnp.float32) * scale
    # classifier Linear(out_dim, 1)
    Wc = jax.random.normal(ks[10], (1, D), dtype=jnp.float32) * scale
    bc = jnp.zeros((1,), dtype=jnp.float32)
    return {"x": x, "edge_index": edge_index, "edge_types": edge_types,
            "graph_ids": graph_ids, "W_e": W_e, "b_e": b_e,
            "W_ih": W_ih, "W_hh": W_hh, "b_ih": b_ih, "b_hh": b_hh,
            "Wc": Wc, "bc": bc}


def reference(x, edge_index, edge_types, graph_ids, W_e, b_e, W_ih, W_hh, b_ih, b_hh, Wc, bc):
    src = edge_index[0]
    dst = edge_index[1]
    h = x  # in_feats == out_feats, no zero padding needed
    for _ in range(STEPS):
        # per-etype linear on all nodes: [T, N, D]; torch Linear -> h @ W^T + b
        proj = jnp.einsum('nd,tod->tno', h, W_e)
        # gather per-edge message by (etype, src) and add per-etype bias
        msg = proj[edge_types, src] + b_e[edge_types]
        # scatter-add into destination nodes
        a = jax.ops.segment_sum(msg, dst, num_segments=N)
        # GRUCell (torch semantics, gate order r, z, n)
        gi = a @ W_ih.T + b_ih
        gh = h @ W_hh.T + b_hh
        i_r, i_z, i_n = jnp.split(gi, 3, axis=-1)
        h_r, h_z, h_n = jnp.split(gh, 3, axis=-1)
        r = jax.nn.sigmoid(i_r + h_r)
        z = jax.nn.sigmoid(i_z + h_z)
        n = jnp.tanh(i_n + r * h_n)
        h = (1.0 - z) * n + z * h
    # unbatch + zero-pad + stack + sum(dim=1) == per-graph node sum (padding contributes zeros)
    h_i_sum = jax.ops.segment_sum(h, graph_ids, num_segments=G)
    ggnn_sum = h_i_sum @ Wc.T + bc
    result = jax.nn.sigmoid(ggnn_sum).squeeze(-1)
    return (result, ggnn_sum)

if __name__ == "__main__":
    import jax
    _d = setup_inputs()
    print(jax.jit(kernel)(*tuple(_d.values())))

</pallas_src>

<mosaic_0001>
#map = affine_map<(d0, d1) -> (0, 0)>
#map1 = affine_map<(d0, d1) -> (0)>
#map2 = affine_map<(d0, d1) -> (0, 0, 0)>
module attributes {stable_mosaic.version = 14 : i64} {
  func.func @_sc_agg_body(%arg0: i32, %arg1: i32, %arg2: memref<30000x128xf32, #tpu.memory_space<hbm>>, %arg3: memref<323584xi32, #tpu.memory_space<hbm>>, %arg4: memref<323584xi32, #tpu.memory_space<hbm>>, %arg5: memref<10112x128xf32, #tpu.memory_space<hbm>>, %arg6: memref<2x10112x128xf32, #tpu.memory_space<hbm>>, %arg7: memref<128xi32, #tpu.memory_space<vmem>>, %arg8: memref<128xi32, #tpu.memory_space<vmem>>, %arg9: memref<128x128xf32, #tpu.memory_space<vmem>>, %arg10: memref<10112x128xf32, #tpu.memory_space<vmem_shared>>, %arg11: memref<!tpu.dma_semaphore, #tpu.memory_space<semaphore_mem>>) attributes {dimension_semantics = [#tpu.dimension_semantics<core_parallel>, #tpu.dimension_semantics<subcore_parallel>], iteration_bounds = array<i64: 2, 16>, scalar_prefetch = 0 : i64, scratch_operands = 5 : i64, tpu.core_type = #tpu.core_type<sc_vector_subcore>, window_params = [{transform_indices = #map}, {transform_indices = #map1}, {transform_indices = #map1}, {transform_indices = #map}, {transform_indices = #map2}]} {
    %mul3A = arith.constant 16 : i32
    %mul3A_0 = arith.muli %arg0, %mul3A : i32
    %add3A = arith.addi %mul3A_0, %arg1 : i32
    %mul3A_1 = arith.constant 632 : i32
    %mul3A_2 = arith.muli %arg1, %mul3A_1 : i32
    %mul3A_3 = arith.constant 632 : i32
    %mul3A_4 = arith.muli %arg1, %mul3A_3 : i32
    "tpu.region"() ({
      %run_scoped3A = tpu.sem_alloc : memref<!tpu.dma_semaphore, #tpu.memory_space<semaphore_mem>>
      %dma_start3A = arith.constant 0 : i32
      %dma_start3A_17 = tpu.memref_slice %arg10[%mul3A_4, %dma_start3A] : memref<10112x128xf32, #tpu.memory_space<vmem_shared>> -> memref<632x128xf32, #tpu.memory_space<vmem_shared>>
      %dma_start3A_18 = arith.constant 0 : i32
      %dma_start3A_19 = tpu.memref_slice %arg5[%mul3A_2, %dma_start3A_18] : memref<10112x128xf32, #tpu.memory_space<hbm>> -> memref<632x128xf32, #tpu.memory_space<hbm>>
      tpu.enqueue_dma source(%dma_start3A_19 : memref<632x128xf32, #tpu.memory_space<hbm>>) target(%dma_start3A_17 : memref<632x128xf32, #tpu.memory_space<vmem_shared>>) target_semaphore(%run_scoped3A : memref<!tpu.dma_semaphore, #tpu.memory_space<semaphore_mem>>)
      %dma_wait3A = arith.constant 0 : i32
      %dma_wait3A_20 = tpu.memref_slice %arg10[%mul3A_4, %dma_wait3A] : memref<10112x128xf32, #tpu.memory_space<vmem_shared>> -> memref<632x128xf32, #tpu.memory_space<vmem_shared>>
      %dma_wait3A_21 = arith.constant 0 : i32
      %dma_wait3A_22 = tpu.memref_slice %arg5[%mul3A_2, %dma_wait3A_21] : memref<10112x128xf32, #tpu.memory_space<hbm>> -> memref<632x128xf32, #tpu.memory_space<hbm>>
      tpu.wait_dma2 semaphore(%run_scoped3A : memref<!tpu.dma_semaphore, #tpu.memory_space<semaphore_mem>>) src(%dma_wait3A_22 : memref<632x128xf32, #tpu.memory_space<hbm>>) dst(%dma_wait3A_20 : memref<632x128xf32, #tpu.memory_space<vmem_shared>>)
      tpu.yield
    }) : () -> ()
    %barrier3A = arith.constant 0 : index
    tpu.barrier barrier_id(%barrier3A)
    %mul3A_5 = arith.constant 10112 : i32
    %mul3A_6 = arith.muli %add3A, %mul3A_5 : i32
    %scan3A = arith.constant 0 : i32
    %scan3A_7 = arith.constant 0 : i32
    %scan3A_8 = arith.constant 79 : i32
    %scan3A_9 = arith.addi %scan3A_7, %scan3A_8 : i32
    %scan3A_10 = arith.constant 1 : i32
    scf.for %scan3A_17 = %scan3A_7 to %scan3A_9 step %scan3A_10  : i32 {
      %mul3A_18 = arith.constant 128 : i32
      %mul3A_19 = arith.muli %scan3A_17, %mul3A_18 : i32
      %add3A_20 = arith.addi %mul3A_6, %mul3A_19 : i32
      %multiple_of3A = tpu.assume_multiple %add3A_20, 8 : i32
      "tpu.region"() ({
        %run_scoped3A = tpu.sem_alloc : memref<!tpu.dma_semaphore, #tpu.memory_space<semaphore_mem>>
        %dma_start3A_25 = tpu.memref_slice %arg3[%multiple_of3A] : memref<323584xi32, #tpu.memory_space<hbm>> -> memref<128xi32, #tpu.memory_space<hbm>>
        %dma_start3A_26 = tpu.memref_slice %arg3[%multiple_of3A] : memref<323584xi32, #tpu.memory_space<hbm>> -> memref<128xi32, #tpu.memory_space<hbm>>
        tpu.enqueue_dma source(%dma_start3A_26 : memref<128xi32, #tpu.memory_space<hbm>>) target(%arg7 : memref<128xi32, #tpu.memory_space<vmem>>) target_semaphore(%run_scoped3A : memref<!tpu.dma_semaphore, #tpu.memory_space<semaphore_mem>>)
        %dma_wait3A_27 = tpu.memref_slice %arg3[%multiple_of3A] : memref<323584xi32, #tpu.memory_space<hbm>> -> memref<128xi32, #tpu.memory_space<hbm>>
        %dma_wait3A_28 = tpu.memref_slice %arg3[%multiple_of3A] : memref<323584xi32, #tpu.memory_space<hbm>> -> memref<128xi32, #tpu.memory_space<hbm>>
        tpu.wait_dma2 semaphore(%run_scoped3A : memref<!tpu.dma_semaphore, #tpu.memory_space<semaphore_mem>>) src(%dma_wait3A_28 : memref<128xi32, #tpu.memory_space<hbm>>) dst(%arg7 : memref<128xi32, #tpu.memory_space<vmem>>)
        tpu.yield
      }) : () -> ()
      %dma_start3A = arith.constant 0 : i32
      %dma_start3A_21 = arith.constant 0 : i32
      %dma_start3A_22 = tpu.memref_slice %arg2[%dma_start3A, %dma_start3A_21] : memref<30000x128xf32, #tpu.memory_space<hbm>> -> memref<30000x128xf32, #tpu.memory_space<hbm>>
      tpu.enqueue_indirect_dma source(%dma_start3A_22 : memref<30000x128xf32, #tpu.memory_space<hbm>>) target(%arg9 : memref<128x128xf32, #tpu.memory_space<vmem>>) offsets(%arg7 : memref<128xi32, #tpu.memory_space<vmem>>) semaphore(%arg11 : memref<!tpu.dma_semaphore, #tpu.memory_space<semaphore_mem>>)
      %dma_wait3A = arith.constant 0 : i32
      %dma_wait3A_23 = arith.constant 0 : i32
      %dma_wait3A_24 = tpu.memref_slice %arg2[%dma_wait3A, %dma_wait3A_23] : memref<30000x128xf32, #tpu.memory_space<hbm>> -> memref<30000x128xf32, #tpu.memory_space<hbm>>
      tpu.wait_indirect_dma semaphore(%arg11 : memref<!tpu.dma_semaphore, #tpu.memory_space<semaphore_mem>>) src(%dma_wait3A_24 : memref<30000x128xf32, #tpu.memory_space<hbm>>) dst(%arg9 : memref<128x128xf32, #tpu.memory_space<vmem>>)
      "tpu.region"() ({
        %run_scoped3A = tpu.sem_alloc : memref<!tpu.dma_semaphore, #tpu.memory_space<semaphore_mem>>
        %dma_start3A_25 = tpu.memref_slice %arg4[%multiple_of3A] : memref<323584xi32, #tpu.memory_space<hbm>> -> memref<128xi32, #tpu.memory_space<hbm>>
        %dma_start3A_26 = tpu.memref_slice %arg4[%multiple_of3A] : memref<323584xi32, #tpu.memory_space<hbm>> -> memref<128xi32, #tpu.memory_space<hbm>>
        tpu.enqueue_dma source(%dma_start3A_26 : memref<128xi32, #tpu.memory_space<hbm>>) target(%arg8 : memref<128xi32, #tpu.memory_space<vmem>>) target_semaphore(%run_scoped3A : memref<!tpu.dma_semaphore, #tpu.memory_space<semaphore_mem>>)
        %dma_wait3A_27 = tpu.memref_slice %arg4[%multiple_of3A] : memref<323584xi32, #tpu.memory_space<hbm>> -> memref<128xi32, #tpu.memory_space<hbm>>
        %dma_wait3A_28 = tpu.memref_slice %arg4[%multiple_of3A] : memref<323584xi32, #tpu.memory_space<hbm>> -> memref<128xi32, #tpu.memory_space<hbm>>
        tpu.wait_dma2 semaphore(%run_scoped3A : memref<!tpu.dma_semaphore, #tpu.memory_space<semaphore_mem>>) src(%dma_wait3A_28 : memref<128xi32, #tpu.memory_space<hbm>>) dst(%arg8 : memref<128xi32, #tpu.memory_space<vmem>>)
        tpu.yield
      }) : () -> ()
      "tpu.region"() ({
        %run_scoped3A = tpu.sem_alloc : memref<!tpu.dma_semaphore, #tpu.memory_space<semaphore_mem>>
        %dma_start3A_25 = arith.constant 0 : i32
        %dma_start3A_26 = arith.constant 0 : i32
        %dma_start3A_27 = tpu.memref_slice %arg10[%dma_start3A_25, %dma_start3A_26] : memref<10112x128xf32, #tpu.memory_space<vmem_shared>> -> memref<10112x128xf32, #tpu.memory_space<vmem_shared>>
        tpu.enqueue_indirect_dma source(%arg9 : memref<128x128xf32, #tpu.memory_space<vmem>>) target(%dma_start3A_27 : memref<10112x128xf32, #tpu.memory_space<vmem_shared>>) offsets(%arg8 : memref<128xi32, #tpu.memory_space<vmem>>) semaphore(%run_scoped3A : memref<!tpu.dma_semaphore, #tpu.memory_space<semaphore_mem>>) {add = true}
        %dma_wait3A_28 = arith.constant 0 : i32
        %dma_wait3A_29 = arith.constant 0 : i32
        %dma_wait3A_30 = tpu.memref_slice %arg10[%dma_wait3A_28, %dma_wait3A_29] : memref<10112x128xf32, #tpu.memory_space<vmem_shared>> -> memref<10112x128xf32, #tpu.memory_space<vmem_shared>>
        tpu.wait_indirect_dma semaphore(%run_scoped3A : memref<!tpu.dma_semaphore, #tpu.memory_space<semaphore_mem>>) src(%arg9 : memref<128x128xf32, #tpu.memory_space<vmem>>) dst(%dma_wait3A_30 : memref<10112x128xf32, #tpu.memory_space<vmem_shared>>)
        tpu.yield
      }) : () -> ()
    }
    %scan3A_11 = arith.constant 79 : i32
    %barrier3A_12 = arith.constant 0 : index
    tpu.barrier barrier_id(%barrier3A_12)
    %mul3A_13 = arith.constant 632 : i32
    %mul3A_14 = arith.muli %arg1, %mul3A_13 : i32
    %mul3A_15 = arith.constant 632 : i32
    %mul3A_16 = arith.muli %arg1, %mul3A_15 : i32
    "tpu.region"() ({
      %run_scoped3A = tpu.sem_alloc : memref<!tpu.dma_semaphore, #tpu.memory_space<semaphore_mem>>
      %dma_start3A = arith.constant 0 : i32
      %dma_start3A_17 = arith.constant 0 : i32
      %dma_start3A_18 = tpu.memref_slice %arg6[%arg0, %dma_start3A, %dma_start3A_17] : memref<2x10112x128xf32, #tpu.memory_space<hbm>> -> memref<1x10112x128xf32, #tpu.memory_space<hbm>>
      %dma_start3A_19 = tpu.memref_squeeze %dma_start3A_18 : memref<1x10112x128xf32, #tpu.memory_space<hbm>> -> memref<10112x128xf32, #tpu.memory_space<hbm>>
      %dma_start3A_20 = arith.constant 0 : i32
      %dma_start3A_21 = tpu.memref_slice %dma_start3A_19[%mul3A_16, %dma_start3A_20] : memref<10112x128xf32, #tpu.memory_space<hbm>> -> memref<632x128xf32, #tpu.memory_space<hbm>>
      %dma_start3A_22 = arith.constant 0 : i32
      %dma_start3A_23 = tpu.memref_slice %arg10[%mul3A_14, %dma_start3A_22] : memref<10112x128xf32, #tpu.memory_space<vmem_shared>> -> memref<632x128xf32, #tpu.memory_space<vmem_shared>>
      tpu.enqueue_dma source(%dma_start3A_23 : memref<632x128xf32, #tpu.memory_space<vmem_shared>>) target(%dma_start3A_21 : memref<632x128xf32, #tpu.memory_space<hbm>>) target_semaphore(%run_scoped3A : memref<!tpu.dma_semaphore, #tpu.memory_space<semaphore_mem>>)
      %dma_wait3A = arith.constant 0 : i32
      %dma_wait3A_24 = arith.constant 0 : i32
      %dma_wait3A_25 = tpu.memref_slice %arg6[%arg0, %dma_wait3A, %dma_wait3A_24] : memref<2x10112x128xf32, #tpu.memory_space<hbm>> -> memref<1x10112x128xf32, #tpu.memory_space<hbm>>
      %dma_wait3A_26 = tpu.memref_squeeze %dma_wait3A_25 : memref<1x10112x128xf32, #tpu.memory_space<hbm>> -> memref<10112x128xf32, #tpu.memory_space<hbm>>
      %dma_wait3A_27 = arith.constant 0 : i32
      %dma_wait3A_28 = tpu.memref_slice %dma_wait3A_26[%mul3A_16, %dma_wait3A_27] : memref<10112x128xf32, #tpu.memory_space<hbm>> -> memref<632x128xf32, #tpu.memory_space<hbm>>
      %dma_wait3A_29 = arith.constant 0 : i32
      %dma_wait3A_30 = tpu.memref_slice %arg10[%mul3A_14, %dma_wait3A_29] : memref<10112x128xf32, #tpu.memory_space<vmem_shared>> -> memref<632x128xf32, #tpu.memory_space<vmem_shared>>
      tpu.wait_dma2 semaphore(%run_scoped3A : memref<!tpu.dma_semaphore, #tpu.memory_space<semaphore_mem>>) src(%dma_wait3A_30 : memref<632x128xf32, #tpu.memory_space<vmem_shared>>) dst(%dma_wait3A_28 : memref<632x128xf32, #tpu.memory_space<hbm>>)
      tpu.yield
    }) : () -> ()
    return
  }
}

#map = affine_map<(d0, d1) -> (0, 0)>
#map1 = affine_map<(d0, d1) -> (0)>
#map2 = affine_map<(d0, d1) -> (0, 0, 0)>
module attributes {stable_mosaic.version = 14 : i64} {
  func.func @_sc_agg_body(%arg0: i32, %arg1: i32, %arg2: memref<30000x128xf32, #tpu.memory_space<hbm>>, %arg3: memref<323584xi32, #tpu.memory_space<hbm>>, %arg4: memref<323584xi32, #tpu.memory_space<hbm>>, %arg5: memref<10112x128xf32, #tpu.memory_space<hbm>>, %arg6: memref<2x10112x128xf32, #tpu.memory_space<hbm>>, %arg7: memref<128xi32, #tpu.memory_space<vmem>>, %arg8: memref<128xi32, #tpu.memory_space<vmem>>, %arg9: memref<128x128xf32, #tpu.memory_space<vmem>>, %arg10: memref<10112x128xf32, #tpu.memory_space<vmem_shared>>, %arg11: memref<!tpu.dma_semaphore, #tpu.memory_space<semaphore_mem>>) attributes {dimension_semantics = [#tpu.dimension_semantics<core_parallel>, #tpu.dimension_semantics<subcore_parallel>], iteration_bounds = array<i64: 2, 16>, scalar_prefetch = 0 : i64, scratch_operands = 5 : i64, tpu.core_type = #tpu.core_type<sc_vector_subcore>, window_params = [{transform_indices = #map}, {transform_indices = #map1}, {transform_indices = #map1}, {transform_indices = #map}, {transform_indices = #map2}]} {
    %mul3A = arith.constant 16 : i32
    %mul3A_0 = arith.muli %arg0, %mul3A : i32
    %add3A = arith.addi %mul3A_0, %arg1 : i32
    %mul3A_1 = arith.constant 632 : i32
    %mul3A_2 = arith.muli %arg1, %mul3A_1 : i32
    %mul3A_3 = arith.constant 632 : i32
    %mul3A_4 = arith.muli %arg1, %mul3A_3 : i32
    "tpu.region"() ({
      %run_scoped3A = tpu.sem_alloc : memref<!tpu.dma_semaphore, #tpu.memory_space<semaphore_mem>>
      %dma_start3A = arith.constant 0 : i32
      %dma_start3A_17 = tpu.memref_slice %arg10[%mul3A_4, %dma_start3A] : memref<10112x128xf32, #tpu.memory_space<vmem_shared>> -> memref<632x128xf32, #tpu.memory_space<vmem_shared>>
      %dma_start3A_18 = arith.constant 0 : i32
      %dma_start3A_19 = tpu.memref_slice %arg5[%mul3A_2, %dma_start3A_18] : memref<10112x128xf32, #tpu.memory_space<hbm>> -> memref<632x128xf32, #tpu.memory_space<hbm>>
      tpu.enqueue_dma source(%dma_start3A_19 : memref<632x128xf32, #tpu.memory_space<hbm>>) target(%dma_start3A_17 : memref<632x128xf32, #tpu.memory_space<vmem_shared>>) target_semaphore(%run_scoped3A : memref<!tpu.dma_semaphore, #tpu.memory_space<semaphore_mem>>)
      %dma_wait3A = arith.constant 0 : i32
      %dma_wait3A_20 = tpu.memref_slice %arg10[%mul3A_4, %dma_wait3A] : memref<10112x128xf32, #tpu.memory_space<vmem_shared>> -> memref<632x128xf32, #tpu.memory_space<vmem_shared>>
      %dma_wait3A_21 = arith.constant 0 : i32
      %dma_wait3A_22 = tpu.memref_slice %arg5[%mul3A_2, %dma_wait3A_21] : memref<10112x128xf32, #tpu.memory_space<hbm>> -> memref<632x128xf32, #tpu.memory_space<hbm>>
      tpu.wait_dma2 semaphore(%run_scoped3A : memref<!tpu.dma_semaphore, #tpu.memory_space<semaphore_mem>>) src(%dma_wait3A_22 : memref<632x128xf32, #tpu.memory_space<hbm>>) dst(%dma_wait3A_20 : memref<632x128xf32, #tpu.memory_space<vmem_shared>>)
      tpu.yield
    }) : () -> ()
    %barrier3A = arith.constant 0 : index
    tpu.barrier barrier_id(%barrier3A)
    %mul3A_5 = arith.constant 10112 : i32
    %mul3A_6 = arith.muli %add3A, %mul3A_5 : i32
    %scan3A = arith.constant 0 : i32
    %scan3A_7 = arith.constant 0 : i32
    %scan3A_8 = arith.constant 79 : i32
    %scan3A_9 = arith.addi %scan3A_7, %scan3A_8 : i32
    %scan3A_10 = arith.constant 1 : i32
    scf.for %scan3A_17 = %scan3A_7 to %scan3A_9 step %scan3A_10  : i32 {
      %mul3A_18 = arith.constant 128 : i32
      %mul3A_19 = arith.muli %scan3A_17, %mul3A_18 : i32
      %add3A_20 = arith.addi %mul3A_6, %mul3A_19 : i32
      %multiple_of3A = tpu.assume_multiple %add3A_20, 8 : i32
      "tpu.region"() ({
        %run_scoped3A = tpu.sem_alloc : memref<!tpu.dma_semaphore, #tpu.memory_space<semaphore_mem>>
        %dma_start3A_25 = tpu.memref_slice %arg3[%multiple_of3A] : memref<323584xi32, #tpu.memory_space<hbm>> -> memref<128xi32, #tpu.memory_space<hbm>>
        %dma_start3A_26 = tpu.memref_slice %arg3[%multiple_of3A] : memref<323584xi32, #tpu.memory_space<hbm>> -> memref<128xi32, #tpu.memory_space<hbm>>
        tpu.enqueue_dma source(%dma_start3A_26 : memref<128xi32, #tpu.memory_space<hbm>>) target(%arg7 : memref<128xi32, #tpu.memory_space<vmem>>) target_semaphore(%run_scoped3A : memref<!tpu.dma_semaphore, #tpu.memory_space<semaphore_mem>>)
        %dma_wait3A_27 = tpu.memref_slice %arg3[%multiple_of3A] : memref<323584xi32, #tpu.memory_space<hbm>> -> memref<128xi32, #tpu.memory_space<hbm>>
        %dma_wait3A_28 = tpu.memref_slice %arg3[%multiple_of3A] : memref<323584xi32, #tpu.memory_space<hbm>> -> memref<128xi32, #tpu.memory_space<hbm>>
        tpu.wait_dma2 semaphore(%run_scoped3A : memref<!tpu.dma_semaphore, #tpu.memory_space<semaphore_mem>>) src(%dma_wait3A_28 : memref<128xi32, #tpu.memory_space<hbm>>) dst(%arg7 : memref<128xi32, #tpu.memory_space<vmem>>)
        tpu.yield
      }) : () -> ()
      %dma_start3A = arith.constant 0 : i32
      %dma_start3A_21 = arith.constant 0 : i32
      %dma_start3A_22 = tpu.memref_slice %arg2[%dma_start3A, %dma_start3A_21] : memref<30000x128xf32, #tpu.memory_space<hbm>> -> memref<30000x128xf32, #tpu.memory_space<hbm>>
      tpu.enqueue_indirect_dma source(%dma_start3A_22 : memref<30000x128xf32, #tpu.memory_space<hbm>>) target(%arg9 : memref<128x128xf32, #tpu.memory_space<vmem>>) offsets(%arg7 : memref<128xi32, #tpu.memory_space<vmem>>) semaphore(%arg11 : memref<!tpu.dma_semaphore, #tpu.memory_space<semaphore_mem>>)
      %dma_wait3A = arith.constant 0 : i32
      %dma_wait3A_23 = arith.constant 0 : i32
      %dma_wait3A_24 = tpu.memref_slice %arg2[%dma_wait3A, %dma_wait3A_23] : memref<30000x128xf32, #tpu.memory_space<hbm>> -> memref<30000x128xf32, #tpu.memory_space<hbm>>
      tpu.wait_indirect_dma semaphore(%arg11 : memref<!tpu.dma_semaphore, #tpu.memory_space<semaphore_mem>>) src(%dma_wait3A_24 : memref<30000x128xf32, #tpu.memory_space<hbm>>) dst(%arg9 : memref<128x128xf32, #tpu.memory_space<vmem>>)
      "tpu.region"() ({
        %run_scoped3A = tpu.sem_alloc : memref<!tpu.dma_semaphore, #tpu.memory_space<semaphore_mem>>
        %dma_start3A_25 = tpu.memref_slice %arg4[%multiple_of3A] : memref<323584xi32, #tpu.memory_space<hbm>> -> memref<128xi32, #tpu.memory_space<hbm>>
        %dma_start3A_26 = tpu.memref_slice %arg4[%multiple_of3A] : memref<323584xi32, #tpu.memory_space<hbm>> -> memref<128xi32, #tpu.memory_space<hbm>>
        tpu.enqueue_dma source(%dma_start3A_26 : memref<128xi32, #tpu.memory_space<hbm>>) target(%arg8 : memref<128xi32, #tpu.memory_space<vmem>>) target_semaphore(%run_scoped3A : memref<!tpu.dma_semaphore, #tpu.memory_space<semaphore_mem>>)
        %dma_wait3A_27 = tpu.memref_slice %arg4[%multiple_of3A] : memref<323584xi32, #tpu.memory_space<hbm>> -> memref<128xi32, #tpu.memory_space<hbm>>
        %dma_wait3A_28 = tpu.memref_slice %arg4[%multiple_of3A] : memref<323584xi32, #tpu.memory_space<hbm>> -> memref<128xi32, #tpu.memory_space<hbm>>
        tpu.wait_dma2 semaphore(%run_scoped3A : memref<!tpu.dma_semaphore, #tpu.memory_space<semaphore_mem>>) src(%dma_wait3A_28 : memref<128xi32, #tpu.memory_space<hbm>>) dst(%arg8 : memref<128xi32, #tpu.memory_space<vmem>>)
        tpu.yield
      }) : () -> ()
      "tpu.region"() ({
        %run_scoped3A = tpu.sem_alloc : memref<!tpu.dma_semaphore, #tpu.memory_space<semaphore_mem>>
        %dma_start3A_25 = arith.constant 0 : i32
        %dma_start3A_26 = arith.constant 0 : i32
        %dma_start3A_27 = tpu.memref_slice %arg10[%dma_start3A_25, %dma_start3A_26] : memref<10112x128xf32, #tpu.memory_space<vmem_shared>> -> memref<10112x128xf32, #tpu.memory_space<vmem_shared>>
        tpu.enqueue_indirect_dma source(%arg9 : memref<128x128xf32, #tpu.memory_space<vmem>>) target(%dma_start3A_27 : memref<10112x128xf32, #tpu.memory_space<vmem_shared>>) offsets(%arg8 : memref<128xi32, #tpu.memory_space<vmem>>) semaphore(%run_scoped3A : memref<!tpu.dma_semaphore, #tpu.memory_space<semaphore_mem>>) {add = true}
        %dma_wait3A_28 = arith.constant 0 : i32
        %dma_wait3A_29 = arith.constant 0 : i32
        %dma_wait3A_30 = tpu.memref_slice %arg10[%dma_wait3A_28, %dma_wait3A_29] : memref<10112x128xf32, #tpu.memory_space<vmem_shared>> -> memref<10112x128xf32, #tpu.memory_space<vmem_shared>>
        tpu.wait_indirect_dma semaphore(%run_scoped3A : memref<!tpu.dma_semaphore, #tpu.memory_space<semaphore_mem>>) src(%arg9 : memref<128x128xf32, #tpu.memory_space<vmem>>) dst(%dma_wait3A_30 : memref<10112x128xf32, #tpu.memory_space<vmem_shared>>)
        tpu.yield
      }) : () -> ()
    }
    %scan3A_11 = arith.constant 79 : i32
    %barrier3A_12 = arith.constant 0 : index
    tpu.barrier barrier_id(%barrier3A_12)
    %mul3A_13 = arith.constant 632 : i32
    %mul3A_14 = arith.muli %arg1, %mul3A_13 : i32
    %mul3A_15 = arith.constant 632 : i32
    %mul3A_16 = arith.muli %arg1, %mul3A_15 : i32
    "tpu.region"() ({
      %run_scoped3A = tpu.sem_alloc : memref<!tpu.dma_semaphore, #tpu.memory_space<semaphore_mem>>
      %dma_start3A = arith.constant 0 : i32
      %dma_start3A_17 = arith.constant 0 : i32
      %dma_start3A_18 = tpu.memref_slice %arg6[%arg0, %dma_start3A, %dma_start3A_17] : memref<2x10112x128xf32, #tpu.memory_space<hbm>> -> memref<1x10112x128xf32, #tpu.memory_space<hbm>>
      %dma_start3A_19 = tpu.memref_squeeze %dma_start3A_18 : memref<1x10112x128xf32, #tpu.memory_space<hbm>> -> memref<10112x128xf32, #tpu.memory_space<hbm>>
      %dma_start3A_20 = arith.constant 0 : i32
      %dma_start3A_21 = tpu.memref_slice %dma_start3A_19[%mul3A_16, %dma_start3A_20] : memref<10112x128xf32, #tpu.memory_space<hbm>> -> memref<632x128xf32, #tpu.memory_space<hbm>>
      %dma_start3A_22 = arith.constant 0 : i32
      %dma_start3A_23 = tpu.memref_slice %arg10[%mul3A_14, %dma_start3A_22] : memref<10112x128xf32, #tpu.memory_space<vmem_shared>> -> memref<632x128xf32, #tpu.memory_space<vmem_shared>>
      tpu.enqueue_dma source(%dma_start3A_23 : memref<632x128xf32, #tpu.memory_space<vmem_shared>>) target(%dma_start3A_21 : memref<632x128xf32, #tpu.memory_space<hbm>>) target_semaphore(%run_scoped3A : memref<!tpu.dma_semaphore, #tpu.memory_space<semaphore_mem>>)
      %dma_wait3A = arith.constant 0 : i32
      %dma_wait3A_24 = arith.constant 0 : i32
      %dma_wait3A_25 = tpu.memref_slice %arg6[%arg0, %dma_wait3A, %dma_wait3A_24] : memref<2x10112x128xf32, #tpu.memory_space<hbm>> -> memref<1x10112x128xf32, #tpu.memory_space<hbm>>
      %dma_wait3A_26 = tpu.memref_squeeze %dma_wait3A_25 : memref<1x10112x128xf32, #tpu.memory_space<hbm>> -> memref<10112x128xf32, #tpu.memory_space<hbm>>
      %dma_wait3A_27 = arith.constant 0 : i32
      %dma_wait3A_28 = tpu.memref_slice %dma_wait3A_26[%mul3A_16, %dma_wait3A_27] : memref<10112x128xf32, #tpu.memory_space<hbm>> -> memref<632x128xf32, #tpu.memory_space<hbm>>
      %dma_wait3A_29 = arith.constant 0 : i32
      %dma_wait3A_30 = tpu.memref_slice %arg10[%mul3A_14, %dma_wait3A_29] : memref<10112x128xf32, #tpu.memory_space<vmem_shared>> -> memref<632x128xf32, #tpu.memory_space<vmem_shared>>
      tpu.wait_dma2 semaphore(%run_scoped3A : memref<!tpu.dma_semaphore, #tpu.memory_space<semaphore_mem>>) src(%dma_wait3A_30 : memref<632x128xf32, #tpu.memory_space<vmem_shared>>) dst(%dma_wait3A_28 : memref<632x128xf32, #tpu.memory_space<hbm>>)
      tpu.yield
    }) : () -> ()
    return
  }
}

#map = affine_map<(d0, d1) -> (0, 0)>
#map1 = affine_map<(d0, d1) -> (0)>
#map2 = affine_map<(d0, d1) -> (0, 0, 0)>
module attributes {stable_mosaic.version = 14 : i64} {
  func.func @_sc_agg_body(%arg0: i32, %arg1: i32, %arg2: memref<30000x128xf32, #tpu.memory_space<hbm>>, %arg3: memref<323584xi32, #tpu.memory_space<hbm>>, %arg4: memref<323584xi32, #tpu.memory_space<hbm>>, %arg5: memref<10112x128xf32, #tpu.memory_space<hbm>>, %arg6: memref<2x10112x128xf32, #tpu.memory_space<hbm>>, %arg7: memref<128xi32, #tpu.memory_space<vmem>>, %arg8: memref<128xi32, #tpu.memory_space<vmem>>, %arg9: memref<128x128xf32, #tpu.memory_space<vmem>>, %arg10: memref<10112x128xf32, #tpu.memory_space<vmem_shared>>, %arg11: memref<!tpu.dma_semaphore, #tpu.memory_space<semaphore_mem>>) attributes {dimension_semantics = [#tpu.dimension_semantics<core_parallel>, #tpu.dimension_semantics<subcore_parallel>], iteration_bounds = array<i64: 2, 16>, scalar_prefetch = 0 : i64, scratch_operands = 5 : i64, tpu.core_type = #tpu.core_type<sc_vector_subcore>, window_params = [{transform_indices = #map}, {transform_indices = #map1}, {transform_indices = #map1}, {transform_indices = #map}, {transform_indices = #map2}]} {
    %mul3A = arith.constant 16 : i32
    %mul3A_0 = arith.muli %arg0, %mul3A : i32
    %add3A = arith.addi %mul3A_0, %arg1 : i32
    %mul3A_1 = arith.constant 632 : i32
    %mul3A_2 = arith.muli %arg1, %mul3A_1 : i32
    %mul3A_3 = arith.constant 632 : i32
    %mul3A_4 = arith.muli %arg1, %mul3A_3 : i32
    "tpu.region"() ({
      %run_scoped3A = tpu.sem_alloc : memref<!tpu.dma_semaphore, #tpu.memory_space<semaphore_mem>>
      %dma_start3A = arith.constant 0 : i32
      %dma_start3A_17 = tpu.memref_slice %arg10[%mul3A_4, %dma_start3A] : memref<10112x128xf32, #tpu.memory_space<vmem_shared>> -> memref<632x128xf32, #tpu.memory_space<vmem_shared>>
      %dma_start3A_18 = arith.constant 0 : i32
      %dma_start3A_19 = tpu.memref_slice %arg5[%mul3A_2, %dma_start3A_18] : memref<10112x128xf32, #tpu.memory_space<hbm>> -> memref<632x128xf32, #tpu.memory_space<hbm>>
      tpu.enqueue_dma source(%dma_start3A_19 : memref<632x128xf32, #tpu.memory_space<hbm>>) target(%dma_start3A_17 : memref<632x128xf32, #tpu.memory_space<vmem_shared>>) target_semaphore(%run_scoped3A : memref<!tpu.dma_semaphore, #tpu.memory_space<semaphore_mem>>)
      %dma_wait3A = arith.constant 0 : i32
      %dma_wait3A_20 = tpu.memref_slice %arg10[%mul3A_4, %dma_wait3A] : memref<10112x128xf32, #tpu.memory_space<vmem_shared>> -> memref<632x128xf32, #tpu.memory_space<vmem_shared>>
      %dma_wait3A_21 = arith.constant 0 : i32
      %dma_wait3A_22 = tpu.memref_slice %arg5[%mul3A_2, %dma_wait3A_21] : memref<10112x128xf32, #tpu.memory_space<hbm>> -> memref<632x128xf32, #tpu.memory_space<hbm>>
      tpu.wait_dma2 semaphore(%run_scoped3A : memref<!tpu.dma_semaphore, #tpu.memory_space<semaphore_mem>>) src(%dma_wait3A_22 : memref<632x128xf32, #tpu.memory_space<hbm>>) dst(%dma_wait3A_20 : memref<632x128xf32, #tpu.memory_space<vmem_shared>>)
      tpu.yield
    }) : () -> ()
    %barrier3A = arith.constant 0 : index
    tpu.barrier barrier_id(%barrier3A)
    %mul3A_5 = arith.constant 10112 : i32
    %mul3A_6 = arith.muli %add3A, %mul3A_5 : i32
    %scan3A = arith.constant 0 : i32
    %scan3A_7 = arith.constant 0 : i32
    %scan3A_8 = arith.constant 79 : i32
    %scan3A_9 = arith.addi %scan3A_7, %scan3A_8 : i32
    %scan3A_10 = arith.constant 1 : i32
    scf.for %scan3A_17 = %scan3A_7 to %scan3A_9 step %scan3A_10  : i32 {
      %mul3A_18 = arith.constant 128 : i32
      %mul3A_19 = arith.muli %scan3A_17, %mul3A_18 : i32
      %add3A_20 = arith.addi %mul3A_6, %mul3A_19 : i32
      %multiple_of3A = tpu.assume_multiple %add3A_20, 8 : i32
      "tpu.region"() ({
        %run_scoped3A = tpu.sem_alloc : memref<!tpu.dma_semaphore, #tpu.memory_space<semaphore_mem>>
        %dma_start3A_25 = tpu.memref_slice %arg3[%multiple_of3A] : memref<323584xi32, #tpu.memory_space<hbm>> -> memref<128xi32, #tpu.memory_space<hbm>>
        %dma_start3A_26 = tpu.memref_slice %arg3[%multiple_of3A] : memref<323584xi32, #tpu.memory_space<hbm>> -> memref<128xi32, #tpu.memory_space<hbm>>
        tpu.enqueue_dma source(%dma_start3A_26 : memref<128xi32, #tpu.memory_space<hbm>>) target(%arg7 : memref<128xi32, #tpu.memory_space<vmem>>) target_semaphore(%run_scoped3A : memref<!tpu.dma_semaphore, #tpu.memory_space<semaphore_mem>>)
        %dma_wait3A_27 = tpu.memref_slice %arg3[%multiple_of3A] : memref<323584xi32, #tpu.memory_space<hbm>> -> memref<128xi32, #tpu.memory_space<hbm>>
        %dma_wait3A_28 = tpu.memref_slice %arg3[%multiple_of3A] : memref<323584xi32, #tpu.memory_space<hbm>> -> memref<128xi32, #tpu.memory_space<hbm>>
        tpu.wait_dma2 semaphore(%run_scoped3A : memref<!tpu.dma_semaphore, #tpu.memory_space<semaphore_mem>>) src(%dma_wait3A_28 : memref<128xi32, #tpu.memory_space<hbm>>) dst(%arg7 : memref<128xi32, #tpu.memory_space<vmem>>)
        tpu.yield
      }) : () -> ()
      %dma_start3A = arith.constant 0 : i32
      %dma_start3A_21 = arith.constant 0 : i32
      %dma_start3A_22 = tpu.memref_slice %arg2[%dma_start3A, %dma_start3A_21] : memref<30000x128xf32, #tpu.memory_space<hbm>> -> memref<30000x128xf32, #tpu.memory_space<hbm>>
      tpu.enqueue_indirect_dma source(%dma_start3A_22 : memref<30000x128xf32, #tpu.memory_space<hbm>>) target(%arg9 : memref<128x128xf32, #tpu.memory_space<vmem>>) offsets(%arg7 : memref<128xi32, #tpu.memory_space<vmem>>) semaphore(%arg11 : memref<!tpu.dma_semaphore, #tpu.memory_space<semaphore_mem>>)
      %dma_wait3A = arith.constant 0 : i32
      %dma_wait3A_23 = arith.constant 0 : i32
      %dma_wait3A_24 = tpu.memref_slice %arg2[%dma_wait3A, %dma_wait3A_23] : memref<30000x128xf32, #tpu.memory_space<hbm>> -> memref<30000x128xf32, #tpu.memory_space<hbm>>
      tpu.wait_indirect_dma semaphore(%arg11 : memref<!tpu.dma_semaphore, #tpu.memory_space<semaphore_mem>>) src(%dma_wait3A_24 : memref<30000x128xf32, #tpu.memory_space<hbm>>) dst(%arg9 : memref<128x128xf32, #tpu.memory_space<vmem>>)
      "tpu.region"() ({
        %run_scoped3A = tpu.sem_alloc : memref<!tpu.dma_semaphore, #tpu.memory_space<semaphore_mem>>
        %dma_start3A_25 = tpu.memref_slice %arg4[%multiple_of3A] : memref<323584xi32, #tpu.memory_space<hbm>> -> memref<128xi32, #tpu.memory_space<hbm>>
        %dma_start3A_26 = tpu.memref_slice %arg4[%multiple_of3A] : memref<323584xi32, #tpu.memory_space<hbm>> -> memref<128xi32, #tpu.memory_space<hbm>>
        tpu.enqueue_dma source(%dma_start3A_26 : memref<128xi32, #tpu.memory_space<hbm>>) target(%arg8 : memref<128xi32, #tpu.memory_space<vmem>>) target_semaphore(%run_scoped3A : memref<!tpu.dma_semaphore, #tpu.memory_space<semaphore_mem>>)
        %dma_wait3A_27 = tpu.memref_slice %arg4[%multiple_of3A] : memref<323584xi32, #tpu.memory_space<hbm>> -> memref<128xi32, #tpu.memory_space<hbm>>
        %dma_wait3A_28 = tpu.memref_slice %arg4[%multiple_of3A] : memref<323584xi32, #tpu.memory_space<hbm>> -> memref<128xi32, #tpu.memory_space<hbm>>
        tpu.wait_dma2 semaphore(%run_scoped3A : memref<!tpu.dma_semaphore, #tpu.memory_space<semaphore_mem>>) src(%dma_wait3A_28 : memref<128xi32, #tpu.memory_space<hbm>>) dst(%arg8 : memref<128xi32, #tpu.memory_space<vmem>>)
        tpu.yield
      }) : () -> ()
      "tpu.region"() ({
        %run_scoped3A = tpu.sem_alloc : memref<!tpu.dma_semaphore, #tpu.memory_space<semaphore_mem>>
        %dma_start3A_25 = arith.constant 0 : i32
        %dma_start3A_26 = arith.constant 0 : i32
        %dma_start3A_27 = tpu.memref_slice %arg10[%dma_start3A_25, %dma_start3A_26] : memref<10112x128xf32, #tpu.memory_space<vmem_shared>> -> memref<10112x128xf32, #tpu.memory_space<vmem_shared>>
        tpu.enqueue_indirect_dma source(%arg9 : memref<128x128xf32, #tpu.memory_space<vmem>>) target(%dma_start3A_27 : memref<10112x128xf32, #tpu.memory_space<vmem_shared>>) offsets(%arg8 : memref<128xi32, #tpu.memory_space<vmem>>) semaphore(%run_scoped3A : memref<!tpu.dma_semaphore, #tpu.memory_space<semaphore_mem>>) {add = true}
        %dma_wait3A_28 = arith.constant 0 : i32
        %dma_wait3A_29 = arith.constant 0 : i32
        %dma_wait3A_30 = tpu.memref_slice %arg10[%dma_wait3A_28, %dma_wait3A_29] : memref<10112x128xf32, #tpu.memory_space<vmem_shared>> -> memref<10112x128xf32, #tpu.memory_space<vmem_shared>>
        tpu.wait_indirect_dma semaphore(%run_scoped3A : memref<!tpu.dma_semaphore, #tpu.memory_space<semaphore_mem>>) src(%arg9 : memref<128x128xf32, #tpu.memory_space<vmem>>) dst(%dma_wait3A_30 : memref<10112x128xf32, #tpu.memory_space<vmem_shared>>)
        tpu.yield
      }) : () -> ()
    }
    %scan3A_11 = arith.constant 79 : i32
    %barrier3A_12 = arith.constant 0 : index
    tpu.barrier barrier_id(%barrier3A_12)
    %mul3A_13 = arith.constant 632 : i32
    %mul3A_14 = arith.muli %arg1, %mul3A_13 : i32
    %mul3A_15 = arith.constant 632 : i32
    %mul3A_16 = arith.muli %arg1, %mul3A_15 : i32
    "tpu.region"() ({
      %run_scoped3A = tpu.sem_alloc : memref<!tpu.dma_semaphore, #tpu.memory_space<semaphore_mem>>
      %dma_start3A = arith.constant 0 : i32
      %dma_start3A_17 = arith.constant 0 : i32
      %dma_start3A_18 = tpu.memref_slice %arg6[%arg0, %dma_start3A, %dma_start3A_17] : memref<2x10112x128xf32, #tpu.memory_space<hbm>> -> memref<1x10112x128xf32, #tpu.memory_space<hbm>>
      %dma_start3A_19 = tpu.memref_squeeze %dma_start3A_18 : memref<1x10112x128xf32, #tpu.memory_space<hbm>> -> memref<10112x128xf32, #tpu.memory_space<hbm>>
      %dma_start3A_20 = arith.constant 0 : i32
      %dma_start3A_21 = tpu.memref_slice %dma_start3A_19[%mul3A_16, %dma_start3A_20] : memref<10112x128xf32, #tpu.memory_space<hbm>> -> memref<632x128xf32, #tpu.memory_space<hbm>>
      %dma_start3A_22 = arith.constant 0 : i32
      %dma_start3A_23 = tpu.memref_slice %arg10[%mul3A_14, %dma_start3A_22] : memref<10112x128xf32, #tpu.memory_space<vmem_shared>> -> memref<632x128xf32, #tpu.memory_space<vmem_shared>>
      tpu.enqueue_dma source(%dma_start3A_23 : memref<632x128xf32, #tpu.memory_space<vmem_shared>>) target(%dma_start3A_21 : memref<632x128xf32, #tpu.memory_space<hbm>>) target_semaphore(%run_scoped3A : memref<!tpu.dma_semaphore, #tpu.memory_space<semaphore_mem>>)
      %dma_wait3A = arith.constant 0 : i32
      %dma_wait3A_24 = arith.constant 0 : i32
      %dma_wait3A_25 = tpu.memref_slice %arg6[%arg0, %dma_wait3A, %dma_wait3A_24] : memref<2x10112x128xf32, #tpu.memory_space<hbm>> -> memref<1x10112x128xf32, #tpu.memory_space<hbm>>
      %dma_wait3A_26 = tpu.memref_squeeze %dma_wait3A_25 : memref<1x10112x128xf32, #tpu.memory_space<hbm>> -> memref<10112x128xf32, #tpu.memory_space<hbm>>
      %dma_wait3A_27 = arith.constant 0 : i32
      %dma_wait3A_28 = tpu.memref_slice %dma_wait3A_26[%mul3A_16, %dma_wait3A_27] : memref<10112x128xf32, #tpu.memory_space<hbm>> -> memref<632x128xf32, #tpu.memory_space<hbm>>
      %dma_wait3A_29 = arith.constant 0 : i32
      %dma_wait3A_30 = tpu.memref_slice %arg10[%mul3A_14, %dma_wait3A_29] : memref<10112x128xf32, #tpu.memory_space<vmem_shared>> -> memref<632x128xf32, #tpu.memory_space<vmem_shared>>
      tpu.wait_dma2 semaphore(%run_scoped3A : memref<!tpu.dma_semaphore, #tpu.memory_space<semaphore_mem>>) src(%dma_wait3A_30 : memref<632x128xf32, #tpu.memory_space<vmem_shared>>) dst(%dma_wait3A_28 : memref<632x128xf32, #tpu.memory_space<hbm>>)
      tpu.yield
    }) : () -> ()
    return
  }
}

#map = affine_map<(d0, d1) -> (0, 0)>
#map1 = affine_map<(d0, d1) -> (0)>
#map2 = affine_map<(d0, d1) -> (0, 0, 0)>
module attributes {stable_mosaic.version = 14 : i64} {
  func.func @_sc_agg_body(%arg0: i32, %arg1: i32, %arg2: memref<30000x128xf32, #tpu.memory_space<hbm>>, %arg3: memref<323584xi32, #tpu.memory_space<hbm>>, %arg4: memref<323584xi32, #tpu.memory_space<hbm>>, %arg5: memref<10112x128xf32, #tpu.memory_space<hbm>>, %arg6: memref<2x10112x128xf32, #tpu.memory_space<hbm>>, %arg7: memref<128xi32, #tpu.memory_space<vmem>>, %arg8: memref<128xi32, #tpu.memory_space<vmem>>, %arg9: memref<128x128xf32, #tpu.memory_space<vmem>>, %arg10: memref<10112x128xf32, #tpu.memory_space<vmem_shared>>, %arg11: memref<!tpu.dma_semaphore, #tpu.memory_space<semaphore_mem>>) attributes {dimension_semantics = [#tpu.dimension_semantics<core_parallel>, #tpu.dimension_semantics<subcore_parallel>], iteration_bounds = array<i64: 2, 16>, scalar_prefetch = 0 : i64, scratch_operands = 5 : i64, tpu.core_type = #tpu.core_type<sc_vector_subcore>, window_params = [{transform_indices = #map}, {transform_indices = #map1}, {transform_indices = #map1}, {transform_indices = #map}, {transform_indices = #map2}]} {
    %mul3A = arith.constant 16 : i32
    %mul3A_0 = arith.muli %arg0, %mul3A : i32
    %add3A = arith.addi %mul3A_0, %arg1 : i32
    %mul3A_1 = arith.constant 632 : i32
    %mul3A_2 = arith.muli %arg1, %mul3A_1 : i32
    %mul3A_3 = arith.constant 632 : i32
    %mul3A_4 = arith.muli %arg1, %mul3A_3 : i32
    "tpu.region"() ({
      %run_scoped3A = tpu.sem_alloc : memref<!tpu.dma_semaphore, #tpu.memory_space<semaphore_mem>>
      %dma_start3A = arith.constant 0 : i32
      %dma_start3A_17 = tpu.memref_slice %arg10[%mul3A_4, %dma_start3A] : memref<10112x128xf32, #tpu.memory_space<vmem_shared>> -> memref<632x128xf32, #tpu.memory_space<vmem_shared>>
      %dma_start3A_18 = arith.constant 0 : i32
      %dma_start3A_19 = tpu.memref_slice %arg5[%mul3A_2, %dma_start3A_18] : memref<10112x128xf32, #tpu.memory_space<hbm>> -> memref<632x128xf32, #tpu.memory_space<hbm>>
      tpu.enqueue_dma source(%dma_start3A_19 : memref<632x128xf32, #tpu.memory_space<hbm>>) target(%dma_start3A_17 : memref<632x128xf32, #tpu.memory_space<vmem_shared>>) target_semaphore(%run_scoped3A : memref<!tpu.dma_semaphore, #tpu.memory_space<semaphore_mem>>)
      %dma_wait3A = arith.constant 0 : i32
      %dma_wait3A_20 = tpu.memref_slice %arg10[%mul3A_4, %dma_wait3A] : memref<10112x128xf32, #tpu.memory_space<vmem_shared>> -> memref<632x128xf32, #tpu.memory_space<vmem_shared>>
      %dma_wait3A_21 = arith.constant 0 : i32
      %dma_wait3A_22 = tpu.memref_slice %arg5[%mul3A_2, %dma_wait3A_21] : memref<10112x128xf32, #tpu.memory_space<hbm>> -> memref<632x128xf32, #tpu.memory_space<hbm>>
      tpu.wait_dma2 semaphore(%run_scoped3A : memref<!tpu.dma_semaphore, #tpu.memory_space<semaphore_mem>>) src(%dma_wait3A_22 : memref<632x128xf32, #tpu.memory_space<hbm>>) dst(%dma_wait3A_20 : memref<632x128xf32, #tpu.memory_space<vmem_shared>>)
      tpu.yield
    }) : () -> ()
    %barrier3A = arith.constant 0 : index
    tpu.barrier barrier_id(%barrier3A)
    %mul3A_5 = arith.constant 10112 : i32
    %mul3A_6 = arith.muli %add3A, %mul3A_5 : i32
    %scan3A = arith.constant 0 : i32
    %scan3A_7 = arith.constant 0 : i32
    %scan3A_8 = arith.constant 79 : i32
    %scan3A_9 = arith.addi %scan3A_7, %scan3A_8 : i32
    %scan3A_10 = arith.constant 1 : i32
    scf.for %scan3A_17 = %scan3A_7 to %scan3A_9 step %scan3A_10  : i32 {
      %mul3A_18 = arith.constant 128 : i32
      %mul3A_19 = arith.muli %scan3A_17, %mul3A_18 : i32
      %add3A_20 = arith.addi %mul3A_6, %mul3A_19 : i32
      %multiple_of3A = tpu.assume_multiple %add3A_20, 8 : i32
      "tpu.region"() ({
        %run_scoped3A = tpu.sem_alloc : memref<!tpu.dma_semaphore, #tpu.memory_space<semaphore_mem>>
        %dma_start3A_25 = tpu.memref_slice %arg3[%multiple_of3A] : memref<323584xi32, #tpu.memory_space<hbm>> -> memref<128xi32, #tpu.memory_space<hbm>>
        %dma_start3A_26 = tpu.memref_slice %arg3[%multiple_of3A] : memref<323584xi32, #tpu.memory_space<hbm>> -> memref<128xi32, #tpu.memory_space<hbm>>
        tpu.enqueue_dma source(%dma_start3A_26 : memref<128xi32, #tpu.memory_space<hbm>>) target(%arg7 : memref<128xi32, #tpu.memory_space<vmem>>) target_semaphore(%run_scoped3A : memref<!tpu.dma_semaphore, #tpu.memory_space<semaphore_mem>>)
        %dma_wait3A_27 = tpu.memref_slice %arg3[%multiple_of3A] : memref<323584xi32, #tpu.memory_space<hbm>> -> memref<128xi32, #tpu.memory_space<hbm>>
        %dma_wait3A_28 = tpu.memref_slice %arg3[%multiple_of3A] : memref<323584xi32, #tpu.memory_space<hbm>> -> memref<128xi32, #tpu.memory_space<hbm>>
        tpu.wait_dma2 semaphore(%run_scoped3A : memref<!tpu.dma_semaphore, #tpu.memory_space<semaphore_mem>>) src(%dma_wait3A_28 : memref<128xi32, #tpu.memory_space<hbm>>) dst(%arg7 : memref<128xi32, #tpu.memory_space<vmem>>)
        tpu.yield
      }) : () -> ()
      %dma_start3A = arith.constant 0 : i32
      %dma_start3A_21 = arith.constant 0 : i32
      %dma_start3A_22 = tpu.memref_slice %arg2[%dma_start3A, %dma_start3A_21] : memref<30000x128xf32, #tpu.memory_space<hbm>> -> memref<30000x128xf32, #tpu.memory_space<hbm>>
      tpu.enqueue_indirect_dma source(%dma_start3A_22 : memref<30000x128xf32, #tpu.memory_space<hbm>>) target(%arg9 : memref<128x128xf32, #tpu.memory_space<vmem>>) offsets(%arg7 : memref<128xi32, #tpu.memory_space<vmem>>) semaphore(%arg11 : memref<!tpu.dma_semaphore, #tpu.memory_space<semaphore_mem>>)
      %dma_wait3A = arith.constant 0 : i32
      %dma_wait3A_23 = arith.constant 0 : i32
      %dma_wait3A_24 = tpu.memref_slice %arg2[%dma_wait3A, %dma_wait3A_23] : memref<30000x128xf32, #tpu.memory_space<hbm>> -> memref<30000x128xf32, #tpu.memory_space<hbm>>
      tpu.wait_indirect_dma semaphore(%arg11 : memref<!tpu.dma_semaphore, #tpu.memory_space<semaphore_mem>>) src(%dma_wait3A_24 : memref<30000x128xf32, #tpu.memory_space<hbm>>) dst(%arg9 : memref<128x128xf32, #tpu.memory_space<vmem>>)
      "tpu.region"() ({
        %run_scoped3A = tpu.sem_alloc : memref<!tpu.dma_semaphore, #tpu.memory_space<semaphore_mem>>
        %dma_start3A_25 = tpu.memref_slice %arg4[%multiple_of3A] : memref<323584xi32, #tpu.memory_space<hbm>> -> memref<128xi32, #tpu.memory_space<hbm>>
        %dma_start3A_26 = tpu.memref_slice %arg4[%multiple_of3A] : memref<323584xi32, #tpu.memory_space<hbm>> -> memref<128xi32, #tpu.memory_space<hbm>>
        tpu.enqueue_dma source(%dma_start3A_26 : memref<128xi32, #tpu.memory_space<hbm>>) target(%arg8 : memref<128xi32, #tpu.memory_space<vmem>>) target_semaphore(%run_scoped3A : memref<!tpu.dma_semaphore, #tpu.memory_space<semaphore_mem>>)
        %dma_wait3A_27 = tpu.memref_slice %arg4[%multiple_of3A] : memref<323584xi32, #tpu.memory_space<hbm>> -> memref<128xi32, #tpu.memory_space<hbm>>
        %dma_wait3A_28 = tpu.memref_slice %arg4[%multiple_of3A] : memref<323584xi32, #tpu.memory_space<hbm>> -> memref<128xi32, #tpu.memory_space<hbm>>
        tpu.wait_dma2 semaphore(%run_scoped3A : memref<!tpu.dma_semaphore, #tpu.memory_space<semaphore_mem>>) src(%dma_wait3A_28 : memref<128xi32, #tpu.memory_space<hbm>>) dst(%arg8 : memref<128xi32, #tpu.memory_space<vmem>>)
        tpu.yield
      }) : () -> ()
      "tpu.region"() ({
        %run_scoped3A = tpu.sem_alloc : memref<!tpu.dma_semaphore, #tpu.memory_space<semaphore_mem>>
        %dma_start3A_25 = arith.constant 0 : i32
        %dma_start3A_26 = arith.constant 0 : i32
        %dma_start3A_27 = tpu.memref_slice %arg10[%dma_start3A_25, %dma_start3A_26] : memref<10112x128xf32, #tpu.memory_space<vmem_shared>> -> memref<10112x128xf32, #tpu.memory_space<vmem_shared>>
        tpu.enqueue_indirect_dma source(%arg9 : memref<128x128xf32, #tpu.memory_space<vmem>>) target(%dma_start3A_27 : memref<10112x128xf32, #tpu.memory_space<vmem_shared>>) offsets(%arg8 : memref<128xi32, #tpu.memory_space<vmem>>) semaphore(%run_scoped3A : memref<!tpu.dma_semaphore, #tpu.memory_space<semaphore_mem>>) {add = true}
        %dma_wait3A_28 = arith.constant 0 : i32
        %dma_wait3A_29 = arith.constant 0 : i32
        %dma_wait3A_30 = tpu.memref_slice %arg10[%dma_wait3A_28, %dma_wait3A_29] : memref<10112x128xf32, #tpu.memory_space<vmem_shared>> -> memref<10112x128xf32, #tpu.memory_space<vmem_shared>>
        tpu.wait_indirect_dma semaphore(%run_scoped3A : memref<!tpu.dma_semaphore, #tpu.memory_space<semaphore_mem>>) src(%arg9 : memref<128x128xf32, #tpu.memory_space<vmem>>) dst(%dma_wait3A_30 : memref<10112x128xf32, #tpu.memory_space<vmem_shared>>)
        tpu.yield
      }) : () -> ()
    }
    %scan3A_11 = arith.constant 79 : i32
    %barrier3A_12 = arith.constant 0 : index
    tpu.barrier barrier_id(%barrier3A_12)
    %mul3A_13 = arith.constant 632 : i32
    %mul3A_14 = arith.muli %arg1, %mul3A_13 : i32
    %mul3A_15 = arith.constant 632 : i32
    %mul3A_16 = arith.muli %arg1, %mul3A_15 : i32
    "tpu.region"() ({
      %run_scoped3A = tpu.sem_alloc : memref<!tpu.dma_semaphore, #tpu.memory_space<semaphore_mem>>
      %dma_start3A = arith.constant 0 : i32
      %dma_start3A_17 = arith.constant 0 : i32
      %dma_start3A_18 = tpu.memref_slice %arg6[%arg0, %dma_start3A, %dma_start3A_17] : memref<2x10112x128xf32, #tpu.memory_space<hbm>> -> memref<1x10112x128xf32, #tpu.memory_space<hbm>>
      %dma_start3A_19 = tpu.memref_squeeze %dma_start3A_18 : memref<1x10112x128xf32, #tpu.memory_space<hbm>> -> memref<10112x128xf32, #tpu.memory_space<hbm>>
      %dma_start3A_20 = arith.constant 0 : i32
      %dma_start3A_21 = tpu.memref_slice %dma_start3A_19[%mul3A_16, %dma_start3A_20] : memref<10112x128xf32, #tpu.memory_space<hbm>> -> memref<632x128xf32, #tpu.memory_space<hbm>>
      %dma_start3A_22 = arith.constant 0 : i32
      %dma_start3A_23 = tpu.memref_slice %arg10[%mul3A_14, %dma_start3A_22] : memref<10112x128xf32, #tpu.memory_space<vmem_shared>> -> memref<632x128xf32, #tpu.memory_space<vmem_shared>>
      tpu.enqueue_dma source(%dma_start3A_23 : memref<632x128xf32, #tpu.memory_space<vmem_shared>>) target(%dma_start3A_21 : memref<632x128xf32, #tpu.memory_space<hbm>>) target_semaphore(%run_scoped3A : memref<!tpu.dma_semaphore, #tpu.memory_space<semaphore_mem>>)
      %dma_wait3A = arith.constant 0 : i32
      %dma_wait3A_24 = arith.constant 0 : i32
      %dma_wait3A_25 = tpu.memref_slice %arg6[%arg0, %dma_wait3A, %dma_wait3A_24] : memref<2x10112x128xf32, #tpu.memory_space<hbm>> -> memref<1x10112x128xf32, #tpu.memory_space<hbm>>
      %dma_wait3A_26 = tpu.memref_squeeze %dma_wait3A_25 : memref<1x10112x128xf32, #tpu.memory_space<hbm>> -> memref<10112x128xf32, #tpu.memory_space<hbm>>
      %dma_wait3A_27 = arith.constant 0 : i32
      %dma_wait3A_28 = tpu.memref_slice %dma_wait3A_26[%mul3A_16, %dma_wait3A_27] : memref<10112x128xf32, #tpu.memory_space<hbm>> -> memref<632x128xf32, #tpu.memory_space<hbm>>
      %dma_wait3A_29 = arith.constant 0 : i32
      %dma_wait3A_30 = tpu.memref_slice %arg10[%mul3A_14, %dma_wait3A_29] : memref<10112x128xf32, #tpu.memory_space<vmem_shared>> -> memref<632x128xf32, #tpu.memory_space<vmem_shared>>
      tpu.wait_dma2 semaphore(%run_scoped3A : memref<!tpu.dma_semaphore, #tpu.memory_space<semaphore_mem>>) src(%dma_wait3A_30 : memref<632x128xf32, #tpu.memory_space<vmem_shared>>) dst(%dma_wait3A_28 : memref<632x128xf32, #tpu.memory_space<hbm>>)
      tpu.yield
    }) : () -> ()
    return
  }
}

#map = affine_map<(d0, d1) -> (0, 0)>
#map1 = affine_map<(d0, d1) -> (0)>
#map2 = affine_map<(d0, d1) -> (0, 0, 0)>
module attributes {stable_mosaic.version = 14 : i64} {
  func.func @_sc_agg_body(%arg0: i32, %arg1: i32, %arg2: memref<30000x128xf32, #tpu.memory_space<hbm>>, %arg3: memref<323584xi32, #tpu.memory_space<hbm>>, %arg4: memref<323584xi32, #tpu.memory_space<hbm>>, %arg5: memref<10112x128xf32, #tpu.memory_space<hbm>>, %arg6: memref<2x10112x128xf32, #tpu.memory_space<hbm>>, %arg7: memref<128xi32, #tpu.memory_space<vmem>>, %arg8: memref<128xi32, #tpu.memory_space<vmem>>, %arg9: memref<128x128xf32, #tpu.memory_space<vmem>>, %arg10: memref<10112x128xf32, #tpu.memory_space<vmem_shared>>, %arg11: memref<!tpu.dma_semaphore, #tpu.memory_space<semaphore_mem>>) attributes {dimension_semantics = [#tpu.dimension_semantics<core_parallel>, #tpu.dimension_semantics<subcore_parallel>], iteration_bounds = array<i64: 2, 16>, scalar_prefetch = 0 : i64, scratch_operands = 5 : i64, tpu.core_type = #tpu.core_type<sc_vector_subcore>, window_params = [{transform_indices = #map}, {transform_indices = #map1}, {transform_indices = #map1}, {transform_indices = #map}, {transform_indices = #map2}]} {
    %mul3A = arith.constant 16 : i32
    %mul3A_0 = arith.muli %arg0, %mul3A : i32
    %add3A = arith.addi %mul3A_0, %arg1 : i32
    %mul3A_1 = arith.constant 632 : i32
    %mul3A_2 = arith.muli %arg1, %mul3A_1 : i32
    %mul3A_3 = arith.constant 632 : i32
    %mul3A_4 = arith.muli %arg1, %mul3A_3 : i32
    "tpu.region"() ({
      %run_scoped3A = tpu.sem_alloc : memref<!tpu.dma_semaphore, #tpu.memory_space<semaphore_mem>>
      %dma_start3A = arith.constant 0 : i32
      %dma_start3A_17 = tpu.memref_slice %arg10[%mul3A_4, %dma_start3A] : memref<10112x128xf32, #tpu.memory_space<vmem_shared>> -> memref<632x128xf32, #tpu.memory_space<vmem_shared>>
      %dma_start3A_18 = arith.constant 0 : i32
      %dma_start3A_19 = tpu.memref_slice %arg5[%mul3A_2, %dma_start3A_18] : memref<10112x128xf32, #tpu.memory_space<hbm>> -> memref<632x128xf32, #tpu.memory_space<hbm>>
      tpu.enqueue_dma source(%dma_start3A_19 : memref<632x128xf32, #tpu.memory_space<hbm>>) target(%dma_start3A_17 : memref<632x128xf32, #tpu.memory_space<vmem_shared>>) target_semaphore(%run_scoped3A : memref<!tpu.dma_semaphore, #tpu.memory_space<semaphore_mem>>)
      %dma_wait3A = arith.constant 0 : i32
      %dma_wait3A_20 = tpu.memref_slice %arg10[%mul3A_4, %dma_wait3A] : memref<10112x128xf32, #tpu.memory_space<vmem_shared>> -> memref<632x128xf32, #tpu.memory_space<vmem_shared>>
      %dma_wait3A_21 = arith.constant 0 : i32
      %dma_wait3A_22 = tpu.memref_slice %arg5[%mul3A_2, %dma_wait3A_21] : memref<10112x128xf32, #tpu.memory_space<hbm>> -> memref<632x128xf32, #tpu.memory_space<hbm>>
      tpu.wait_dma2 semaphore(%run_scoped3A : memref<!tpu.dma_semaphore, #tpu.memory_space<semaphore_mem>>) src(%dma_wait3A_22 : memref<632x128xf32, #tpu.memory_space<hbm>>) dst(%dma_wait3A_20 : memref<632x128xf32, #tpu.memory_space<vmem_shared>>)
      tpu.yield
    }) : () -> ()
    %barrier3A = arith.constant 0 : index
    tpu.barrier barrier_id(%barrier3A)
    %mul3A_5 = arith.constant 10112 : i32
    %mul3A_6 = arith.muli %add3A, %mul3A_5 : i32
    %scan3A = arith.constant 0 : i32
    %scan3A_7 = arith.constant 0 : i32
    %scan3A_8 = arith.constant 79 : i32
    %scan3A_9 = arith.addi %scan3A_7, %scan3A_8 : i32
    %scan3A_10 = arith.constant 1 : i32
    scf.for %scan3A_17 = %scan3A_7 to %scan3A_9 step %scan3A_10  : i32 {
      %mul3A_18 = arith.constant 128 : i32
      %mul3A_19 = arith.muli %scan3A_17, %mul3A_18 : i32
      %add3A_20 = arith.addi %mul3A_6, %mul3A_19 : i32
      %multiple_of3A = tpu.assume_multiple %add3A_20, 8 : i32
      "tpu.region"() ({
        %run_scoped3A = tpu.sem_alloc : memref<!tpu.dma_semaphore, #tpu.memory_space<semaphore_mem>>
        %dma_start3A_25 = tpu.memref_slice %arg3[%multiple_of3A] : memref<323584xi32, #tpu.memory_space<hbm>> -> memref<128xi32, #tpu.memory_space<hbm>>
        %dma_start3A_26 = tpu.memref_slice %arg3[%multiple_of3A] : memref<323584xi32, #tpu.memory_space<hbm>> -> memref<128xi32, #tpu.memory_space<hbm>>
        tpu.enqueue_dma source(%dma_start3A_26 : memref<128xi32, #tpu.memory_space<hbm>>) target(%arg7 : memref<128xi32, #tpu.memory_space<vmem>>) target_semaphore(%run_scoped3A : memref<!tpu.dma_semaphore, #tpu.memory_space<semaphore_mem>>)
        %dma_wait3A_27 = tpu.memref_slice %arg3[%multiple_of3A] : memref<323584xi32, #tpu.memory_space<hbm>> -> memref<128xi32, #tpu.memory_space<hbm>>
        %dma_wait3A_28 = tpu.memref_slice %arg3[%multiple_of3A] : memref<323584xi32, #tpu.memory_space<hbm>> -> memref<128xi32, #tpu.memory_space<hbm>>
        tpu.wait_dma2 semaphore(%run_scoped3A : memref<!tpu.dma_semaphore, #tpu.memory_space<semaphore_mem>>) src(%dma_wait3A_28 : memref<128xi32, #tpu.memory_space<hbm>>) dst(%arg7 : memref<128xi32, #tpu.memory_space<vmem>>)
        tpu.yield
      }) : () -> ()
      %dma_start3A = arith.constant 0 : i32
      %dma_start3A_21 = arith.constant 0 : i32
      %dma_start3A_22 = tpu.memref_slice %arg2[%dma_start3A, %dma_start3A_21] : memref<30000x128xf32, #tpu.memory_space<hbm>> -> memref<30000x128xf32, #tpu.memory_space<hbm>>
      tpu.enqueue_indirect_dma source(%dma_start3A_22 : memref<30000x128xf32, #tpu.memory_space<hbm>>) target(%arg9 : memref<128x128xf32, #tpu.memory_space<vmem>>) offsets(%arg7 : memref<128xi32, #tpu.memory_space<vmem>>) semaphore(%arg11 : memref<!tpu.dma_semaphore, #tpu.memory_space<semaphore_mem>>)
      %dma_wait3A = arith.constant 0 : i32
      %dma_wait3A_23 = arith.constant 0 : i32
      %dma_wait3A_24 = tpu.memref_slice %arg2[%dma_wait3A, %dma_wait3A_23] : memref<30000x128xf32, #tpu.memory_space<hbm>> -> memref<30000x128xf32, #tpu.memory_space<hbm>>
      tpu.wait_indirect_dma semaphore(%arg11 : memref<!tpu.dma_semaphore, #tpu.memory_space<semaphore_mem>>) src(%dma_wait3A_24 : memref<30000x128xf32, #tpu.memory_space<hbm>>) dst(%arg9 : memref<128x128xf32, #tpu.memory_space<vmem>>)
      "tpu.region"() ({
        %run_scoped3A = tpu.sem_alloc : memref<!tpu.dma_semaphore, #tpu.memory_space<semaphore_mem>>
        %dma_start3A_25 = tpu.memref_slice %arg4[%multiple_of3A] : memref<323584xi32, #tpu.memory_space<hbm>> -> memref<128xi32, #tpu.memory_space<hbm>>
        %dma_start3A_26 = tpu.memref_slice %arg4[%multiple_of3A] : memref<323584xi32, #tpu.memory_space<hbm>> -> memref<128xi32, #tpu.memory_space<hbm>>
        tpu.enqueue_dma source(%dma_start3A_26 : memref<128xi32, #tpu.memory_space<hbm>>) target(%arg8 : memref<128xi32, #tpu.memory_space<vmem>>) target_semaphore(%run_scoped3A : memref<!tpu.dma_semaphore, #tpu.memory_space<semaphore_mem>>)
        %dma_wait3A_27 = tpu.memref_slice %arg4[%multiple_of3A] : memref<323584xi32, #tpu.memory_space<hbm>> -> memref<128xi32, #tpu.memory_space<hbm>>
        %dma_wait3A_28 = tpu.memref_slice %arg4[%multiple_of3A] : memref<323584xi32, #tpu.memory_space<hbm>> -> memref<128xi32, #tpu.memory_space<hbm>>
        tpu.wait_dma2 semaphore(%run_scoped3A : memref<!tpu.dma_semaphore, #tpu.memory_space<semaphore_mem>>) src(%dma_wait3A_28 : memref<128xi32, #tpu.memory_space<hbm>>) dst(%arg8 : memref<128xi32, #tpu.memory_space<vmem>>)
        tpu.yield
      }) : () -> ()
      "tpu.region"() ({
        %run_scoped3A = tpu.sem_alloc : memref<!tpu.dma_semaphore, #tpu.memory_space<semaphore_mem>>
        %dma_start3A_25 = arith.constant 0 : i32
        %dma_start3A_26 = arith.constant 0 : i32
        %dma_start3A_27 = tpu.memref_slice %arg10[%dma_start3A_25, %dma_start3A_26] : memref<10112x128xf32, #tpu.memory_space<vmem_shared>> -> memref<10112x128xf32, #tpu.memory_space<vmem_shared>>
        tpu.enqueue_indirect_dma source(%arg9 : memref<128x128xf32, #tpu.memory_space<vmem>>) target(%dma_start3A_27 : memref<10112x128xf32, #tpu.memory_space<vmem_shared>>) offsets(%arg8 : memref<128xi32, #tpu.memory_space<vmem>>) semaphore(%run_scoped3A : memref<!tpu.dma_semaphore, #tpu.memory_space<semaphore_mem>>) {add = true}
        %dma_wait3A_28 = arith.constant 0 : i32
        %dma_wait3A_29 = arith.constant 0 : i32
        %dma_wait3A_30 = tpu.memref_slice %arg10[%dma_wait3A_28, %dma_wait3A_29] : memref<10112x128xf32, #tpu.memory_space<vmem_shared>> -> memref<10112x128xf32, #tpu.memory_space<vmem_shared>>
        tpu.wait_indirect_dma semaphore(%run_scoped3A : memref<!tpu.dma_semaphore, #tpu.memory_space<semaphore_mem>>) src(%arg9 : memref<128x128xf32, #tpu.memory_space<vmem>>) dst(%dma_wait3A_30 : memref<10112x128xf32, #tpu.memory_space<vmem_shared>>)
        tpu.yield
      }) : () -> ()
    }
    %scan3A_11 = arith.constant 79 : i32
    %barrier3A_12 = arith.constant 0 : index
    tpu.barrier barrier_id(%barrier3A_12)
    %mul3A_13 = arith.constant 632 : i32
    %mul3A_14 = arith.muli %arg1, %mul3A_13 : i32
    %mul3A_15 = arith.constant 632 : i32
    %mul3A_16 = arith.muli %arg1, %mul3A_15 : i32
    "tpu.region"() ({
      %run_scoped3A = tpu.sem_alloc : memref<!tpu.dma_semaphore, #tpu.memory_space<semaphore_mem>>
      %dma_start3A = arith.constant 0 : i32
      %dma_start3A_17 = arith.constant 0 : i32
      %dma_start3A_18 = tpu.memref_slice %arg6[%arg0, %dma_start3A, %dma_start3A_17] : memref<2x10112x128xf32, #tpu.memory_space<hbm>> -> memref<1x10112x128xf32, #tpu.memory_space<hbm>>
      %dma_start3A_19 = tpu.memref_squeeze %dma_start3A_18 : memref<1x10112x128xf32, #tpu.memory_space<hbm>> -> memref<10112x128xf32, #tpu.memory_space<hbm>>
      %dma_start3A_20 = arith.constant 0 : i32
      %dma_start3A_21 = tpu.memref_slice %dma_start3A_19[%mul3A_16, %dma_start3A_20] : memref<10112x128xf32, #tpu.memory_space<hbm>> -> memref<632x128xf32, #tpu.memory_space<hbm>>
      %dma_start3A_22 = arith.constant 0 : i32
      %dma_start3A_23 = tpu.memref_slice %arg10[%mul3A_14, %dma_start3A_22] : memref<10112x128xf32, #tpu.memory_space<vmem_shared>> -> memref<632x128xf32, #tpu.memory_space<vmem_shared>>
      tpu.enqueue_dma source(%dma_start3A_23 : memref<632x128xf32, #tpu.memory_space<vmem_shared>>) target(%dma_start3A_21 : memref<632x128xf32, #tpu.memory_space<hbm>>) target_semaphore(%run_scoped3A : memref<!tpu.dma_semaphore, #tpu.memory_space<semaphore_mem>>)
      %dma_wait3A = arith.constant 0 : i32
      %dma_wait3A_24 = arith.constant 0 : i32
      %dma_wait3A_25 = tpu.memref_slice %arg6[%arg0, %dma_wait3A, %dma_wait3A_24] : memref<2x10112x128xf32, #tpu.memory_space<hbm>> -> memref<1x10112x128xf32, #tpu.memory_space<hbm>>
      %dma_wait3A_26 = tpu.memref_squeeze %dma_wait3A_25 : memref<1x10112x128xf32, #tpu.memory_space<hbm>> -> memref<10112x128xf32, #tpu.memory_space<hbm>>
      %dma_wait3A_27 = arith.constant 0 : i32
      %dma_wait3A_28 = tpu.memref_slice %dma_wait3A_26[%mul3A_16, %dma_wait3A_27] : memref<10112x128xf32, #tpu.memory_space<hbm>> -> memref<632x128xf32, #tpu.memory_space<hbm>>
      %dma_wait3A_29 = arith.constant 0 : i32
      %dma_wait3A_30 = tpu.memref_slice %arg10[%mul3A_14, %dma_wait3A_29] : memref<10112x128xf32, #tpu.memory_space<vmem_shared>> -> memref<632x128xf32, #tpu.memory_space<vmem_shared>>
      tpu.wait_dma2 semaphore(%run_scoped3A : memref<!tpu.dma_semaphore, #tpu.memory_space<semaphore_mem>>) src(%dma_wait3A_30 : memref<632x128xf32, #tpu.memory_space<vmem_shared>>) dst(%dma_wait3A_28 : memref<632x128xf32, #tpu.memory_space<hbm>>)
      tpu.yield
    }) : () -> ()
    return
  }
}

#map = affine_map<(d0, d1) -> (0, 0)>
#map1 = affine_map<(d0, d1) -> (0)>
#map2 = affine_map<(d0, d1) -> (0, 0, 0)>
module attributes {stable_mosaic.version = 14 : i64} {
  func.func @_sc_agg_body(%arg0: i32, %arg1: i32, %arg2: memref<30000x128xf32, #tpu.memory_space<hbm>>, %arg3: memref<323584xi32, #tpu.memory_space<hbm>>, %arg4: memref<323584xi32, #tpu.memory_space<hbm>>, %arg5: memref<10112x128xf32, #tpu.memory_space<hbm>>, %arg6: memref<2x10112x128xf32, #tpu.memory_space<hbm>>, %arg7: memref<128xi32, #tpu.memory_space<vmem>>, %arg8: memref<128xi32, #tpu.memory_space<vmem>>, %arg9: memref<128x128xf32, #tpu.memory_space<vmem>>, %arg10: memref<10112x128xf32, #tpu.memory_space<vmem_shared>>, %arg11: memref<!tpu.dma_semaphore, #tpu.memory_space<semaphore_mem>>) attributes {dimension_semantics = [#tpu.dimension_semantics<core_parallel>, #tpu.dimension_semantics<subcore_parallel>], iteration_bounds = array<i64: 2, 16>, scalar_prefetch = 0 : i64, scratch_operands = 5 : i64, tpu.core_type = #tpu.core_type<sc_vector_subcore>, window_params = [{transform_indices = #map}, {transform_indices = #map1}, {transform_indices = #map1}, {transform_indices = #map}, {transform_indices = #map2}]} {
    %mul3A = arith.constant 16 : i32
    %mul3A_0 = arith.muli %arg0, %mul3A : i32
    %add3A = arith.addi %mul3A_0, %arg1 : i32
    %mul3A_1 = arith.constant 632 : i32
    %mul3A_2 = arith.muli %arg1, %mul3A_1 : i32
    %mul3A_3 = arith.constant 632 : i32
    %mul3A_4 = arith.muli %arg1, %mul3A_3 : i32
    "tpu.region"() ({
      %run_scoped3A = tpu.sem_alloc : memref<!tpu.dma_semaphore, #tpu.memory_space<semaphore_mem>>
      %dma_start3A = arith.constant 0 : i32
      %dma_start3A_17 = tpu.memref_slice %arg10[%mul3A_4, %dma_start3A] : memref<10112x128xf32, #tpu.memory_space<vmem_shared>> -> memref<632x128xf32, #tpu.memory_space<vmem_shared>>
      %dma_start3A_18 = arith.constant 0 : i32
      %dma_start3A_19 = tpu.memref_slice %arg5[%mul3A_2, %dma_start3A_18] : memref<10112x128xf32, #tpu.memory_space<hbm>> -> memref<632x128xf32, #tpu.memory_space<hbm>>
      tpu.enqueue_dma source(%dma_start3A_19 : memref<632x128xf32, #tpu.memory_space<hbm>>) target(%dma_start3A_17 : memref<632x128xf32, #tpu.memory_space<vmem_shared>>) target_semaphore(%run_scoped3A : memref<!tpu.dma_semaphore, #tpu.memory_space<semaphore_mem>>)
      %dma_wait3A = arith.constant 0 : i32
      %dma_wait3A_20 = tpu.memref_slice %arg10[%mul3A_4, %dma_wait3A] : memref<10112x128xf32, #tpu.memory_space<vmem_shared>> -> memref<632x128xf32, #tpu.memory_space<vmem_shared>>
      %dma_wait3A_21 = arith.constant 0 : i32
      %dma_wait3A_22 = tpu.memref_slice %arg5[%mul3A_2, %dma_wait3A_21] : memref<10112x128xf32, #tpu.memory_space<hbm>> -> memref<632x128xf32, #tpu.memory_space<hbm>>
      tpu.wait_dma2 semaphore(%run_scoped3A : memref<!tpu.dma_semaphore, #tpu.memory_space<semaphore_mem>>) src(%dma_wait3A_22 : memref<632x128xf32, #tpu.memory_space<hbm>>) dst(%dma_wait3A_20 : memref<632x128xf32, #tpu.memory_space<vmem_shared>>)
      tpu.yield
    }) : () -> ()
    %barrier3A = arith.constant 0 : index
    tpu.barrier barrier_id(%barrier3A)
    %mul3A_5 = arith.constant 10112 : i32
    %mul3A_6 = arith.muli %add3A, %mul3A_5 : i32
    %scan3A = arith.constant 0 : i32
    %scan3A_7 = arith.constant 0 : i32
    %scan3A_8 = arith.constant 79 : i32
    %scan3A_9 = arith.addi %scan3A_7, %scan3A_8 : i32
    %scan3A_10 = arith.constant 1 : i32
    scf.for %scan3A_17 = %scan3A_7 to %scan3A_9 step %scan3A_10  : i32 {
      %mul3A_18 = arith.constant 128 : i32
      %mul3A_19 = arith.muli %scan3A_17, %mul3A_18 : i32
      %add3A_20 = arith.addi %mul3A_6, %mul3A_19 : i32
      %multiple_of3A = tpu.assume_multiple %add3A_20, 8 : i32
      "tpu.region"() ({
        %run_scoped3A = tpu.sem_alloc : memref<!tpu.dma_semaphore, #tpu.memory_space<semaphore_mem>>
        %dma_start3A_25 = tpu.memref_slice %arg3[%multiple_of3A] : memref<323584xi32, #tpu.memory_space<hbm>> -> memref<128xi32, #tpu.memory_space<hbm>>
        %dma_start3A_26 = tpu.memref_slice %arg3[%multiple_of3A] : memref<323584xi32, #tpu.memory_space<hbm>> -> memref<128xi32, #tpu.memory_space<hbm>>
        tpu.enqueue_dma source(%dma_start3A_26 : memref<128xi32, #tpu.memory_space<hbm>>) target(%arg7 : memref<128xi32, #tpu.memory_space<vmem>>) target_semaphore(%run_scoped3A : memref<!tpu.dma_semaphore, #tpu.memory_space<semaphore_mem>>)
        %dma_wait3A_27 = tpu.memref_slice %arg3[%multiple_of3A] : memref<323584xi32, #tpu.memory_space<hbm>> -> memref<128xi32, #tpu.memory_space<hbm>>
        %dma_wait3A_28 = tpu.memref_slice %arg3[%multiple_of3A] : memref<323584xi32, #tpu.memory_space<hbm>> -> memref<128xi32, #tpu.memory_space<hbm>>
        tpu.wait_dma2 semaphore(%run_scoped3A : memref<!tpu.dma_semaphore, #tpu.memory_space<semaphore_mem>>) src(%dma_wait3A_28 : memref<128xi32, #tpu.memory_space<hbm>>) dst(%arg7 : memref<128xi32, #tpu.memory_space<vmem>>)
        tpu.yield
      }) : () -> ()
      %dma_start3A = arith.constant 0 : i32
      %dma_start3A_21 = arith.constant 0 : i32
      %dma_start3A_22 = tpu.memref_slice %arg2[%dma_start3A, %dma_start3A_21] : memref<30000x128xf32, #tpu.memory_space<hbm>> -> memref<30000x128xf32, #tpu.memory_space<hbm>>
      tpu.enqueue_indirect_dma source(%dma_start3A_22 : memref<30000x128xf32, #tpu.memory_space<hbm>>) target(%arg9 : memref<128x128xf32, #tpu.memory_space<vmem>>) offsets(%arg7 : memref<128xi32, #tpu.memory_space<vmem>>) semaphore(%arg11 : memref<!tpu.dma_semaphore, #tpu.memory_space<semaphore_mem>>)
      %dma_wait3A = arith.constant 0 : i32
      %dma_wait3A_23 = arith.constant 0 : i32
      %dma_wait3A_24 = tpu.memref_slice %arg2[%dma_wait3A, %dma_wait3A_23] : memref<30000x128xf32, #tpu.memory_space<hbm>> -> memref<30000x128xf32, #tpu.memory_space<hbm>>
      tpu.wait_indirect_dma semaphore(%arg11 : memref<!tpu.dma_semaphore, #tpu.memory_space<semaphore_mem>>) src(%dma_wait3A_24 : memref<30000x128xf32, #tpu.memory_space<hbm>>) dst(%arg9 : memref<128x128xf32, #tpu.memory_space<vmem>>)
      "tpu.region"() ({
        %run_scoped3A = tpu.sem_alloc : memref<!tpu.dma_semaphore, #tpu.memory_space<semaphore_mem>>
        %dma_start3A_25 = tpu.memref_slice %arg4[%multiple_of3A] : memref<323584xi32, #tpu.memory_space<hbm>> -> memref<128xi32, #tpu.memory_space<hbm>>
        %dma_start3A_26 = tpu.memref_slice %arg4[%multiple_of3A] : memref<323584xi32, #tpu.memory_space<hbm>> -> memref<128xi32, #tpu.memory_space<hbm>>
        tpu.enqueue_dma source(%dma_start3A_26 : memref<128xi32, #tpu.memory_space<hbm>>) target(%arg8 : memref<128xi32, #tpu.memory_space<vmem>>) target_semaphore(%run_scoped3A : memref<!tpu.dma_semaphore, #tpu.memory_space<semaphore_mem>>)
        %dma_wait3A_27 = tpu.memref_slice %arg4[%multiple_of3A] : memref<323584xi32, #tpu.memory_space<hbm>> -> memref<128xi32, #tpu.memory_space<hbm>>
        %dma_wait3A_28 = tpu.memref_slice %arg4[%multiple_of3A] : memref<323584xi32, #tpu.memory_space<hbm>> -> memref<128xi32, #tpu.memory_space<hbm>>
        tpu.wait_dma2 semaphore(%run_scoped3A : memref<!tpu.dma_semaphore, #tpu.memory_space<semaphore_mem>>) src(%dma_wait3A_28 : memref<128xi32, #tpu.memory_space<hbm>>) dst(%arg8 : memref<128xi32, #tpu.memory_space<vmem>>)
        tpu.yield
      }) : () -> ()
      "tpu.region"() ({
        %run_scoped3A = tpu.sem_alloc : memref<!tpu.dma_semaphore, #tpu.memory_space<semaphore_mem>>
        %dma_start3A_25 = arith.constant 0 : i32
        %dma_start3A_26 = arith.constant 0 : i32
        %dma_start3A_27 = tpu.memref_slice %arg10[%dma_start3A_25, %dma_start3A_26] : memref<10112x128xf32, #tpu.memory_space<vmem_shared>> -> memref<10112x128xf32, #tpu.memory_space<vmem_shared>>
        tpu.enqueue_indirect_dma source(%arg9 : memref<128x128xf32, #tpu.memory_space<vmem>>) target(%dma_start3A_27 : memref<10112x128xf32, #tpu.memory_space<vmem_shared>>) offsets(%arg8 : memref<128xi32, #tpu.memory_space<vmem>>) semaphore(%run_scoped3A : memref<!tpu.dma_semaphore, #tpu.memory_space<semaphore_mem>>) {add = true}
        %dma_wait3A_28 = arith.constant 0 : i32
        %dma_wait3A_29 = arith.constant 0 : i32
        %dma_wait3A_30 = tpu.memref_slice %arg10[%dma_wait3A_28, %dma_wait3A_29] : memref<10112x128xf32, #tpu.memory_space<vmem_shared>> -> memref<10112x128xf32, #tpu.memory_space<vmem_shared>>
        tpu.wait_indirect_dma semaphore(%run_scoped3A : memref<!tpu.dma_semaphore, #tpu.memory_space<semaphore_mem>>) src(%arg9 : memref<128x128xf32, #tpu.memory_space<vmem>>) dst(%dma_wait3A_30 : memref<10112x128xf32, #tpu.memory_space<vmem_shared>>)
        tpu.yield
      }) : () -> ()
    }
    %scan3A_11 = arith.constant 79 : i32
    %barrier3A_12 = arith.constant 0 : index
    tpu.barrier barrier_id(%barrier3A_12)
    %mul3A_13 = arith.constant 632 : i32
    %mul3A_14 = arith.muli %arg1, %mul3A_13 : i32
    %mul3A_15 = arith.constant 632 : i32
    %mul3A_16 = arith.muli %arg1, %mul3A_15 : i32
    "tpu.region"() ({
      %run_scoped3A = tpu.sem_alloc : memref<!tpu.dma_semaphore, #tpu.memory_space<semaphore_mem>>
      %dma_start3A = arith.constant 0 : i32
      %dma_start3A_17 = arith.constant 0 : i32
      %dma_start3A_18 = tpu.memref_slice %arg6[%arg0, %dma_start3A, %dma_start3A_17] : memref<2x10112x128xf32, #tpu.memory_space<hbm>> -> memref<1x10112x128xf32, #tpu.memory_space<hbm>>
      %dma_start3A_19 = tpu.memref_squeeze %dma_start3A_18 : memref<1x10112x128xf32, #tpu.memory_space<hbm>> -> memref<10112x128xf32, #tpu.memory_space<hbm>>
      %dma_start3A_20 = arith.constant 0 : i32
      %dma_start3A_21 = tpu.memref_slice %dma_start3A_19[%mul3A_16, %dma_start3A_20] : memref<10112x128xf32, #tpu.memory_space<hbm>> -> memref<632x128xf32, #tpu.memory_space<hbm>>
      %dma_start3A_22 = arith.constant 0 : i32
      %dma_start3A_23 = tpu.memref_slice %arg10[%mul3A_14, %dma_start3A_22] : memref<10112x128xf32, #tpu.memory_space<vmem_shared>> -> memref<632x128xf32, #tpu.memory_space<vmem_shared>>
      tpu.enqueue_dma source(%dma_start3A_23 : memref<632x128xf32, #tpu.memory_space<vmem_shared>>) target(%dma_start3A_21 : memref<632x128xf32, #tpu.memory_space<hbm>>) target_semaphore(%run_scoped3A : memref<!tpu.dma_semaphore, #tpu.memory_space<semaphore_mem>>)
      %dma_wait3A = arith.constant 0 : i32
      %dma_wait3A_24 = arith.constant 0 : i32
      %dma_wait3A_25 = tpu.memref_slice %arg6[%arg0, %dma_wait3A, %dma_wait3A_24] : memref<2x10112x128xf32, #tpu.memory_space<hbm>> -> memref<1x10112x128xf32, #tpu.memory_space<hbm>>
      %dma_wait3A_26 = tpu.memref_squeeze %dma_wait3A_25 : memref<1x10112x128xf32, #tpu.memory_space<hbm>> -> memref<10112x128xf32, #tpu.memory_space<hbm>>
      %dma_wait3A_27 = arith.constant 0 : i32
      %dma_wait3A_28 = tpu.memref_slice %dma_wait3A_26[%mul3A_16, %dma_wait3A_27] : memref<10112x128xf32, #tpu.memory_space<hbm>> -> memref<632x128xf32, #tpu.memory_space<hbm>>
      %dma_wait3A_29 = arith.constant 0 : i32
      %dma_wait3A_30 = tpu.memref_slice %arg10[%mul3A_14, %dma_wait3A_29] : memref<10112x128xf32, #tpu.memory_space<vmem_shared>> -> memref<632x128xf32, #tpu.memory_space<vmem_shared>>
      tpu.wait_dma2 semaphore(%run_scoped3A : memref<!tpu.dma_semaphore, #tpu.memory_space<semaphore_mem>>) src(%dma_wait3A_30 : memref<632x128xf32, #tpu.memory_space<vmem_shared>>) dst(%dma_wait3A_28 : memref<632x128xf32, #tpu.memory_space<hbm>>)
      tpu.yield
    }) : () -> ()
    return
  }
}

#map = affine_map<(d0, d1) -> (0, 0)>
#map1 = affine_map<(d0, d1) -> (0)>
#map2 = affine_map<(d0, d1) -> (0, 0, 0)>
module attributes {stable_mosaic.version = 14 : i64} {
  func.func @_sc_agg_body(%arg0: i32, %arg1: i32, %arg2: memref<30000x128xf32, #tpu.memory_space<hbm>>, %arg3: memref<323584xi32, #tpu.memory_space<hbm>>, %arg4: memref<323584xi32, #tpu.memory_space<hbm>>, %arg5: memref<10112x128xf32, #tpu.memory_space<hbm>>, %arg6: memref<2x10112x128xf32, #tpu.memory_space<hbm>>, %arg7: memref<128xi32, #tpu.memory_space<vmem>>, %arg8: memref<128xi32, #tpu.memory_space<vmem>>, %arg9: memref<128x128xf32, #tpu.memory_space<vmem>>, %arg10: memref<10112x128xf32, #tpu.memory_space<vmem_shared>>, %arg11: memref<!tpu.dma_semaphore, #tpu.memory_space<semaphore_mem>>) attributes {dimension_semantics = [#tpu.dimension_semantics<core_parallel>, #tpu.dimension_semantics<subcore_parallel>], iteration_bounds = array<i64: 2, 16>, scalar_prefetch = 0 : i64, scratch_operands = 5 : i64, tpu.core_type = #tpu.core_type<sc_vector_subcore>, window_params = [{transform_indices = #map}, {transform_indices = #map1}, {transform_indices = #map1}, {transform_indices = #map}, {transform_indices = #map2}]} {
    %mul3A = arith.constant 16 : i32
    %mul3A_0 = arith.muli %arg0, %mul3A : i32
    %add3A = arith.addi %mul3A_0, %arg1 : i32
    %mul3A_1 = arith.constant 632 : i32
    %mul3A_2 = arith.muli %arg1, %mul3A_1 : i32
    %mul3A_3 = arith.constant 632 : i32
    %mul3A_4 = arith.muli %arg1, %mul3A_3 : i32
    "tpu.region"() ({
      %run_scoped3A = tpu.sem_alloc : memref<!tpu.dma_semaphore, #tpu.memory_space<semaphore_mem>>
      %dma_start3A = arith.constant 0 : i32
      %dma_start3A_17 = tpu.memref_slice %arg10[%mul3A_4, %dma_start3A] : memref<10112x128xf32, #tpu.memory_space<vmem_shared>> -> memref<632x128xf32, #tpu.memory_space<vmem_shared>>
      %dma_start3A_18 = arith.constant 0 : i32
      %dma_start3A_19 = tpu.memref_slice %arg5[%mul3A_2, %dma_start3A_18] : memref<10112x128xf32, #tpu.memory_space<hbm>> -> memref<632x128xf32, #tpu.memory_space<hbm>>
      tpu.enqueue_dma source(%dma_start3A_19 : memref<632x128xf32, #tpu.memory_space<hbm>>) target(%dma_start3A_17 : memref<632x128xf32, #tpu.memory_space<vmem_shared>>) target_semaphore(%run_scoped3A : memref<!tpu.dma_semaphore, #tpu.memory_space<semaphore_mem>>)
      %dma_wait3A = arith.constant 0 : i32
      %dma_wait3A_20 = tpu.memref_slice %arg10[%mul3A_4, %dma_wait3A] : memref<10112x128xf32, #tpu.memory_space<vmem_shared>> -> memref<632x128xf32, #tpu.memory_space<vmem_shared>>
      %dma_wait3A_21 = arith.constant 0 : i32
      %dma_wait3A_22 = tpu.memref_slice %arg5[%mul3A_2, %dma_wait3A_21] : memref<10112x128xf32, #tpu.memory_space<hbm>> -> memref<632x128xf32, #tpu.memory_space<hbm>>
      tpu.wait_dma2 semaphore(%run_scoped3A : memref<!tpu.dma_semaphore, #tpu.memory_space<semaphore_mem>>) src(%dma_wait3A_22 : memref<632x128xf32, #tpu.memory_space<hbm>>) dst(%dma_wait3A_20 : memref<632x128xf32, #tpu.memory_space<vmem_shared>>)
      tpu.yield
    }) : () -> ()
    %barrier3A = arith.constant 0 : index
    tpu.barrier barrier_id(%barrier3A)
    %mul3A_5 = arith.constant 10112 : i32
    %mul3A_6 = arith.muli %add3A, %mul3A_5 : i32
    %scan3A = arith.constant 0 : i32
    %scan3A_7 = arith.constant 0 : i32
    %scan3A_8 = arith.constant 79 : i32
    %scan3A_9 = arith.addi %scan3A_7, %scan3A_8 : i32
    %scan3A_10 = arith.constant 1 : i32
    scf.for %scan3A_17 = %scan3A_7 to %scan3A_9 step %scan3A_10  : i32 {
      %mul3A_18 = arith.constant 128 : i32
      %mul3A_19 = arith.muli %scan3A_17, %mul3A_18 : i32
      %add3A_20 = arith.addi %mul3A_6, %mul3A_19 : i32
      %multiple_of3A = tpu.assume_multiple %add3A_20, 8 : i32
      "tpu.region"() ({
        %run_scoped3A = tpu.sem_alloc : memref<!tpu.dma_semaphore, #tpu.memory_space<semaphore_mem>>
        %dma_start3A_25 = tpu.memref_slice %arg3[%multiple_of3A] : memref<323584xi32, #tpu.memory_space<hbm>> -> memref<128xi32, #tpu.memory_space<hbm>>
        %dma_start3A_26 = tpu.memref_slice %arg3[%multiple_of3A] : memref<323584xi32, #tpu.memory_space<hbm>> -> memref<128xi32, #tpu.memory_space<hbm>>
        tpu.enqueue_dma source(%dma_start3A_26 : memref<128xi32, #tpu.memory_space<hbm>>) target(%arg7 : memref<128xi32, #tpu.memory_space<vmem>>) target_semaphore(%run_scoped3A : memref<!tpu.dma_semaphore, #tpu.memory_space<semaphore_mem>>)
        %dma_wait3A_27 = tpu.memref_slice %arg3[%multiple_of3A] : memref<323584xi32, #tpu.memory_space<hbm>> -> memref<128xi32, #tpu.memory_space<hbm>>
        %dma_wait3A_28 = tpu.memref_slice %arg3[%multiple_of3A] : memref<323584xi32, #tpu.memory_space<hbm>> -> memref<128xi32, #tpu.memory_space<hbm>>
        tpu.wait_dma2 semaphore(%run_scoped3A : memref<!tpu.dma_semaphore, #tpu.memory_space<semaphore_mem>>) src(%dma_wait3A_28 : memref<128xi32, #tpu.memory_space<hbm>>) dst(%arg7 : memref<128xi32, #tpu.memory_space<vmem>>)
        tpu.yield
      }) : () -> ()
      %dma_start3A = arith.constant 0 : i32
      %dma_start3A_21 = arith.constant 0 : i32
      %dma_start3A_22 = tpu.memref_slice %arg2[%dma_start3A, %dma_start3A_21] : memref<30000x128xf32, #tpu.memory_space<hbm>> -> memref<30000x128xf32, #tpu.memory_space<hbm>>
      tpu.enqueue_indirect_dma source(%dma_start3A_22 : memref<30000x128xf32, #tpu.memory_space<hbm>>) target(%arg9 : memref<128x128xf32, #tpu.memory_space<vmem>>) offsets(%arg7 : memref<128xi32, #tpu.memory_space<vmem>>) semaphore(%arg11 : memref<!tpu.dma_semaphore, #tpu.memory_space<semaphore_mem>>)
      %dma_wait3A = arith.constant 0 : i32
      %dma_wait3A_23 = arith.constant 0 : i32
      %dma_wait3A_24 = tpu.memref_slice %arg2[%dma_wait3A, %dma_wait3A_23] : memref<30000x128xf32, #tpu.memory_space<hbm>> -> memref<30000x128xf32, #tpu.memory_space<hbm>>
      tpu.wait_indirect_dma semaphore(%arg11 : memref<!tpu.dma_semaphore, #tpu.memory_space<semaphore_mem>>) src(%dma_wait3A_24 : memref<30000x128xf32, #tpu.memory_space<hbm>>) dst(%arg9 : memref<128x128xf32, #tpu.memory_space<vmem>>)
      "tpu.region"() ({
        %run_scoped3A = tpu.sem_alloc : memref<!tpu.dma_semaphore, #tpu.memory_space<semaphore_mem>>
        %dma_start3A_25 = tpu.memref_slice %arg4[%multiple_of3A] : memref<323584xi32, #tpu.memory_space<hbm>> -> memref<128xi32, #tpu.memory_space<hbm>>
        %dma_start3A_26 = tpu.memref_slice %arg4[%multiple_of3A] : memref<323584xi32, #tpu.memory_space<hbm>> -> memref<128xi32, #tpu.memory_space<hbm>>
        tpu.enqueue_dma source(%dma_start3A_26 : memref<128xi32, #tpu.memory_space<hbm>>) target(%arg8 : memref<128xi32, #tpu.memory_space<vmem>>) target_semaphore(%run_scoped3A : memref<!tpu.dma_semaphore, #tpu.memory_space<semaphore_mem>>)
        %dma_wait3A_27 = tpu.memref_slice %arg4[%multiple_of3A] : memref<323584xi32, #tpu.memory_space<hbm>> -> memref<128xi32, #tpu.memory_space<hbm>>
        %dma_wait3A_28 = tpu.memref_slice %arg4[%multiple_of3A] : memref<323584xi32, #tpu.memory_space<hbm>> -> memref<128xi32, #tpu.memory_space<hbm>>
        tpu.wait_dma2 semaphore(%run_scoped3A : memref<!tpu.dma_semaphore, #tpu.memory_space<semaphore_mem>>) src(%dma_wait3A_28 : memref<128xi32, #tpu.memory_space<hbm>>) dst(%arg8 : memref<128xi32, #tpu.memory_space<vmem>>)
        tpu.yield
      }) : () -> ()
      "tpu.region"() ({
        %run_scoped3A = tpu.sem_alloc : memref<!tpu.dma_semaphore, #tpu.memory_space<semaphore_mem>>
        %dma_start3A_25 = arith.constant 0 : i32
        %dma_start3A_26 = arith.constant 0 : i32
        %dma_start3A_27 = tpu.memref_slice %arg10[%dma_start3A_25, %dma_start3A_26] : memref<10112x128xf32, #tpu.memory_space<vmem_shared>> -> memref<10112x128xf32, #tpu.memory_space<vmem_shared>>
        tpu.enqueue_indirect_dma source(%arg9 : memref<128x128xf32, #tpu.memory_space<vmem>>) target(%dma_start3A_27 : memref<10112x128xf32, #tpu.memory_space<vmem_shared>>) offsets(%arg8 : memref<128xi32, #tpu.memory_space<vmem>>) semaphore(%run_scoped3A : memref<!tpu.dma_semaphore, #tpu.memory_space<semaphore_mem>>) {add = true}
        %dma_wait3A_28 = arith.constant 0 : i32
        %dma_wait3A_29 = arith.constant 0 : i32
        %dma_wait3A_30 = tpu.memref_slice %arg10[%dma_wait3A_28, %dma_wait3A_29] : memref<10112x128xf32, #tpu.memory_space<vmem_shared>> -> memref<10112x128xf32, #tpu.memory_space<vmem_shared>>
        tpu.wait_indirect_dma semaphore(%run_scoped3A : memref<!tpu.dma_semaphore, #tpu.memory_space<semaphore_mem>>) src(%arg9 : memref<128x128xf32, #tpu.memory_space<vmem>>) dst(%dma_wait3A_30 : memref<10112x128xf32, #tpu.memory_space<vmem_shared>>)
        tpu.yield
      }) : () -> ()
    }
    %scan3A_11 = arith.constant 79 : i32
    %barrier3A_12 = arith.constant 0 : index
    tpu.barrier barrier_id(%barrier3A_12)
    %mul3A_13 = arith.constant 632 : i32
    %mul3A_14 = arith.muli %arg1, %mul3A_13 : i32
    %mul3A_15 = arith.constant 632 : i32
    %mul3A_16 = arith.muli %arg1, %mul3A_15 : i32
    "tpu.region"() ({
      %run_scoped3A = tpu.sem_alloc : memref<!tpu.dma_semaphore, #tpu.memory_space<semaphore_mem>>
      %dma_start3A = arith.constant 0 : i32
      %dma_start3A_17 = arith.constant 0 : i32
      %dma_start3A_18 = tpu.memref_slice %arg6[%arg0, %dma_start3A, %dma_start3A_17] : memref<2x10112x128xf32, #tpu.memory_space<hbm>> -> memref<1x10112x128xf32, #tpu.memory_space<hbm>>
      %dma_start3A_19 = tpu.memref_squeeze %dma_start3A_18 : memref<1x10112x128xf32, #tpu.memory_space<hbm>> -> memref<10112x128xf32, #tpu.memory_space<hbm>>
      %dma_start3A_20 = arith.constant 0 : i32
      %dma_start3A_21 = tpu.memref_slice %dma_start3A_19[%mul3A_16, %dma_start3A_20] : memref<10112x128xf32, #tpu.memory_space<hbm>> -> memref<632x128xf32, #tpu.memory_space<hbm>>
      %dma_start3A_22 = arith.constant 0 : i32
      %dma_start3A_23 = tpu.memref_slice %arg10[%mul3A_14, %dma_start3A_22] : memref<10112x128xf32, #tpu.memory_space<vmem_shared>> -> memref<632x128xf32, #tpu.memory_space<vmem_shared>>
      tpu.enqueue_dma source(%dma_start3A_23 : memref<632x128xf32, #tpu.memory_space<vmem_shared>>) target(%dma_start3A_21 : memref<632x128xf32, #tpu.memory_space<hbm>>) target_semaphore(%run_scoped3A : memref<!tpu.dma_semaphore, #tpu.memory_space<semaphore_mem>>)
      %dma_wait3A = arith.constant 0 : i32
      %dma_wait3A_24 = arith.constant 0 : i32
      %dma_wait3A_25 = tpu.memref_slice %arg6[%arg0, %dma_wait3A, %dma_wait3A_24] : memref<2x10112x128xf32, #tpu.memory_space<hbm>> -> memref<1x10112x128xf32, #tpu.memory_space<hbm>>
      %dma_wait3A_26 = tpu.memref_squeeze %dma_wait3A_25 : memref<1x10112x128xf32, #tpu.memory_space<hbm>> -> memref<10112x128xf32, #tpu.memory_space<hbm>>
      %dma_wait3A_27 = arith.constant 0 : i32
      %dma_wait3A_28 = tpu.memref_slice %dma_wait3A_26[%mul3A_16, %dma_wait3A_27] : memref<10112x128xf32, #tpu.memory_space<hbm>> -> memref<632x128xf32, #tpu.memory_space<hbm>>
      %dma_wait3A_29 = arith.constant 0 : i32
      %dma_wait3A_30 = tpu.memref_slice %arg10[%mul3A_14, %dma_wait3A_29] : memref<10112x128xf32, #tpu.memory_space<vmem_shared>> -> memref<632x128xf32, #tpu.memory_space<vmem_shared>>
      tpu.wait_dma2 semaphore(%run_scoped3A : memref<!tpu.dma_semaphore, #tpu.memory_space<semaphore_mem>>) src(%dma_wait3A_30 : memref<632x128xf32, #tpu.memory_space<vmem_shared>>) dst(%dma_wait3A_28 : memref<632x128xf32, #tpu.memory_space<hbm>>)
      tpu.yield
    }) : () -> ()
    return
  }
}

#map = affine_map<(d0, d1) -> (0, 0)>
#map1 = affine_map<(d0, d1) -> (0)>
#map2 = affine_map<(d0, d1) -> (0, 0, 0)>
module attributes {stable_mosaic.version = 14 : i64} {
  func.func @_sc_agg_body(%arg0: i32, %arg1: i32, %arg2: memref<30000x128xf32, #tpu.memory_space<hbm>>, %arg3: memref<323584xi32, #tpu.memory_space<hbm>>, %arg4: memref<323584xi32, #tpu.memory_space<hbm>>, %arg5: memref<10112x128xf32, #tpu.memory_space<hbm>>, %arg6: memref<2x10112x128xf32, #tpu.memory_space<hbm>>, %arg7: memref<128xi32, #tpu.memory_space<vmem>>, %arg8: memref<128xi32, #tpu.memory_space<vmem>>, %arg9: memref<128x128xf32, #tpu.memory_space<vmem>>, %arg10: memref<10112x128xf32, #tpu.memory_space<vmem_shared>>, %arg11: memref<!tpu.dma_semaphore, #tpu.memory_space<semaphore_mem>>) attributes {dimension_semantics = [#tpu.dimension_semantics<core_parallel>, #tpu.dimension_semantics<subcore_parallel>], iteration_bounds = array<i64: 2, 16>, scalar_prefetch = 0 : i64, scratch_operands = 5 : i64, tpu.core_type = #tpu.core_type<sc_vector_subcore>, window_params = [{transform_indices = #map}, {transform_indices = #map1}, {transform_indices = #map1}, {transform_indices = #map}, {transform_indices = #map2}]} {
    %mul3A = arith.constant 16 : i32
    %mul3A_0 = arith.muli %arg0, %mul3A : i32
    %add3A = arith.addi %mul3A_0, %arg1 : i32
    %mul3A_1 = arith.constant 632 : i32
    %mul3A_2 = arith.muli %arg1, %mul3A_1 : i32
    %mul3A_3 = arith.constant 632 : i32
    %mul3A_4 = arith.muli %arg1, %mul3A_3 : i32
    "tpu.region"() ({
      %run_scoped3A = tpu.sem_alloc : memref<!tpu.dma_semaphore, #tpu.memory_space<semaphore_mem>>
      %dma_start3A = arith.constant 0 : i32
      %dma_start3A_17 = tpu.memref_slice %arg10[%mul3A_4, %dma_start3A] : memref<10112x128xf32, #tpu.memory_space<vmem_shared>> -> memref<632x128xf32, #tpu.memory_space<vmem_shared>>
      %dma_start3A_18 = arith.constant 0 : i32
      %dma_start3A_19 = tpu.memref_slice %arg5[%mul3A_2, %dma_start3A_18] : memref<10112x128xf32, #tpu.memory_space<hbm>> -> memref<632x128xf32, #tpu.memory_space<hbm>>
      tpu.enqueue_dma source(%dma_start3A_19 : memref<632x128xf32, #tpu.memory_space<hbm>>) target(%dma_start3A_17 : memref<632x128xf32, #tpu.memory_space<vmem_shared>>) target_semaphore(%run_scoped3A : memref<!tpu.dma_semaphore, #tpu.memory_space<semaphore_mem>>)
      %dma_wait3A = arith.constant 0 : i32
      %dma_wait3A_20 = tpu.memref_slice %arg10[%mul3A_4, %dma_wait3A] : memref<10112x128xf32, #tpu.memory_space<vmem_shared>> -> memref<632x128xf32, #tpu.memory_space<vmem_shared>>
      %dma_wait3A_21 = arith.constant 0 : i32
      %dma_wait3A_22 = tpu.memref_slice %arg5[%mul3A_2, %dma_wait3A_21] : memref<10112x128xf32, #tpu.memory_space<hbm>> -> memref<632x128xf32, #tpu.memory_space<hbm>>
      tpu.wait_dma2 semaphore(%run_scoped3A : memref<!tpu.dma_semaphore, #tpu.memory_space<semaphore_mem>>) src(%dma_wait3A_22 : memref<632x128xf32, #tpu.memory_space<hbm>>) dst(%dma_wait3A_20 : memref<632x128xf32, #tpu.memory_space<vmem_shared>>)
      tpu.yield
    }) : () -> ()
    %barrier3A = arith.constant 0 : index
    tpu.barrier barrier_id(%barrier3A)
    %mul3A_5 = arith.constant 10112 : i32
    %mul3A_6 = arith.muli %add3A, %mul3A_5 : i32
    %scan3A = arith.constant 0 : i32
    %scan3A_7 = arith.constant 0 : i32
    %scan3A_8 = arith.constant 79 : i32
    %scan3A_9 = arith.addi %scan3A_7, %scan3A_8 : i32
    %scan3A_10 = arith.constant 1 : i32
    scf.for %scan3A_17 = %scan3A_7 to %scan3A_9 step %scan3A_10  : i32 {
      %mul3A_18 = arith.constant 128 : i32
      %mul3A_19 = arith.muli %scan3A_17, %mul3A_18 : i32
      %add3A_20 = arith.addi %mul3A_6, %mul3A_19 : i32
      %multiple_of3A = tpu.assume_multiple %add3A_20, 8 : i32
      "tpu.region"() ({
        %run_scoped3A = tpu.sem_alloc : memref<!tpu.dma_semaphore, #tpu.memory_space<semaphore_mem>>
        %dma_start3A_25 = tpu.memref_slice %arg3[%multiple_of3A] : memref<323584xi32, #tpu.memory_space<hbm>> -> memref<128xi32, #tpu.memory_space<hbm>>
        %dma_start3A_26 = tpu.memref_slice %arg3[%multiple_of3A] : memref<323584xi32, #tpu.memory_space<hbm>> -> memref<128xi32, #tpu.memory_space<hbm>>
        tpu.enqueue_dma source(%dma_start3A_26 : memref<128xi32, #tpu.memory_space<hbm>>) target(%arg7 : memref<128xi32, #tpu.memory_space<vmem>>) target_semaphore(%run_scoped3A : memref<!tpu.dma_semaphore, #tpu.memory_space<semaphore_mem>>)
        %dma_wait3A_27 = tpu.memref_slice %arg3[%multiple_of3A] : memref<323584xi32, #tpu.memory_space<hbm>> -> memref<128xi32, #tpu.memory_space<hbm>>
        %dma_wait3A_28 = tpu.memref_slice %arg3[%multiple_of3A] : memref<323584xi32, #tpu.memory_space<hbm>> -> memref<128xi32, #tpu.memory_space<hbm>>
        tpu.wait_dma2 semaphore(%run_scoped3A : memref<!tpu.dma_semaphore, #tpu.memory_space<semaphore_mem>>) src(%dma_wait3A_28 : memref<128xi32, #tpu.memory_space<hbm>>) dst(%arg7 : memref<128xi32, #tpu.memory_space<vmem>>)
        tpu.yield
      }) : () -> ()
      %dma_start3A = arith.constant 0 : i32
      %dma_start3A_21 = arith.constant 0 : i32
      %dma_start3A_22 = tpu.memref_slice %arg2[%dma_start3A, %dma_start3A_21] : memref<30000x128xf32, #tpu.memory_space<hbm>> -> memref<30000x128xf32, #tpu.memory_space<hbm>>
      tpu.enqueue_indirect_dma source(%dma_start3A_22 : memref<30000x128xf32, #tpu.memory_space<hbm>>) target(%arg9 : memref<128x128xf32, #tpu.memory_space<vmem>>) offsets(%arg7 : memref<128xi32, #tpu.memory_space<vmem>>) semaphore(%arg11 : memref<!tpu.dma_semaphore, #tpu.memory_space<semaphore_mem>>)
      %dma_wait3A = arith.constant 0 : i32
      %dma_wait3A_23 = arith.constant 0 : i32
      %dma_wait3A_24 = tpu.memref_slice %arg2[%dma_wait3A, %dma_wait3A_23] : memref<30000x128xf32, #tpu.memory_space<hbm>> -> memref<30000x128xf32, #tpu.memory_space<hbm>>
      tpu.wait_indirect_dma semaphore(%arg11 : memref<!tpu.dma_semaphore, #tpu.memory_space<semaphore_mem>>) src(%dma_wait3A_24 : memref<30000x128xf32, #tpu.memory_space<hbm>>) dst(%arg9 : memref<128x128xf32, #tpu.memory_space<vmem>>)
      "tpu.region"() ({
        %run_scoped3A = tpu.sem_alloc : memref<!tpu.dma_semaphore, #tpu.memory_space<semaphore_mem>>
        %dma_start3A_25 = tpu.memref_slice %arg4[%multiple_of3A] : memref<323584xi32, #tpu.memory_space<hbm>> -> memref<128xi32, #tpu.memory_space<hbm>>
        %dma_start3A_26 = tpu.memref_slice %arg4[%multiple_of3A] : memref<323584xi32, #tpu.memory_space<hbm>> -> memref<128xi32, #tpu.memory_space<hbm>>
        tpu.enqueue_dma source(%dma_start3A_26 : memref<128xi32, #tpu.memory_space<hbm>>) target(%arg8 : memref<128xi32, #tpu.memory_space<vmem>>) target_semaphore(%run_scoped3A : memref<!tpu.dma_semaphore, #tpu.memory_space<semaphore_mem>>)
        %dma_wait3A_27 = tpu.memref_slice %arg4[%multiple_of3A] : memref<323584xi32, #tpu.memory_space<hbm>> -> memref<128xi32, #tpu.memory_space<hbm>>
        %dma_wait3A_28 = tpu.memref_slice %arg4[%multiple_of3A] : memref<323584xi32, #tpu.memory_space<hbm>> -> memref<128xi32, #tpu.memory_space<hbm>>
        tpu.wait_dma2 semaphore(%run_scoped3A : memref<!tpu.dma_semaphore, #tpu.memory_space<semaphore_mem>>) src(%dma_wait3A_28 : memref<128xi32, #tpu.memory_space<hbm>>) dst(%arg8 : memref<128xi32, #tpu.memory_space<vmem>>)
        tpu.yield
      }) : () -> ()
      "tpu.region"() ({
        %run_scoped3A = tpu.sem_alloc : memref<!tpu.dma_semaphore, #tpu.memory_space<semaphore_mem>>
        %dma_start3A_25 = arith.constant 0 : i32
        %dma_start3A_26 = arith.constant 0 : i32
        %dma_start3A_27 = tpu.memref_slice %arg10[%dma_start3A_25, %dma_start3A_26] : memref<10112x128xf32, #tpu.memory_space<vmem_shared>> -> memref<10112x128xf32, #tpu.memory_space<vmem_shared>>
        tpu.enqueue_indirect_dma source(%arg9 : memref<128x128xf32, #tpu.memory_space<vmem>>) target(%dma_start3A_27 : memref<10112x128xf32, #tpu.memory_space<vmem_shared>>) offsets(%arg8 : memref<128xi32, #tpu.memory_space<vmem>>) semaphore(%run_scoped3A : memref<!tpu.dma_semaphore, #tpu.memory_space<semaphore_mem>>) {add = true}
        %dma_wait3A_28 = arith.constant 0 : i32
        %dma_wait3A_29 = arith.constant 0 : i32
        %dma_wait3A_30 = tpu.memref_slice %arg10[%dma_wait3A_28, %dma_wait3A_29] : memref<10112x128xf32, #tpu.memory_space<vmem_shared>> -> memref<10112x128xf32, #tpu.memory_space<vmem_shared>>
        tpu.wait_indirect_dma semaphore(%run_scoped3A : memref<!tpu.dma_semaphore, #tpu.memory_space<semaphore_mem>>) src(%arg9 : memref<128x128xf32, #tpu.memory_space<vmem>>) dst(%dma_wait3A_30 : memref<10112x128xf32, #tpu.memory_space<vmem_shared>>)
        tpu.yield
      }) : () -> ()
    }
    %scan3A_11 = arith.constant 79 : i32
    %barrier3A_12 = arith.constant 0 : index
    tpu.barrier barrier_id(%barrier3A_12)
    %mul3A_13 = arith.constant 632 : i32
    %mul3A_14 = arith.muli %arg1, %mul3A_13 : i32
    %mul3A_15 = arith.constant 632 : i32
    %mul3A_16 = arith.muli %arg1, %mul3A_15 : i32
    "tpu.region"() ({
      %run_scoped3A = tpu.sem_alloc : memref<!tpu.dma_semaphore, #tpu.memory_space<semaphore_mem>>
      %dma_start3A = arith.constant 0 : i32
      %dma_start3A_17 = arith.constant 0 : i32
      %dma_start3A_18 = tpu.memref_slice %arg6[%arg0, %dma_start3A, %dma_start3A_17] : memref<2x10112x128xf32, #tpu.memory_space<hbm>> -> memref<1x10112x128xf32, #tpu.memory_space<hbm>>
      %dma_start3A_19 = tpu.memref_squeeze %dma_start3A_18 : memref<1x10112x128xf32, #tpu.memory_space<hbm>> -> memref<10112x128xf32, #tpu.memory_space<hbm>>
      %dma_start3A_20 = arith.constant 0 : i32
      %dma_start3A_21 = tpu.memref_slice %dma_start3A_19[%mul3A_16, %dma_start3A_20] : memref<10112x128xf32, #tpu.memory_space<hbm>> -> memref<632x128xf32, #tpu.memory_space<hbm>>
      %dma_start3A_22 = arith.constant 0 : i32
      %dma_start3A_23 = tpu.memref_slice %arg10[%mul3A_14, %dma_start3A_22] : memref<10112x128xf32, #tpu.memory_space<vmem_shared>> -> memref<632x128xf32, #tpu.memory_space<vmem_shared>>
      tpu.enqueue_dma source(%dma_start3A_23 : memref<632x128xf32, #tpu.memory_space<vmem_shared>>) target(%dma_start3A_21 : memref<632x128xf32, #tpu.memory_space<hbm>>) target_semaphore(%run_scoped3A : memref<!tpu.dma_semaphore, #tpu.memory_space<semaphore_mem>>)
      %dma_wait3A = arith.constant 0 : i32
      %dma_wait3A_24 = arith.constant 0 : i32
      %dma_wait3A_25 = tpu.memref_slice %arg6[%arg0, %dma_wait3A, %dma_wait3A_24] : memref<2x10112x128xf32, #tpu.memory_space<hbm>> -> memref<1x10112x128xf32, #tpu.memory_space<hbm>>
      %dma_wait3A_26 = tpu.memref_squeeze %dma_wait3A_25 : memref<1x10112x128xf32, #tpu.memory_space<hbm>> -> memref<10112x128xf32, #tpu.memory_space<hbm>>
      %dma_wait3A_27 = arith.constant 0 : i32
      %dma_wait3A_28 = tpu.memref_slice %dma_wait3A_26[%mul3A_16, %dma_wait3A_27] : memref<10112x128xf32, #tpu.memory_space<hbm>> -> memref<632x128xf32, #tpu.memory_space<hbm>>
      %dma_wait3A_29 = arith.constant 0 : i32
      %dma_wait3A_30 = tpu.memref_slice %arg10[%mul3A_14, %dma_wait3A_29] : memref<10112x128xf32, #tpu.memory_space<vmem_shared>> -> memref<632x128xf32, #tpu.memory_space<vmem_shared>>
      tpu.wait_dma2 semaphore(%run_scoped3A : memref<!tpu.dma_semaphore, #tpu.memory_space<semaphore_mem>>) src(%dma_wait3A_30 : memref<632x128xf32, #tpu.memory_space<vmem_shared>>) dst(%dma_wait3A_28 : memref<632x128xf32, #tpu.memory_space<hbm>>)
      tpu.yield
    }) : () -> ()
    return
  }
}

module attributes {stable_mosaic.version = 14 : i64} {
  func.func @_gru_proj_body(%arg0: i32, %arg1: memref<2x1000x128xf32, #tpu.memory_space<vmem>>, %arg2: memref<1000x128xf32, #tpu.memory_space<vmem>>, %arg3: memref<384x128xf32, #tpu.memory_space<vmem>>, %arg4: memref<384x128xf32, #tpu.memory_space<vmem>>, %arg5: memref<384xf32, #tpu.memory_space<vmem>>, %arg6: memref<384xf32, #tpu.memory_space<vmem>>, %arg7: memref<3x128x128xf32, #tpu.memory_space<vmem>>, %arg8: memref<3x1x128xf32, #tpu.memory_space<vmem>>, %arg9: memref<1000x128xf32, #tpu.memory_space<vmem>>, %arg10: memref<3x1000x128xf32, #tpu.memory_space<vmem>>) attributes {dimension_semantics = [#tpu.dimension_semantics<arbitrary>], iteration_bounds = array<i64: 10>, scalar_prefetch = 0 : i64, scratch_operands = 0 : i64, tpu.core_type = #tpu.core_type<tc>, window_params = [{transform_indices = @transform_0, window_bounds = array<i64: 2, 1000, 128>}, {transform_indices = @transform_1, window_bounds = array<i64: 1000, 128>}, {pipeline_mode = #tpu.pipeline_mode<synchronous>, transform_indices = @transform_2, window_bounds = array<i64: 384, 128>}, {pipeline_mode = #tpu.pipeline_mode<synchronous>, transform_indices = @transform_3, window_bounds = array<i64: 384, 128>}, {pipeline_mode = #tpu.pipeline_mode<synchronous>, transform_indices = @transform_4, window_bounds = array<i64: 384>}, {pipeline_mode = #tpu.pipeline_mode<synchronous>, transform_indices = @transform_5, window_bounds = array<i64: 384>}, {pipeline_mode = #tpu.pipeline_mode<synchronous>, transform_indices = @transform_6, window_bounds = array<i64: 3, 128, 128>}, {pipeline_mode = #tpu.pipeline_mode<synchronous>, transform_indices = @transform_7, window_bounds = array<i64: 3, 1, 128>}, {transform_indices = @transform_8, window_bounds = array<i64: 1000, 128>}, {transform_indices = @transform_9, window_bounds = array<i64: 3, 1000, 128>}]} {
    %get3A = arith.constant 0 : index
    %get3A_0 = arith.constant 0 : index
    %get3A_1 = arith.constant 0 : index
    %get3A_2 = vector.load %arg1[%get3A, %get3A_0, %get3A_1] : memref<2x1000x128xf32, #tpu.memory_space<vmem>>, vector<1x1000x128xf32>
    %get3A_3 = vector.shape_cast %get3A_2 : vector<1x1000x128xf32> to vector<1000x128xf32>
    %get3A_4 = arith.constant 1 : index
    %get3A_5 = arith.constant 0 : index
    %get3A_6 = arith.constant 0 : index
    %get3A_7 = vector.load %arg1[%get3A_4, %get3A_5, %get3A_6] : memref<2x1000x128xf32, #tpu.memory_space<vmem>>, vector<1x1000x128xf32>
    %get3A_8 = vector.shape_cast %get3A_7 : vector<1x1000x128xf32> to vector<1000x128xf32>
    %add3A = arith.addf %get3A_3, %get3A_8 : vector<1000x128xf32>
    %get3A_9 = arith.constant 0 : index
    %get3A_10 = arith.constant 0 : index
    %get3A_11 = vector.load %arg2[%get3A_9, %get3A_10] : memref<1000x128xf32, #tpu.memory_space<vmem>>, vector<1000x128xf32>
    %get3A_12 = arith.constant 0 : index
    %get3A_13 = arith.constant 0 : index
    %get3A_14 = vector.load %arg3[%get3A_12, %get3A_13] : memref<384x128xf32, #tpu.memory_space<vmem>>, vector<384x128xf32>
    %dot_general3A = arith.constant dense<0.000000e+00> : vector<1000x384xf32>
    %dot_general3A_15 = tpu.matmul %add3A, %get3A_14, %dot_general3A {dimension_numbers = #tpu.dot_dimension_numbers<[1], [1], [0], [0], [0, 0, 1, 0], [], []>, transpose_lhs_hint = false} : vector<1000x128xf32>, vector<384x128xf32>, vector<1000x384xf32> -> vector<1000x384xf32>
    %get3A_16 = arith.constant 0 : index
    %get3A_17 = vector.load %arg5[%get3A_16] : memref<384xf32, #tpu.memory_space<vmem>>, vector<384xf32>
    %broadcast_in_dim3A = vector.shape_cast %get3A_17 : vector<384xf32> to vector<1x384xf32>
    %add3A_18 = vector.broadcast %broadcast_in_dim3A : vector<1x384xf32> to vector<1000x384xf32>
    %add3A_19 = arith.addf %dot_general3A_15, %add3A_18 : vector<1000x384xf32>
    %get3A_20 = arith.constant 0 : index
    %get3A_21 = arith.constant 0 : index
    %get3A_22 = vector.load %arg4[%get3A_20, %get3A_21] : memref<384x128xf32, #tpu.memory_space<vmem>>, vector<384x128xf32>
    %dot_general3A_23 = arith.constant dense<0.000000e+00> : vector<1000x384xf32>
    %dot_general3A_24 = tpu.matmul %get3A_11, %get3A_22, %dot_general3A_23 {dimension_numbers = #tpu.dot_dimension_numbers<[1], [1], [0], [0], [0, 0, 1, 0], [], []>, transpose_lhs_hint = false} : vector<1000x128xf32>, vector<384x128xf32>, vector<1000x384xf32> -> vector<1000x384xf32>
    %get3A_25 = arith.constant 0 : index
    %get3A_26 = vector.load %arg6[%get3A_25] : memref<384xf32, #tpu.memory_space<vmem>>, vector<384xf32>
    %broadcast_in_dim3A_27 = vector.shape_cast %get3A_26 : vector<384xf32> to vector<1x384xf32>
    %add3A_28 = vector.broadcast %broadcast_in_dim3A_27 : vector<1x384xf32> to vector<1000x384xf32>
    %add3A_29 = arith.addf %dot_general3A_24, %add3A_28 : vector<1000x384xf32>
    %slice3A = vector.extract_strided_slice %add3A_19 {offsets = [0, 0], sizes = [1000, 128], strides = [1, 1]} : vector<1000x384xf32> to vector<1000x128xf32>
    %slice3A_30 = vector.extract_strided_slice %add3A_29 {offsets = [0, 0], sizes = [1000, 128], strides = [1, 1]} : vector<1000x384xf32> to vector<1000x128xf32>
    %add3A_31 = arith.addf %slice3A, %slice3A_30 : vector<1000x128xf32>
    %logistic3A = arith.negf %add3A_31 : vector<1000x128xf32>
    %logistic3A_32 = math.exp %logistic3A : vector<1000x128xf32>
    %logistic3A_33 = arith.constant 1.000000e+00 : f32
    %logistic3A_34 = vector.broadcast %logistic3A_33 : f32 to vector<1000x128xf32>
    %logistic3A_35 = arith.addf %logistic3A_34, %logistic3A_32 : vector<1000x128xf32>
    %logistic3A_36 = arith.divf %logistic3A_34, %logistic3A_35 : vector<1000x128xf32>
    %slice3A_37 = vector.extract_strided_slice %add3A_19 {offsets = [0, 128], sizes = [1000, 128], strides = [1, 1]} : vector<1000x384xf32> to vector<1000x128xf32>
    %slice3A_38 = vector.extract_strided_slice %add3A_29 {offsets = [0, 128], sizes = [1000, 128], strides = [1, 1]} : vector<1000x384xf32> to vector<1000x128xf32>
    %add3A_39 = arith.addf %slice3A_37, %slice3A_38 : vector<1000x128xf32>
    %logistic3A_40 = arith.negf %add3A_39 : vector<1000x128xf32>
    %logistic3A_41 = math.exp %logistic3A_40 : vector<1000x128xf32>
    %logistic3A_42 = arith.constant 1.000000e+00 : f32
    %logistic3A_43 = vector.broadcast %logistic3A_42 : f32 to vector<1000x128xf32>
    %logistic3A_44 = arith.addf %logistic3A_43, %logistic3A_41 : vector<1000x128xf32>
    %logistic3A_45 = arith.divf %logistic3A_43, %logistic3A_44 : vector<1000x128xf32>
    %slice3A_46 = vector.extract_strided_slice %add3A_19 {offsets = [0, 256], sizes = [1000, 128], strides = [1, 1]} : vector<1000x384xf32> to vector<1000x128xf32>
    %slice3A_47 = vector.extract_strided_slice %add3A_29 {offsets = [0, 256], sizes = [1000, 128], strides = [1, 1]} : vector<1000x384xf32> to vector<1000x128xf32>
    %mul3A = arith.mulf %logistic3A_36, %slice3A_47 : vector<1000x128xf32>
    %add3A_48 = arith.addf %slice3A_46, %mul3A : vector<1000x128xf32>
    %tanh3A = math.tanh %add3A_48 : vector<1000x128xf32>
    %sub3A = arith.constant 1.000000e+00 : f32
    %sub3A_49 = vector.broadcast %sub3A : f32 to vector<1000x128xf32>
    %sub3A_50 = arith.subf %sub3A_49, %logistic3A_45 : vector<1000x128xf32>
    %mul3A_51 = arith.mulf %sub3A_50, %tanh3A : vector<1000x128xf32>
    %mul3A_52 = arith.mulf %logistic3A_45, %get3A_11 : vector<1000x128xf32>
    %add3A_53 = arith.addf %mul3A_51, %mul3A_52 : vector<1000x128xf32>
    %swap3A = arith.constant 0 : index
    %swap3A_54 = arith.constant 0 : index
    %swap3A_55 = vector.load %arg9[%swap3A, %swap3A_54] : memref<1000x128xf32, #tpu.memory_space<vmem>>, vector<1000x128xf32>
    tpu.vector_store %arg9[%swap3A, %swap3A_54], %add3A_53 {strides = array<i32>} : memref<1000x128xf32, #tpu.memory_space<vmem>>, vector<1000x128xf32>,
    %get3A_56 = arith.constant 0 : index
    %get3A_57 = arith.constant 0 : index
    %get3A_58 = arith.constant 0 : index
    %get3A_59 = vector.load %arg7[%get3A_56, %get3A_57, %get3A_58] : memref<3x128x128xf32, #tpu.memory_space<vmem>>, vector<1x128x128xf32>
    %get3A_60 = vector.shape_cast %get3A_59 : vector<1x128x128xf32> to vector<128x128xf32>
    %dot_general3A_61 = arith.constant dense<0.000000e+00> : vector<1000x128xf32>
    %dot_general3A_62 = tpu.matmul %add3A_53, %get3A_60, %dot_general3A_61 {dimension_numbers = #tpu.dot_dimension_numbers<[1], [1], [0], [0], [0, 0, 1, 0], [], []>, transpose_lhs_hint = false} : vector<1000x128xf32>, vector<128x128xf32>, vector<1000x128xf32> -> vector<1000x128xf32>
    %get3A_63 = arith.constant 0 : index
    %get3A_64 = arith.constant 0 : index
    %get3A_65 = arith.constant 0 : index
    %get3A_66 = vector.load %arg8[%get3A_63, %get3A_64, %get3A_65] : memref<3x1x128xf32, #tpu.memory_space<vmem>>, vector<1x1x128xf32>
    %get3A_67 = vector.shape_cast %get3A_66 : vector<1x1x128xf32> to vector<128xf32>
    %broadcast_in_dim3A_68 = vector.shape_cast %get3A_67 : vector<128xf32> to vector<1x128xf32>
    %add3A_69 = vector.broadcast %broadcast_in_dim3A_68 : vector<1x128xf32> to vector<1000x128xf32>
    %add3A_70 = arith.addf %dot_general3A_62, %add3A_69 : vector<1000x128xf32>
    %swap3A_71 = arith.constant 0 : index
    %swap3A_72 = arith.constant 0 : index
    %swap3A_73 = arith.constant 0 : index
    %swap3A_74 = vector.load %arg10[%swap3A_71, %swap3A_72, %swap3A_73] : memref<3x1000x128xf32, #tpu.memory_space<vmem>>, vector<1x1000x128xf32>
    %swap3A_75 = vector.shape_cast %swap3A_74 : vector<1x1000x128xf32> to vector<1000x128xf32>
    %swap3A_76 = vector.shape_cast %add3A_70 : vector<1000x128xf32> to vector<1x1000x128xf32>
    tpu.vector_store %arg10[%swap3A_71, %swap3A_72, %swap3A_73], %swap3A_76 {strides = array<i32>} : memref<3x1000x128xf32, #tpu.memory_space<vmem>>, vector<1x1000x128xf32>,
    %get3A_77 = arith.constant 1 : index
    %get3A_78 = arith.constant 0 : index
    %get3A_79 = arith.constant 0 : index
    %get3A_80 = vector.load %arg7[%get3A_77, %get3A_78, %get3A_79] : memref<3x128x128xf32, #tpu.memory_space<vmem>>, vector<1x128x128xf32>
    %get3A_81 = vector.shape_cast %get3A_80 : vector<1x128x128xf32> to vector<128x128xf32>
    %dot_general3A_82 = arith.constant dense<0.000000e+00> : vector<1000x128xf32>
    %dot_general3A_83 = tpu.matmul %add3A_53, %get3A_81, %dot_general3A_82 {dimension_numbers = #tpu.dot_dimension_numbers<[1], [1], [0], [0], [0, 0, 1, 0], [], []>, transpose_lhs_hint = false} : vector<1000x128xf32>, vector<128x128xf32>, vector<1000x128xf32> -> vector<1000x128xf32>
    %get3A_84 = arith.constant 1 : index
    %get3A_85 = arith.constant 0 : index
    %get3A_86 = arith.constant 0 : index
    %get3A_87 = vector.load %arg8[%get3A_84, %get3A_85, %get3A_86] : memref<3x1x128xf32, #tpu.memory_space<vmem>>, vector<1x1x128xf32>
    %get3A_88 = vector.shape_cast %get3A_87 : vector<1x1x128xf32> to vector<128xf32>
    %broadcast_in_dim3A_89 = vector.shape_cast %get3A_88 : vector<128xf32> to vector<1x128xf32>
    %add3A_90 = vector.broadcast %broadcast_in_dim3A_89 : vector<1x128xf32> to vector<1000x128xf32>
    %add3A_91 = arith.addf %dot_general3A_83, %add3A_90 : vector<1000x128xf32>
    %swap3A_92 = arith.constant 1 : index
    %swap3A_93 = arith.constant 0 : index
    %swap3A_94 = arith.constant 0 : index
    %swap3A_95 = vector.load %arg10[%swap3A_92, %swap3A_93, %swap3A_94] : memref<3x1000x128xf32, #tpu.memory_space<vmem>>, vector<1x1000x128xf32>
    %swap3A_96 = vector.shape_cast %swap3A_95 : vector<1x1000x128xf32> to vector<1000x128xf32>
    %swap3A_97 = vector.shape_cast %add3A_91 : vector<1000x128xf32> to vector<1x1000x128xf32>
    tpu.vector_store %arg10[%swap3A_92, %swap3A_93, %swap3A_94], %swap3A_97 {strides = array<i32>} : memref<3x1000x128xf32, #tpu.memory_space<vmem>>, vector<1x1000x128xf32>,
    %get3A_98 = arith.constant 2 : index
    %get3A_99 = arith.constant 0 : index
    %get3A_100 = arith.constant 0 : index
    %get3A_101 = vector.load %arg7[%get3A_98, %get3A_99, %get3A_100] : memref<3x128x128xf32, #tpu.memory_space<vmem>>, vector<1x128x128xf32>
    %get3A_102 = vector.shape_cast %get3A_101 : vector<1x128x128xf32> to vector<128x128xf32>
    %dot_general3A_103 = arith.constant dense<0.000000e+00> : vector<1000x128xf32>
    %dot_general3A_104 = tpu.matmul %add3A_53, %get3A_102, %dot_general3A_103 {dimension_numbers = #tpu.dot_dimension_numbers<[1], [1], [0], [0], [0, 0, 1, 0], [], []>, transpose_lhs_hint = false} : vector<1000x128xf32>, vector<128x128xf32>, vector<1000x128xf32> -> vector<1000x128xf32>
    %get3A_105 = arith.constant 2 : index
    %get3A_106 = arith.constant 0 : index
    %get3A_107 = arith.constant 0 : index
    %get3A_108 = vector.load %arg8[%get3A_105, %get3A_106, %get3A_107] : memref<3x1x128xf32, #tpu.memory_space<vmem>>, vector<1x1x128xf32>
    %get3A_109 = vector.shape_cast %get3A_108 : vector<1x1x128xf32> to vector<128xf32>
    %broadcast_in_dim3A_110 = vector.shape_cast %get3A_109 : vector<128xf32> to vector<1x128xf32>
    %add3A_111 = vector.broadcast %broadcast_in_dim3A_110 : vector<1x128xf32> to vector<1000x128xf32>
    %add3A_112 = arith.addf %dot_general3A_104, %add3A_111 : vector<1000x128xf32>
    %swap3A_113 = arith.constant 2 : index
    %swap3A_114 = arith.constant 0 : index
    %swap3A_115 = arith.constant 0 : index
    %swap3A_116 = vector.load %arg10[%swap3A_113, %swap3A_114, %swap3A_115] : memref<3x1000x128xf32, #tpu.memory_space<vmem>>, vector<1x1000x128xf32>
    %swap3A_117 = vector.shape_cast %swap3A_116 : vector<1x1000x128xf32> to vector<1000x128xf32>
    %swap3A_118 = vector.shape_cast %add3A_112 : vector<1000x128xf32> to vector<1x1000x128xf32>
    tpu.vector_store %arg10[%swap3A_113, %swap3A_114, %swap3A_115], %swap3A_118 {strides = array<i32>} : memref<3x1000x128xf32, #tpu.memory_space<vmem>>, vector<1x1000x128xf32>,
    return
  }
  func.func @transform_0(%arg0: i32) -> (i32, i32, i32) {
    %c0_i32 = arith.constant 0 : i32
    %c0_i32_0 = arith.constant 0 : i32
    %c0_i32_1 = arith.constant 0 : i32
    return %c0_i32, %arg0, %c0_i32_0 : i32, i32, i32
  }
  func.func @transform_1(%arg0: i32) -> (i32, i32) {
    %c0_i32 = arith.constant 0 : i32
    %c0_i32_0 = arith.constant 0 : i32
    return %arg0, %c0_i32 : i32, i32
  }
  func.func @transform_2(%arg0: i32) -> (i32, i32) {
    %c0_i32 = arith.constant 0 : i32
    %c0_i32_0 = arith.constant 0 : i32
    %c0_i32_1 = arith.constant 0 : i32
    return %c0_i32, %c0_i32_0 : i32, i32
  }
  func.func @transform_3(%arg0: i32) -> (i32, i32) {
    %c0_i32 = arith.constant 0 : i32
    %c0_i32_0 = arith.constant 0 : i32
    %c0_i32_1 = arith.constant 0 : i32
    return %c0_i32, %c0_i32_0 : i32, i32
  }
  func.func @transform_4(%arg0: i32) -> i32 {
    %c0_i32 = arith.constant 0 : i32
    %c0_i32_0 = arith.constant 0 : i32
    return %c0_i32 : i32
  }
  func.func @transform_5(%arg0: i32) -> i32 {
    %c0_i32 = arith.constant 0 : i32
    %c0_i32_0 = arith.constant 0 : i32
    return %c0_i32 : i32
  }
  func.func @transform_6(%arg0: i32) -> (i32, i32, i32) {
    %c0_i32 = arith.constant 0 : i32
    %c0_i32_0 = arith.constant 0 : i32
    %c0_i32_1 = arith.constant 0 : i32
    %c0_i32_2 = arith.constant 0 : i32
    return %c0_i32, %c0_i32_0, %c0_i32_1 : i32, i32, i32
  }
  func.func @transform_7(%arg0: i32) -> (i32, i32, i32) {
    %c0_i32 = arith.constant 0 : i32
    %c0_i32_0 = arith.constant 0 : i32
    %c0_i32_1 = arith.constant 0 : i32
    %c0_i32_2 = arith.constant 0 : i32
    return %c0_i32, %c0_i32_0, %c0_i32_1 : i32, i32, i32
  }
  func.func @transform_8(%arg0: i32) -> (i32, i32) {
    %c0_i32 = arith.constant 0 : i32
    %c0_i32_0 = arith.constant 0 : i32
    return %arg0, %c0_i32 : i32, i32
  }
  func.func @transform_9(%arg0: i32) -> (i32, i32, i32) {
    %c0_i32 = arith.constant 0 : i32
    %c0_i32_0 = arith.constant 0 : i32
    %c0_i32_1 = arith.constant 0 : i32
    return %c0_i32, %arg0, %c0_i32_0 : i32, i32, i32
  }
}

module attributes {stable_mosaic.version = 14 : i64} {
  func.func @_proj_body(%arg0: i32, %arg1: i32, %arg2: memref<1000x128xf32, #tpu.memory_space<vmem>>, %arg3: memref<1x128x128xf32, #tpu.memory_space<vmem>>, %arg4: memref<1x1x128xf32, #tpu.memory_space<vmem>>, %arg5: memref<1x1000x128xf32, #tpu.memory_space<vmem>>) attributes {dimension_semantics = [#tpu.dimension_semantics<arbitrary>, #tpu.dimension_semantics<arbitrary>], iteration_bounds = array<i64: 3, 10>, scalar_prefetch = 0 : i64, scratch_operands = 0 : i64, tpu.core_type = #tpu.core_type<tc>, window_params = [{transform_indices = @transform_0, window_bounds = array<i64: 1000, 128>}, {transform_indices = @transform_1, window_bounds = array<i64: 1, 128, 128>}, {transform_indices = @transform_2, window_bounds = array<i64: 1, 1, 128>}, {transform_indices = @transform_3, window_bounds = array<i64: 1, 1000, 128>}]} {
    %get3A = arith.constant 0 : index
    %get3A_0 = arith.constant 0 : index
    %get3A_1 = vector.load %arg2[%get3A, %get3A_0] : memref<1000x128xf32, #tpu.memory_space<vmem>>, vector<1000x128xf32>
    %get3A_2 = arith.constant 0 : index
    %get3A_3 = arith.constant 0 : index
    %get3A_4 = arith.constant 0 : index
    %get3A_5 = vector.load %arg3[%get3A_2, %get3A_3, %get3A_4] : memref<1x128x128xf32, #tpu.memory_space<vmem>>, vector<1x128x128xf32>
    %get3A_6 = vector.shape_cast %get3A_5 : vector<1x128x128xf32> to vector<128x128xf32>
    %dot_general3A = arith.constant dense<0.000000e+00> : vector<1000x128xf32>
    %dot_general3A_7 = tpu.matmul %get3A_1, %get3A_6, %dot_general3A {dimension_numbers = #tpu.dot_dimension_numbers<[1], [1], [0], [0], [0, 0, 1, 0], [], []>, transpose_lhs_hint = false} : vector<1000x128xf32>, vector<128x128xf32>, vector<1000x128xf32> -> vector<1000x128xf32>
    %get3A_8 = arith.constant 0 : index
    %get3A_9 = arith.constant 0 : index
    %get3A_10 = arith.constant 0 : index
    %get3A_11 = vector.load %arg4[%get3A_8, %get3A_9, %get3A_10] : memref<1x1x128xf32, #tpu.memory_space<vmem>>, vector<1x1x128xf32>
    %get3A_12 = vector.shape_cast %get3A_11 : vector<1x1x128xf32> to vector<128xf32>
    %broadcast_in_dim3A = vector.shape_cast %get3A_12 : vector<128xf32> to vector<1x128xf32>
    %add3A = vector.broadcast %broadcast_in_dim3A : vector<1x128xf32> to vector<1000x128xf32>
    %add3A_13 = arith.addf %dot_general3A_7, %add3A : vector<1000x128xf32>
    %swap3A = arith.constant 0 : index
    %swap3A_14 = arith.constant 0 : index
    %swap3A_15 = arith.constant 0 : index
    %swap3A_16 = vector.load %arg5[%swap3A, %swap3A_14, %swap3A_15] : memref<1x1000x128xf32, #tpu.memory_space<vmem>>, vector<1x1000x128xf32>
    %swap3A_17 = vector.shape_cast %swap3A_16 : vector<1x1000x128xf32> to vector<1000x128xf32>
    %swap3A_18 = vector.shape_cast %add3A_13 : vector<1000x128xf32> to vector<1x1000x128xf32>
    tpu.vector_store %arg5[%swap3A, %swap3A_14, %swap3A_15], %swap3A_18 {strides = array<i32>} : memref<1x1000x128xf32, #tpu.memory_space<vmem>>, vector<1x1000x128xf32>,
    return
  }
  func.func @transform_0(%arg0: i32, %arg1: i32) -> (i32, i32) {
    %c0_i32 = arith.constant 0 : i32
    %c0_i32_0 = arith.constant 0 : i32
    return %arg1, %c0_i32 : i32, i32
  }
  func.func @transform_1(%arg0: i32, %arg1: i32) -> (i32, i32, i32) {
    %c0_i32 = arith.constant 0 : i32
    %c0_i32_0 = arith.constant 0 : i32
    %c0_i32_1 = arith.constant 0 : i32
    return %arg0, %c0_i32, %c0_i32_0 : i32, i32, i32
  }
  func.func @transform_2(%arg0: i32, %arg1: i32) -> (i32, i32, i32) {
    %c0_i32 = arith.constant 0 : i32
    %c0_i32_0 = arith.constant 0 : i32
    %c0_i32_1 = arith.constant 0 : i32
    return %arg0, %c0_i32, %c0_i32_0 : i32, i32, i32
  }
  func.func @transform_3(%arg0: i32, %arg1: i32) -> (i32, i32, i32) {
    %c0_i32 = arith.constant 0 : i32
    %c0_i32_0 = arith.constant 0 : i32
    return %arg0, %arg1, %c0_i32 : i32, i32, i32
  }
}

module attributes {stable_mosaic.version = 14 : i64} {
  func.func @_gru_pool_body(%arg0: i32, %arg1: memref<2x1000x128xf32, #tpu.memory_space<vmem>>, %arg2: memref<1000x128xf32, #tpu.memory_space<vmem>>, %arg3: memref<384x128xf32, #tpu.memory_space<vmem>>, %arg4: memref<384x128xf32, #tpu.memory_space<vmem>>, %arg5: memref<384xf32, #tpu.memory_space<vmem>>, %arg6: memref<384xf32, #tpu.memory_space<vmem>>, %arg7: memref<1x1x1000xi32, #tpu.memory_space<vmem>>, %arg8: memref<8x128xf32, #tpu.memory_space<vmem>>, %arg9: memref<1xf32, #tpu.memory_space<smem>>, %arg10: memref<128xf32, #tpu.memory_space<vmem>>, %arg11: memref<128x1xf32, #tpu.memory_space<vmem>>, %arg12: memref<128x128xf32, #tpu.memory_space<vmem>>) attributes {dimension_semantics = [#tpu.dimension_semantics<arbitrary>], iteration_bounds = array<i64: 10>, scalar_prefetch = 0 : i64, scratch_operands = 1 : i64, tpu.core_type = #tpu.core_type<tc>, window_params = [{transform_indices = @transform_0, window_bounds = array<i64: 2, 1000, 128>}, {transform_indices = @transform_1, window_bounds = array<i64: 1000, 128>}, {pipeline_mode = #tpu.pipeline_mode<synchronous>, transform_indices = @transform_2, window_bounds = array<i64: 384, 128>}, {pipeline_mode = #tpu.pipeline_mode<synchronous>, transform_indices = @transform_3, window_bounds = array<i64: 384, 128>}, {pipeline_mode = #tpu.pipeline_mode<synchronous>, transform_indices = @transform_4, window_bounds = array<i64: 384>}, {pipeline_mode = #tpu.pipeline_mode<synchronous>, transform_indices = @transform_5, window_bounds = array<i64: 384>}, {transform_indices = @transform_6, window_bounds = array<i64: 1, 1, 1000>}, {pipeline_mode = #tpu.pipeline_mode<synchronous>, transform_indices = @transform_7, window_bounds = array<i64: 8, 128>}, {transform_indices = @transform_8, window_bounds = array<i64: 1>}, {pipeline_mode = #tpu.pipeline_mode<synchronous>, transform_indices = @transform_9, window_bounds = array<i64: 128>}, {pipeline_mode = #tpu.pipeline_mode<synchronous>, transform_indices = @transform_10, window_bounds = array<i64: 128, 1>}]} {
    %get3A = arith.constant 0 : index
    %get3A_0 = arith.constant 0 : index
    %get3A_1 = arith.constant 0 : index
    %get3A_2 = vector.load %arg1[%get3A, %get3A_0, %get3A_1] : memref<2x1000x128xf32, #tpu.memory_space<vmem>>, vector<1x1000x128xf32>
    %get3A_3 = vector.shape_cast %get3A_2 : vector<1x1000x128xf32> to vector<1000x128xf32>
    %get3A_4 = arith.constant 1 : index
    %get3A_5 = arith.constant 0 : index
    %get3A_6 = arith.constant 0 : index
    %get3A_7 = vector.load %arg1[%get3A_4, %get3A_5, %get3A_6] : memref<2x1000x128xf32, #tpu.memory_space<vmem>>, vector<1x1000x128xf32>
    %get3A_8 = vector.shape_cast %get3A_7 : vector<1x1000x128xf32> to vector<1000x128xf32>
    %add3A = arith.addf %get3A_3, %get3A_8 : vector<1000x128xf32>
    %get3A_9 = arith.constant 0 : index
    %get3A_10 = arith.constant 0 : index
    %get3A_11 = vector.load %arg2[%get3A_9, %get3A_10] : memref<1000x128xf32, #tpu.memory_space<vmem>>, vector<1000x128xf32>
    %get3A_12 = arith.constant 0 : index
    %get3A_13 = arith.constant 0 : index
    %get3A_14 = vector.load %arg3[%get3A_12, %get3A_13] : memref<384x128xf32, #tpu.memory_space<vmem>>, vector<384x128xf32>
    %dot_general3A = arith.constant dense<0.000000e+00> : vector<1000x384xf32>
    %dot_general3A_15 = tpu.matmul %add3A, %get3A_14, %dot_general3A {dimension_numbers = #tpu.dot_dimension_numbers<[1], [1], [0], [0], [0, 0, 1, 0], [], []>, transpose_lhs_hint = false} : vector<1000x128xf32>, vector<384x128xf32>, vector<1000x384xf32> -> vector<1000x384xf32>
    %get3A_16 = arith.constant 0 : index
    %get3A_17 = vector.load %arg5[%get3A_16] : memref<384xf32, #tpu.memory_space<vmem>>, vector<384xf32>
    %broadcast_in_dim3A = vector.shape_cast %get3A_17 : vector<384xf32> to vector<1x384xf32>
    %add3A_18 = vector.broadcast %broadcast_in_dim3A : vector<1x384xf32> to vector<1000x384xf32>
    %add3A_19 = arith.addf %dot_general3A_15, %add3A_18 : vector<1000x384xf32>
    %get3A_20 = arith.constant 0 : index
    %get3A_21 = arith.constant 0 : index
    %get3A_22 = vector.load %arg4[%get3A_20, %get3A_21] : memref<384x128xf32, #tpu.memory_space<vmem>>, vector<384x128xf32>
    %dot_general3A_23 = arith.constant dense<0.000000e+00> : vector<1000x384xf32>
    %dot_general3A_24 = tpu.matmul %get3A_11, %get3A_22, %dot_general3A_23 {dimension_numbers = #tpu.dot_dimension_numbers<[1], [1], [0], [0], [0, 0, 1, 0], [], []>, transpose_lhs_hint = false} : vector<1000x128xf32>, vector<384x128xf32>, vector<1000x384xf32> -> vector<1000x384xf32>
    %get3A_25 = arith.constant 0 : index
    %get3A_26 = vector.load %arg6[%get3A_25] : memref<384xf32, #tpu.memory_space<vmem>>, vector<384xf32>
    %broadcast_in_dim3A_27 = vector.shape_cast %get3A_26 : vector<384xf32> to vector<1x384xf32>
    %add3A_28 = vector.broadcast %broadcast_in_dim3A_27 : vector<1x384xf32> to vector<1000x384xf32>
    %add3A_29 = arith.addf %dot_general3A_24, %add3A_28 : vector<1000x384xf32>
    %slice3A = vector.extract_strided_slice %add3A_19 {offsets = [0, 0], sizes = [1000, 128], strides = [1, 1]} : vector<1000x384xf32> to vector<1000x128xf32>
    %slice3A_30 = vector.extract_strided_slice %add3A_29 {offsets = [0, 0], sizes = [1000, 128], strides = [1, 1]} : vector<1000x384xf32> to vector<1000x128xf32>
    %add3A_31 = arith.addf %slice3A, %slice3A_30 : vector<1000x128xf32>
    %logistic3A = arith.negf %add3A_31 : vector<1000x128xf32>
    %logistic3A_32 = math.exp %logistic3A : vector<1000x128xf32>
    %logistic3A_33 = arith.constant 1.000000e+00 : f32
    %logistic3A_34 = vector.broadcast %logistic3A_33 : f32 to vector<1000x128xf32>
    %logistic3A_35 = arith.addf %logistic3A_34, %logistic3A_32 : vector<1000x128xf32>
    %logistic3A_36 = arith.divf %logistic3A_34, %logistic3A_35 : vector<1000x128xf32>
    %slice3A_37 = vector.extract_strided_slice %add3A_19 {offsets = [0, 128], sizes = [1000, 128], strides = [1, 1]} : vector<1000x384xf32> to vector<1000x128xf32>
    %slice3A_38 = vector.extract_strided_slice %add3A_29 {offsets = [0, 128], sizes = [1000, 128], strides = [1, 1]} : vector<1000x384xf32> to vector<1000x128xf32>
    %add3A_39 = arith.addf %slice3A_37, %slice3A_38 : vector<1000x128xf32>
    %logistic3A_40 = arith.negf %add3A_39 : vector<1000x128xf32>
    %logistic3A_41 = math.exp %logistic3A_40 : vector<1000x128xf32>
    %logistic3A_42 = arith.constant 1.000000e+00 : f32
    %logistic3A_43 = vector.broadcast %logistic3A_42 : f32 to vector<1000x128xf32>
    %logistic3A_44 = arith.addf %logistic3A_43, %logistic3A_41 : vector<1000x128xf32>
    %logistic3A_45 = arith.divf %logistic3A_43, %logistic3A_44 : vector<1000x128xf32>
    %slice3A_46 = vector.extract_strided_slice %add3A_19 {offsets = [0, 256], sizes = [1000, 128], strides = [1, 1]} : vector<1000x384xf32> to vector<1000x128xf32>
    %slice3A_47 = vector.extract_strided_slice %add3A_29 {offsets = [0, 256], sizes = [1000, 128], strides = [1, 1]} : vector<1000x384xf32> to vector<1000x128xf32>
    %mul3A = arith.mulf %logistic3A_36, %slice3A_47 : vector<1000x128xf32>
    %add3A_48 = arith.addf %slice3A_46, %mul3A : vector<1000x128xf32>
    %tanh3A = math.tanh %add3A_48 : vector<1000x128xf32>
    %sub3A = arith.constant 1.000000e+00 : f32
    %sub3A_49 = vector.broadcast %sub3A : f32 to vector<1000x128xf32>
    %sub3A_50 = arith.subf %sub3A_49, %logistic3A_45 : vector<1000x128xf32>
    %mul3A_51 = arith.mulf %sub3A_50, %tanh3A : vector<1000x128xf32>
    %mul3A_52 = arith.mulf %logistic3A_45, %get3A_11 : vector<1000x128xf32>
    %add3A_53 = arith.addf %mul3A_51, %mul3A_52 : vector<1000x128xf32>
    %get3A_54 = arith.constant 0 : index
    %get3A_55 = arith.constant 0 : index
    %get3A_56 = arith.constant 0 : index
    %get3A_57 = vector.load %arg7[%get3A_54, %get3A_55, %get3A_56] : memref<1x1x1000xi32, #tpu.memory_space<vmem>>, vector<1x1x1000xi32>
    %get3A_58 = vector.shape_cast %get3A_57 : vector<1x1x1000xi32> to vector<1000xi32>
    %iota3A = tpu.iota {dimensions = array<i32: 0>} : vector<128x1000xi32>
    %broadcast_in_dim3A_59 = vector.shape_cast %get3A_58 : vector<1000xi32> to vector<1x1000xi32>
    %eq3A = vector.broadcast %broadcast_in_dim3A_59 : vector<1x1000xi32> to vector<128x1000xi32>
    %eq3A_60 = arith.cmpi eq, %iota3A, %eq3A : vector<128x1000xi32>
    %convert_element_type3A = arith.extui %eq3A_60 : vector<128x1000xi1> to vector<128x1000xi32>
    %convert_element_type3A_61 = arith.sitofp %convert_element_type3A : vector<128x1000xi32> to vector<128x1000xf32>
    %dot_general3A_62 = arith.constant dense<0.000000e+00> : vector<128x128xf32>
    %dot_general3A_63 = tpu.matmul %convert_element_type3A_61, %add3A_53, %dot_general3A_62 {dimension_numbers = #tpu.dot_dimension_numbers<[1], [0], [0], [1], [0, 0, 1, 1], [], []>, precision = #tpu.contract_precision<fp32>, transpose_lhs_hint = false} : vector<128x1000xf32>, vector<1000x128xf32>, vector<128x128xf32> -> vector<128x128xf32>
    %eq3A_64 = arith.constant 0 : i32
    %eq3A_65 = arith.cmpi eq, %arg0, %eq3A_64 : i32
    %convert_element_type3A_66 = arith.extui %eq3A_65 : i1 to i32
    %cond3A = arith.constant 0 : i32
    %cond3A_67 = arith.cmpi ne, %convert_element_type3A_66, %cond3A : i32
    scf.if %cond3A_67 {
      %swap3A = arith.constant 0 : index
      %swap3A_77 = arith.constant 0 : index
      %swap3A_78 = vector.load %arg12[%swap3A, %swap3A_77] : memref<128x128xf32, #tpu.memory_space<vmem>>, vector<128x128xf32>
      tpu.vector_store %arg12[%swap3A, %swap3A_77], %dot_general3A_63 {strides = array<i32>} : memref<128x128xf32, #tpu.memory_space<vmem>>, vector<128x128xf32>,
    } else {
    }
    %gt3A = arith.constant 0 : i32
    %gt3A_68 = arith.cmpi sgt, %arg0, %gt3A : i32
    %convert_element_type3A_69 = arith.extui %gt3A_68 : i1 to i32
    %cond3A_70 = arith.constant 0 : i32
    %cond3A_71 = arith.cmpi ne, %convert_element_type3A_69, %cond3A_70 : i32
    scf.if %cond3A_71 {
      %get3A_77 = arith.constant 0 : index
      %get3A_78 = arith.constant 0 : index
      %get3A_79 = vector.load %arg12[%get3A_77, %get3A_78] : memref<128x128xf32, #tpu.memory_space<vmem>>, vector<128x128xf32>
      %add3A_80 = arith.addf %get3A_79, %dot_general3A_63 : vector<128x128xf32>
      %swap3A = arith.constant 0 : index
      %swap3A_81 = arith.constant 0 : index
      %swap3A_82 = vector.load %arg12[%swap3A, %swap3A_81] : memref<128x128xf32, #tpu.memory_space<vmem>>, vector<128x128xf32>
      tpu.vector_store %arg12[%swap3A, %swap3A_81], %add3A_80 {strides = array<i32>} : memref<128x128xf32, #tpu.memory_space<vmem>>, vector<128x128xf32>,
    } else {
    }
    %eq3A_72 = arith.constant 9 : i32
    %eq3A_73 = arith.cmpi eq, %arg0, %eq3A_72 : i32
    %convert_element_type3A_74 = arith.extui %eq3A_73 : i1 to i32
    %cond3A_75 = arith.constant 0 : i32
    %cond3A_76 = arith.cmpi ne, %convert_element_type3A_74, %cond3A_75 : i32
    scf.if %cond3A_76 {
      %get3A_77 = arith.constant 0 : index
      %get3A_78 = arith.constant 0 : index
      %get3A_79 = vector.load %arg12[%get3A_77, %get3A_78] : memref<128x128xf32, #tpu.memory_space<vmem>>, vector<128x128xf32>
      %get3A_80 = arith.constant 0 : index
      %get3A_81 = arith.constant 0 : index
      %get3A_82 = vector.load %arg8[%get3A_80, %get3A_81] : memref<8x128xf32, #tpu.memory_space<vmem>>, vector<8x128xf32>
      %dot_general3A_83 = arith.constant dense<0.000000e+00> : vector<128x8xf32>
      %dot_general3A_84 = tpu.matmul %get3A_79, %get3A_82, %dot_general3A_83 {dimension_numbers = #tpu.dot_dimension_numbers<[1], [1], [0], [0], [0, 0, 1, 0], [], []>, transpose_lhs_hint = false} : vector<128x128xf32>, vector<8x128xf32>, vector<128x8xf32> -> vector<128x8xf32>
      %dot_general3A_85 = arith.constant dense<0.000000e+00> : vector<8x128xf32>
      %dot_general3A_86 = tpu.matmul %get3A_82, %get3A_79, %dot_general3A_85 {dimension_numbers = #tpu.dot_dimension_numbers<[1], [1], [0], [0], [0, 0, 1, 0], [], []>, transpose_lhs_hint = false} : vector<8x128xf32>, vector<128x128xf32>, vector<8x128xf32> -> vector<8x128xf32>
      %slice3A_87 = vector.extract_strided_slice %dot_general3A_84 {offsets = [0, 0], sizes = [128, 1], strides = [1, 1]} : vector<128x8xf32> to vector<128x1xf32>
      %get3A_88 = arith.constant 0 : index
      %get3A_89 = memref.load %arg9[%get3A_88] : memref<1xf32, #tpu.memory_space<smem>>
      %add3A_90 = vector.broadcast %get3A_89 : f32 to vector<128x1xf32>
      %add3A_91 = arith.addf %slice3A_87, %add3A_90 : vector<128x1xf32>
      %swap3A = arith.constant 0 : index
      %swap3A_92 = arith.constant 0 : index
      %swap3A_93 = vector.load %arg11[%swap3A, %swap3A_92] : memref<128x1xf32, #tpu.memory_space<vmem>>, vector<128x1xf32>
      tpu.vector_store %arg11[%swap3A, %swap3A_92], %add3A_91 {strides = array<i32>} : memref<128x1xf32, #tpu.memory_space<vmem>>, vector<128x1xf32>,
      %get3A_94 = arith.constant 0 : index
      %get3A_95 = memref.load %arg9[%get3A_94] : memref<1xf32, #tpu.memory_space<smem>>
      %add3A_96 = vector.broadcast %get3A_95 : f32 to vector<8x128xf32>
      %add3A_97 = arith.addf %dot_general3A_86, %add3A_96 : vector<8x128xf32>
      %logistic3A_98 = arith.negf %add3A_97 : vector<8x128xf32>
      %logistic3A_99 = math.exp %logistic3A_98 : vector<8x128xf32>
      %logistic3A_100 = arith.constant 1.000000e+00 : f32
      %logistic3A_101 = vector.broadcast %logistic3A_100 : f32 to vector<8x128xf32>
      %logistic3A_102 = arith.addf %logistic3A_101, %logistic3A_99 : vector<8x128xf32>
      %logistic3A_103 = arith.divf %logistic3A_101, %logistic3A_102 : vector<8x128xf32>
      %slice3A_104 = vector.extract_strided_slice %logistic3A_103 {offsets = [0, 0], sizes = [1, 128], strides = [1, 1]} : vector<8x128xf32> to vector<1x128xf32>
      %squeeze3A = vector.shape_cast %slice3A_104 : vector<1x128xf32> to vector<128xf32>
      %swap3A_105 = arith.constant 0 : index
      %swap3A_106 = vector.load %arg10[%swap3A_105] : memref<128xf32, #tpu.memory_space<vmem>>, vector<128xf32>
      tpu.vector_store %arg10[%swap3A_105], %squeeze3A {strides = array<i32>} : memref<128xf32, #tpu.memory_space<vmem>>, vector<128xf32>,
    } else {
    }
    return
  }
  func.func @transform_0(%arg0: i32) -> (i32, i32, i32) {
    %c0_i32 = arith.constant 0 : i32
    %c0_i32_0 = arith.constant 0 : i32
    %c0_i32_1 = arith.constant 0 : i32
    return %c0_i32, %arg0, %c0_i32_0 : i32, i32, i32
  }
  func.func @transform_1(%arg0: i32) -> (i32, i32) {
    %c0_i32 = arith.constant 0 : i32
    %c0_i32_0 = arith.constant 0 : i32
    return %arg0, %c0_i32 : i32, i32
  }
  func.func @transform_2(%arg0: i32) -> (i32, i32) {
    %c0_i32 = arith.constant 0 : i32
    %c0_i32_0 = arith.constant 0 : i32
    %c0_i32_1 = arith.constant 0 : i32
    return %c0_i32, %c0_i32_0 : i32, i32
  }
  func.func @transform_3(%arg0: i32) -> (i32, i32) {
    %c0_i32 = arith.constant 0 : i32
    %c0_i32_0 = arith.constant 0 : i32
    %c0_i32_1 = arith.constant 0 : i32
    return %c0_i32, %c0_i32_0 : i32, i32
  }
  func.func @transform_4(%arg0: i32) -> i32 {
    %c0_i32 = arith.constant 0 : i32
    %c0_i32_0 = arith.constant 0 : i32
    return %c0_i32 : i32
  }
  func.func @transform_5(%arg0: i32) -> i32 {
    %c0_i32 = arith.constant 0 : i32
    %c0_i32_0 = arith.constant 0 : i32
    return %c0_i32 : i32
  }
  func.func @transform_6(%arg0: i32) -> (i32, i32, i32) {
    %c0_i32 = arith.constant 0 : i32
    %c0_i32_0 = arith.constant 0 : i32
    %c0_i32_1 = arith.constant 0 : i32
    return %arg0, %c0_i32, %c0_i32_0 : i32, i32, i32
  }
  func.func @transform_7(%arg0: i32) -> (i32, i32) {
    %c0_i32 = arith.constant 0 : i32
    %c0_i32_0 = arith.constant 0 : i32
    %c0_i32_1 = arith.constant 0 : i32
    return %c0_i32, %c0_i32_0 : i32, i32
  }
  func.func @transform_8(%arg0: i32) -> i32 {
    %c0_i32 = arith.constant 0 : i32
    %c0_i32_0 = arith.constant 0 : i32
    return %c0_i32 : i32
  }
  func.func @transform_9(%arg0: i32) -> i32 {
    %c0_i32 = arith.constant 0 : i32
    %c0_i32_0 = arith.constant 0 : i32
    return %c0_i32 : i32
  }
  func.func @transform_10(%arg0: i32) -> (i32, i32) {
    %c0_i32 = arith.constant 0 : i32
    %c0_i32_0 = arith.constant 0 : i32
    %c0_i32_1 = arith.constant 0 : i32
    return %c0_i32, %c0_i32_0 : i32, i32
  }
}

</mosaic_0001>

<sc_bundles>
// kernel: kernel.19.cloned.1.call-start
scs
__scs_entry_jumppad:
0x0: {  	(pc) =	sbr.rel $0x88, $3  }
0x1: {  	(tag) =	ssettag $0x0;
	lr =	simm.s32 $0x1  }
0x2: {  	[smem:$0x3F95] =	sst lr;
	_ =	strace $0xD0000000  }
0x3: {  	_ = 	snop  }
0x4: {  	_ = 	snop  }
0x5: {  	_ = 	snop  }
0x6: {  	_ = 	snop  }
0x7: {  	_ = 	snop  }
__scs_overlays_trampoline_lowered:
0x8: {  	[smem:$0x3FA4] =	sst s0  }
0x9: {  	[smem:$0x3FA5] =	sst s1  }
0xa: {  	[smem:$0x3FA6] =	sst s2  }
0xb: {  	[smem:$0x3FA7] =	sst s3  }
0xc: {  	[smem:$0x3FA8] =	sst s4  }
0xd: {  	[smem:$0x3FA9] =	sst s5  }
0xe: {  	[smem:$0x3FAA] =	sst s6  }
0xf: {  	[smem:$0x3FAB] =	sst s7  }
0x10: {  	[smem:$0x3FAC] =	sst s8  }
0x11: {  	[smem:$0x3FAD] =	sst s9;
	s0 =	simm.s32 @!p0 $0x0  }
0x12: {  	s1 =	sld [smem:$0x3F93];
	s0 =	simm.s32 @p0 $0x1  }
0x13: {  	[smem:$0x3FAE] =	sst s0;
	s0 =	simm.s32 @!p1 $0x0  }
0x14: {  	s2 =	sld [smem:$0x3F92];
	s0 =	simm.s32 @p1 $0x1  }
0x15: {  	[smem:$0x3FAF] =	sst s0;
	s0 =	simm.s32 @!p2 $0x0  }
0x16: {  	s3 =	sld [smem:$0x3FDB];
	s0 =	simm.s32 @p2 $0x1  }
0x17: {  	s4 =	simm.s32 $0x1BF5;
	[smem:$0x3FB1] =	sst s0  }
0x18: {  	s0 =	sld [smem:$0x3F94];
	_ =	swait.ge [sflag:s4], $0x0  }
0x19: {  	s7 =	sld [smem:$0x3F95]  }
0x1a: {  	s8 =	sadd.s32 $0xFFFFE003, lr  }
0x1b: {  	s9 =	sadd.s32 $0xFFFFFEF7, lr;
	s5 =	simm.s32 $0xFFFFFFFF;
	p2 =	slt.u32 s8, $0xFFFFF086  }
0x1c: {  	p1 =	slt.u32 s9, $0xF7A;
	s5 =	simm.s32 @!p2 $0x0  }
0x1d: {  	s5 =	simm.s32 @p1 $0x1;
	p0 =	seq.s32 s7, s2  }
0x1e: {  	s7 =	smul.u32 @!p0 $0xF7A, s2;
	p2 =	seq.s32 @!p0 s5, $0x0  }
0x1f: {  	s9 =	smul.u32 $0xF7A, s1;
	s8 =	simm.s32 @!p0 $0x1BF5;
	p2 =	por !p2, p0  }
0x20: {  	[sflag:s8] =	ssyncset.s32 @!p0 $0xFFFFF086;
	s6 =	sadd.s32 @!p0 s3, s7;
	s7 =	simm.s32 @!p0 $0x108  }
0x21: {  	s3 =	sadd.s32 s3, s9;
	s6 =	sadd.s32 @!p0 $0x88, s6;
	s7 =	simm.s32 @p2 $0x1082  }
0x22: {  	[simem:s7], [sflag:s8] =	dma.local @!p0 [hbm:s6], $0xF7A  }
0x23: {  	s9 =	sor.u32 $0xD0000000, s2;
	s6 =	simm.s32 $0x108;
	_ =	swait.ge @!p0 [sflag:s8], $0x0  }
0x24: {  	s3 =	sadd.s32 $0x88, s3;
	s6 =	simm.s32 @!p1 $0x1082;
	[sflag:s4] =	ssyncset.s32 $0xFFFFF086  }
0x25: {  	[simem:s6], [sflag:s4] =	dma.local [hbm:s3], $0xF7A  }
0x26: {  	[smem:$0x3F95] =	sst s1;
	(tag) =	ssettag s2;
	_ =	strace s9  }
0x27: {  	s1 =	sld [smem:$0x3FA5]  }
0x28: {  	s2 =	sld [smem:$0x3FA6]  }
0x29: {  	s4 =	sld [smem:$0x3FA8]  }
0x2a: {  	p0 =	seq.s32 s5, $0x0;
	s5 =	sld [smem:$0x3FA9]  }
0x2b: {  	s6 =	sld [smem:$0x3FAA]  }
0x2c: {  	s7 =	sld [smem:$0x3FAB]  }
0x2d: {  	s3 =	simm.s32 $0x108;
	s8 =	sld [smem:$0x3FAC]  }
0x2e: {  	s3 =	simm.s32 @!p0 $0x1082;
	s9 =	sld [smem:$0x3FAD]  }
0x2f: {  	lr =	sadd.s32 s0, s3;
	s0 =	sld [smem:$0x3FA4]  }
0x30: {  	s3 =	sld [smem:$0x3FA7]  }
0x31: {  	[smem:$0x3FB0] =	sst s10  }
0x32: {  	s10 =	sld [smem:$0x3FAE];
	_ =	sdelay $0x3  }
0x33: {  	p0 =	seq.s32 s10, $0x1;
	s10 =	sld [smem:$0x3FB0];
	_ =	sdelay $0x3  }
0x34: {  	[smem:$0x3FB0] =	sst s10  }
0x35: {  	s10 =	sld [smem:$0x3FAF];
	_ =	sdelay $0x3  }
0x36: {  	p1 =	seq.s32 s10, $0x1;
	s10 =	sld [smem:$0x3FB0];
	_ =	sdelay $0x3  }
0x37: {  	[smem:$0x3FB0] =	sst s10  }
0x38: {  	s10 =	sld [smem:$0x3FB1]  }
0x39: {  	_ = 	snop;
	(pc) =	sbr.ind lr, $3  }
0x3a: {  	_ = 	snop  }
0x3b: {  	_ = 	snop  }
0x3c: {  	p2 =	seq.s32 s10, $0x1;
	s10 =	sld [smem:$0x3FB0]  }
0x3d: {  	_ =	shalt  }
0x3e: {  	_ =	shalt  }
0x3f: {  	_ =	shalt  }
0x40: {  	_ =	shalt  }
0x41: {  	_ =	shalt  }
0x42: {  	_ =	shalt  }
0x43: {  	_ =	shalt  }
0x44: {  	_ =	shalt  }
0x45: {  	_ =	shalt  }
0x46: {  	_ =	shalt  }
0x47: {  	_ =	shalt  }
0x48: {  	_ =	shalt  }
0x49: {  	_ =	shalt  }
0x4a: {  	_ =	shalt  }
0x4b: {  	_ =	shalt  }
0x4c: {  	_ =	shalt  }
0x4d: {  	_ =	shalt  }
0x4e: {  	_ =	shalt  }
0x4f: {  	_ =	shalt  }
0x50: {  	_ =	shalt  }
0x51: {  	_ =	shalt  }
0x52: {  	_ =	shalt  }
0x53: {  	_ =	shalt  }
0x54: {  	_ =	shalt  }
0x55: {  	_ =	shalt  }
0x56: {  	_ =	shalt  }
0x57: {  	_ =	shalt  }
0x58: {  	_ =	shalt  }
0x59: {  	_ =	shalt  }
0x5a: {  	_ =	shalt  }
0x5b: {  	_ =	shalt  }
0x5c: {  	_ =	shalt  }
0x5d: {  	_ =	shalt  }
0x5e: {  	_ =	shalt  }
0x5f: {  	_ =	shalt  }
0x60: {  	_ =	shalt  }
0x61: {  	_ =	shalt  }
0x62: {  	_ =	shalt  }
0x63: {  	_ =	shalt  }
0x64: {  	_ =	shalt  }
0x65: {  	_ =	shalt  }
0x66: {  	_ =	shalt  }
0x67: {  	_ =	shalt  }
0x68: {  	_ =	shalt  }
0x69: {  	_ =	shalt  }
0x6a: {  	_ =	shalt  }
0x6b: {  	_ =	shalt  }
0x6c: {  	_ =	shalt  }
0x6d: {  	_ =	shalt  }
0x6e: {  	_ =	shalt  }
0x6f: {  	_ =	shalt  }
0x70: {  	_ =	shalt  }
0x71: {  	_ =	shalt  }
0x72: {  	_ =	shalt  }
0x73: {  	_ =	shalt  }
0x74: {  	_ =	shalt  }
0x75: {  	_ =	shalt  }
0x76: {  	_ =	shalt  }
0x77: {  	_ =	shalt  }
0x78: {  	_ =	shalt  }
0x79: {  	_ =	shalt  }
0x7a: {  	_ =	shalt  }
0x7b: {  	_ =	shalt  }
0x7c: {  	_ =	shalt  }
0x7d: {  	_ =	shalt  }
0x7e: {  	_ =	shalt  }
0x7f: {  	_ =	shalt  }
0x80: {  	_ =	shalt  }
0x81: {  	_ =	shalt  }
0x82: {  	_ =	shalt  }
0x83: {  	_ =	shalt  }
0x84: {  	_ =	shalt  }
0x85: {  	_ =	shalt  }
0x86: {  	_ =	shalt  }
0x87: {  	_ =	shalt  }
.Lfunc_end0:
.L_simem_size_0:
called_computation_lowered:
.L_overlay_start_0:
0x88: {  	s2 =	sld [smem:$0x3FD9]  }
0x89: {  	s3 =	sld [smem:$0x3FFE];
	_ =	sdelay $0x1  }
0x8a: {  	s1 =	srdreg.scid  }
0x8b: {  	s0 =	sand.u32 $0x1, s1  }
0x8c: {  	s16 =	sshll.u32 s0, $0xA;
	s2 =	sadd.s32 s3, s2  }
0x8d: {  	s2 =	sadd.s32 s2, s16  }
0x8e: {  	[smem:$0x3FBC] =	sst s2  }
0x8f: {  	_ = 	snop  }
0x90: {  	(tm) =	ssettm $0x1  }
0x91: {  	s17 =	sld [smem:$0x3FFB];
	_ =	sdelay $0x3  }
0x92: {  	_ =	strace s17  }
0x93: {  	s2 =	sld [smem:$0x3FFC];
	_ =	sdelay $0x3  }
0x94: {  	_ =	strace s2  }
0x95: {  	s2 =	sld [smem:$0x3FFD];
	_ =	sdelay $0x3  }
0x96: {  	_ =	strace s2  }
0x97: {  	_ =	strace $0x8FFFFFFF  }
0x98: {  	s18 =	sld [smem:$0x3FDB];
	_ =	sdelay $0x1  }
0x99: {  	s19 =	simm.s32 $_scs_section_size  }
0x9a: {  	s4 =	simm.s32 $_size__tile_overlayer_lowered;
	s5 =	simm.s32 $_tile_overlayer_lowered  }
0x9b: {  	s22 =	simm.s32 $0x1BFF;
	s21 =	sshll.u32 s5, $0x1;
	s2 =	sadd.s32 s19, s18  }
0x9c: {  	s6 =	simm.s32 $0x0;
	s20 =	sshll.u32 s4, $0x1;
	s4 =	sadd.s32 s21, s2  }
0x9d: {  	[timem:s6], [sflag:s22] =	dma.local [hbm:s4], s20  }
0x9e: {  	_ =	swait.ge [sflag:s22], s20  }
0x9f: {  	s3 =	ssub.s32 $0x0, s20;
	[sflag:s22] =	ssyncset.done $0x0  }
0xa0: {  	[sflag:s22] =	ssyncadd.s32 s3;
	_ =	sdelay $0x1  }
0xa1: {  	s23 =	simm.s32 $0x1B8B  }
0xa2: {  	_ =	swait.ge [sflag:s23], $0x1  }
0xa3: {  	[sflag:s23] =	ssyncset.done $0x0  }
0xa4: {  	s25 =	simm.s32 $0x1B8E;
	s24 =	sld [smem:$0x3FFE];
	[sflag:s23] =	ssyncadd.s32 $0xFFFFFFFF  }
0xa5: {  	s26 =	simm.s32 $execute0_lowered;
	[smem:$0x3FD2] =	sst s25  }
0xa6: {  	s4 =	sshll.u32 s26, $0x1;
	_ =	strace $0x80000046;
	[dreg:$0x1] =	wrdreg $0xFFFFFFFF  }
0xa7: {  	s28 =	simm.s32 $_size_execute0_lowered;
	s2 =	sadd.s32 s2, s4;
	[dreg:$0x0] =	wrdreg $0x0  }
0xa8: {  	s4 =	sshll.u32 s28, $0x1;
	[dreg:$0x2] =	wrdreg s2  }
0xa9: {  	[dreg:$0x3] =	wrdreg s4  }
0xaa: {  	[dreg:$0x4] =	wrdreg $0xC0  }
0xab: {  	_ =	task [dreg:s6], $0x5FFFF  }
0xac: {  	[dreg:$0x1] =	wrdreg $0xFFFFFFFF  }
0xad: {  	[dreg:$0x0] =	wrdreg $0x60  }
0xae: {  	[dreg:$0x2] =	wrdreg s24  }
0xaf: {  	[dreg:$0x3] =	wrdreg $0x41000  }
0xb0: {  	[dreg:$0x4] =	wrdreg $0x9  }
0xb1: {  	_ =	task.clear_ibuf [dreg:s6], $0x5FFFF;
	_ =	strace $0x90000046  }
0xb2: {  	s29 =	simm.s32 $0x9;
	_ =	strace $0x80000048  }
0xb3: {  	_ =	swait.ge [sflag:s29], $0x1  }
0xb4: {  	[sflag:s29] =	ssyncadd.s32 $0xFFFFFFFF  }
0xb5: {  	_ =	strace $0x90000048  }
0xb6: {  	_ =	sfence  }
0xb7: {  	s30 =	sld [smem:$0x0];
	_ =	sdelay $0x2  }
0xb8: {  	s31 =	sshll.u32 s1, $0xD;
	s1 =	sshrl.u32 s1, $0x2  }
0xb9: {  	s3 =	sand.u32 $0x4000, s31;
	s1 =	sadd.s32 s1, s30  }
0xba: {  	s0 =	sor.u32 s3, s0;
	s1 =	sshll.u32 s1, $0x11  }
0xbb: {  	s0 =	sor.u32 s1, s0  }
0xbc: {  	s0 =	sadd.s32 $0x8F2B, s0  }
0xbd: {  	[sflag:s0] =	ssyncadd.remote.s32 $0x1  }
0xbe: {  	_ =	sfence.sel $0xFFFF  }
0xbf: {  	[dreg:$0x0] =	wrdreg $0xFFFFFFFF;
	(pc) =	sbr.abs _section_cstart, $3  }
0xc0: {  	[dreg:$0x1] =	wrdreg $0xFFFFFFFF  }
0xc1: {  	_ =	task.clear_ibuf [dreg:s6], $0x2FFFF;
	_ =	strace $0x9FFFFFFF  }
0xc2: {  	(tm) =	ssettm $0x7FFFFFFF  }
0xc3: {  	_ =	shalt  }
tec
execute0_lowered:
.L_overlay_start_1:
0x0: {  	(tag) =	ssettag $0x1  }
0x1: {  	s5 =	rddreg [dreg:$0x0]  }
0x2: {  	s1 =	rddreg [dreg:$0x1];
	s3 =	srdreg.scid  }
0x3: {  	s0 =	rddreg [dreg:$0x2];
	s6 =	sand.u32 $0x1, s3  }
0x4: {  	s2 =	simm.s32 $0x0;
	s3 =	stileid.u32;
	s7 =	smul.u32 $0x4F00, s6  }
0x5: {  	s13 =	simm.s32 $0x100;
	s14 =	simm.s32 $0x1;
	s15 =	smul.u32 $0x2780, s3  }
0x6: {  	[smem:$0x7FF] =	sst s2;
	s4 =	sadd.s32 $0x19000, s5;
	s8 =	smul.u32 $0x27800, s6  }
0x7: {  	_ =	strace $0x80000047;
	s6 =	ssub.s32 $0x2, s6;
	s10 =	smul.u32 $0x4F000, s3  }
0x8: {  	s30 =	sshll.u32 s3, $0x6;
	s31 =	smul.u32 $0x4F0, s3;
	s28 =	sshrl.u32 s6, $0x1  }
0x9: {  	s9 =	sadd.s32 s7, s5;
	s11 =	sadd.s32 s15, s5;
	s8 =	sadd.s32 s8, s5  }
0xa: {  	s7 =	ssub.s32 s6, s28;
	s29 =	sshrl.u32 s10, $0x2;
	s6 =	sor.u32 $0x1C02, s30  }
0xb: {  	s12 =	sadd.s32 s29, s1;
	s5 =	sadd.s32 $0x8E400, s11;
	s16 =	sadd.s32 $0xB5C00, s8  }
0xc: {  	s7 =	smax.u32 s7, $0x1;
	s9 =	sadd.s32 s31, s9;
	s11 =	simm.s32 $0x2  }
0xd: {  	s8 =	sadd.s32 $0xF200, s9;
	s9 =	sadd.s32 $0x5400, s9;
	s10 =	sshrl.u32 s12, $0x3  }
0xe: {  	s12 =	simm.s32 $0x80;
	s15 =	sadd.s32 s15, s16;
	s16 =	simm.s32 $0x0  }
.LBB2_1:
0xf: {  	[spmem:s10], [sflag:s6] =	dma.local [hbm:s5], $0x2780  }
0x10: {  	_ =	swait.ge [sflag:s11], $0x2780  }
0x11: {  	[sflag:s11] =	ssyncset.done $0x0  }
0x12: {  	[sflag:s11] =	ssyncadd.s32 $0xFFFFD880  }
0x13: {  	s17 =	sadd.s32 $0x0, s9;
	[bflag:$0x0] =	sbarrier.arrive $0xFFFF  }
0x14: {  	[tilespmem:s2], [sflag:$0x2] =	stream.linear.gather [hbm4b:s17+s2], $0x80, $0x38;
	[tilespmem:$0x17D00] =	vst v63  }
0x15: {  	_ =	swait.ge [sflag:s11], $0x80  }
0x16: {  	[sflag:s11] =	ssyncset.done $0x0  }
0x17: {  	[sflag:s11] =	ssyncadd.s32 $0xFFFFFF80  }
0x18: {  	[tilespmem:s13], [sflag:$0x1] =	stream.indirect.gather [hbm4b:s4+s12], $0x80, s2, s12, $0xb8;
	[tilespmem:$0x17D00] =	vst v63  }
0x19: {  	_ =	swait.ge [sflag:s14], $0x4000  }
0x1a: {  	[sflag:s14] =	ssyncset.done $0x0  }
0x1b: {  	s31 =	sadd.s32 $0x0, s8;
	[sflag:s14] =	ssyncadd.s32 $0xFFFFC000  }
0x1c: {  	[tilespmem:s12], [sflag:$0x2] =	stream.linear.gather [hbm4b:s31+s2], $0x80, $0x38;
	[tilespmem:$0x17D00] =	vst v63  }
0x1d: {  	_ =	swait.ge [sflag:s11], $0x80  }
0x1e: {  	[sflag:s11] =	ssyncset.done $0x0  }
0x1f: {  	[sflag:s11] =	ssyncadd.s32 $0xFFFFFF80  }
0x20: {  	[spmem:s1] =	stream.indirect.scatter.add.f32 [tilespmem:s13], [sflag:$0x2], $0x80, s12, s12, $0xb8;
	[tilespmem:$0x17D00] =	vst v63  }
0x21: {  	_ =	swait.ge [sflag:s11], $0x4000  }
0x22: {  	s18 =	simm.s32 $0x20;
	s17 =	simm.s32 $0x10;
	[sflag:s11] =	ssyncset.done $0x0  }
.LBB2_2:
0x23: {  	s19 =	sadd.s32 s17, s9  }
0x24: {  	[sflag:s11] =	ssyncadd.s32 $0xFFFFC000;
	s20 =	smov.u32 s18;
	s21 =	sadd.s32 $0x10, s18  }
0x25: {  	[tilespmem:s2], [sflag:$0x2] =	stream.linear.gather [hbm4b:s19+s2], $0x80, $0x38;
	[tilespmem:$0x17D00] =	vst v63  }
0x26: {  	p0 =	sne.s32 s18, $0x4E0;
	_ =	swait.ge [sflag:s11], $0x80  }
0x27: {  	[sflag:s11] =	ssyncset.done $0x0  }
0x28: {  	[sflag:s11] =	ssyncadd.s32 $0xFFFFFF80  }
0x29: {  	[tilespmem:s13], [sflag:$0x1] =	stream.indirect.gather [hbm4b:s4+s12], $0x80, s2, s12, $0xb8;
	[tilespmem:$0x17D00] =	vst v63  }
0x2a: {  	_ =	swait.ge [sflag:s14], $0x4000  }
0x2b: {  	[sflag:s14] =	ssyncset.done $0x0  }
0x2c: {  	s18 =	sadd.s32 s17, s8;
	s17 =	smov.u32 s20;
	[sflag:s14] =	ssyncadd.s32 $0xFFFFC000  }
0x2d: {  	[tilespmem:s12], [sflag:$0x2] =	stream.linear.gather [hbm4b:s18+s2], $0x80, $0x38;
	[tilespmem:$0x17D00] =	vst v63  }
0x2e: {  	_ =	swait.ge [sflag:s11], $0x80  }
.Ltmp0:
0x2f: {  	[sflag:s11] =	ssyncset.done $0x0;
	(pc) =	sbr.rel @p0 .LBB2_2-.Ltmp0, $4  }
0x30: {  	[sflag:s11] =	ssyncadd.s32 $0xFFFFFF80  }
0x31: {  	[spmem:s1] =	stream.indirect.scatter.add.f32 [tilespmem:s13], [sflag:$0x2], $0x80, s12, s12, $0xb8;
	[tilespmem:$0x17D00] =	vst v63  }
0x32: {  	_ =	swait.ge [sflag:s11], $0x4000  }
0x33: {  	s18 =	smov.u32 s21;
	[sflag:s11] =	ssyncset.done $0x0  }
0x34: {  	s18 =	sadd.s32 s17, s9;
	[sflag:s11] =	ssyncadd.s32 $0xFFFFC000  }
0x35: {  	[tilespmem:s2], [sflag:$0x2] =	stream.linear.gather [hbm4b:s18+s2], $0x80, $0x38;
	[tilespmem:$0x17D00] =	vst v63  }
0x36: {  	_ =	swait.ge [sflag:s11], $0x80  }
0x37: {  	[sflag:s11] =	ssyncset.done $0x0  }
0x38: {  	[sflag:s11] =	ssyncadd.s32 $0xFFFFFF80  }
0x39: {  	[tilespmem:s13], [sflag:$0x1] =	stream.indirect.gather [hbm4b:s4+s12], $0x80, s2, s12, $0xb8;
	[tilespmem:$0x17D00] =	vst v63  }
0x3a: {  	_ =	swait.ge [sflag:s14], $0x4000  }
0x3b: {  	[sflag:s14] =	ssyncset.done $0x0  }
0x3c: {  	s31 =	sadd.s32 s17, s8;
	[sflag:s14] =	ssyncadd.s32 $0xFFFFC000  }
0x3d: {  	[tilespmem:s12], [sflag:$0x2] =	stream.linear.gather [hbm4b:s31+s2], $0x80, $0x38;
	[tilespmem:$0x17D00] =	vst v63  }
0x3e: {  	_ =	swait.ge [sflag:s11], $0x80  }
0x3f: {  	[sflag:s11] =	ssyncset.done $0x0  }
0x40: {  	[sflag:s11] =	ssyncadd.s32 $0xFFFFFF80  }
0x41: {  	[spmem:s1] =	stream.indirect.scatter.add.f32 [tilespmem:s13], [sflag:$0x2], $0x80, s12, s12, $0xb8;
	[tilespmem:$0x17D00] =	vst v63  }
0x42: {  	_ =	swait.ge [sflag:s11], $0x4000  }
0x43: {  	s16 =	sadd.s32 $0x1, s16;
	[sflag:s11] =	ssyncset.done $0x0  }
0x44: {  	p0 =	sne.s32 s16, s7;
	[sflag:s11] =	ssyncadd.s32 $0xFFFFC000  }
.Ltmp1:
0x45: {  	[bflag:$0x0] =	sbarrier.arrive $0xFFFF;
	(pc) =	sbr.rel @p0 .LBB2_1-.Ltmp1, $4  }
0x46: {  	[hbm:s15], [sflag:s6] =	dma.local [spmem:s10], $0x2780  }
0x47: {  	_ =	swait.ge [sflag:s11], $0x2780  }
0x48: {  	[sflag:s11] =	ssyncset.done $0x0  }
0x49: {  	[sflag:s11] =	ssyncadd.s32 $0xFFFFD880  }
0x4a: {  	_ =	sfence.sel $0x180000  }
0x4b: {  	[bflag:$0x0] =	sbarrier.arrive $0xFFFF  }
0x4c: {  	p0 =	sne.s32 s3, $0x0;
	_ =	strace $0x90000047  }
0x4d: {  	s0 =	sadd.s32 @!p0 $0x100000, s0;
	[bflag:$0x2] =	sbarrier.arrive $0xFFFF  }
0x4e: {  	[sflag:s0] =	ssyncadd.tile.s32 @!p0 $0x1;
	_ =	shalt  }
.Lfunc_end2:
_tile_overlayer_lowered:
.L_overlay_start_2:
0x4f: {  	(tag) =	ssettag $0x2  }
0x50: {  	s0 =	rddreg [dreg:$0x0];
	s2 =	stileid.u32  }
0x51: {  	s1 =	rddreg [dreg:$0x1];
	p0 =	sne.s32 s2, $0x0  }
0x52: {  	s3 =	rddreg [dreg:$0x2];
	[bflag:$0x3] =	sbarrier.arrive $0xFFFF;
	s2 =	simm.s32 @!p0 $0x1C02  }
0x53: {  	[timem:s3], [sflag:s2] =	dma.local @!p0 [hbm:s0], s1  }
0x54: {  	s0 =	simm.s32 @!p0 $0x2  }
0x55: {  	_ =	swait.ge @!p0 [sflag:s0], s1  }
0x56: {  	s1 =	ssub.s32 @!p0 $0x0, s1;
	[sflag:s0] =	ssyncset.done @!p0 $0x0  }
0x57: {  	[sflag:s0] =	ssyncadd.s32 @!p0 s1  }
0x58: {  	[bflag:$0x3] =	sbarrier.arrive $0xFFFF  }
0x59: {  	_ =	shalt  }

// kernel: kernel.22.cloned.1.call-start
scs
__scs_entry_jumppad:
0x0: {  	(pc) =	sbr.rel $0x88, $3  }
0x1: {  	(tag) =	ssettag $0x0;
	lr =	simm.s32 $0x1  }
0x2: {  	[smem:$0x3F95] =	sst lr;
	_ =	strace $0xD0000000  }
0x3: {  	_ = 	snop  }
0x4: {  	_ = 	snop  }
0x5: {  	_ = 	snop  }
0x6: {  	_ = 	snop  }
0x7: {  	_ = 	snop  }
__scs_overlays_trampoline_lowered:
0x8: {  	[smem:$0x3FA4] =	sst s0  }
0x9: {  	[smem:$0x3FA5] =	sst s1  }
0xa: {  	[smem:$0x3FA6] =	sst s2  }
0xb: {  	[smem:$0x3FA7] =	sst s3  }
0xc: {  	[smem:$0x3FA8] =	sst s4  }
0xd: {  	[smem:$0x3FA9] =	sst s5  }
0xe: {  	[smem:$0x3FAA] =	sst s6  }
0xf: {  	[smem:$0x3FAB] =	sst s7  }
0x10: {  	[smem:$0x3FAC] =	sst s8  }
0x11: {  	[smem:$0x3FAD] =	sst s9;
	s0 =	simm.s32 @!p0 $0x0  }
0x12: {  	s1 =	sld [smem:$0x3F93];
	s0 =	simm.s32 @p0 $0x1  }
0x13: {  	[smem:$0x3FAE] =	sst s0;
	s0 =	simm.s32 @!p1 $0x0  }
0x14: {  	s2 =	sld [smem:$0x3F92];
	s0 =	simm.s32 @p1 $0x1  }
0x15: {  	[smem:$0x3FAF] =	sst s0;
	s0 =	simm.s32 @!p2 $0x0  }
0x16: {  	s3 =	sld [smem:$0x3FDB];
	s0 =	simm.s32 @p2 $0x1  }
0x17: {  	s4 =	simm.s32 $0x1BF5;
	[smem:$0x3FB1] =	sst s0  }
0x18: {  	s0 =	sld [smem:$0x3F94];
	_ =	swait.ge [sflag:s4], $0x0  }
0x19: {  	s7 =	sld [smem:$0x3F95]  }
0x1a: {  	s8 =	sadd.s32 $0xFFFFE003, lr  }
0x1b: {  	s9 =	sadd.s32 $0xFFFFFEF7, lr;
	s5 =	simm.s32 $0xFFFFFFFF;
	p2 =	slt.u32 s8, $0xFFFFF086  }
0x1c: {  	p1 =	slt.u32 s9, $0xF7A;
	s5 =	simm.s32 @!p2 $0x0  }
0x1d: {  	s5 =	simm.s32 @p1 $0x1;
	p0 =	seq.s32 s7, s2  }
0x1e: {  	s7 =	smul.u32 @!p0 $0xF7A, s2;
	p2 =	seq.s32 @!p0 s5, $0x0  }
0x1f: {  	s9 =	smul.u32 $0xF7A, s1;
	s8 =	simm.s32 @!p0 $0x1BF5;
	p2 =	por !p2, p0  }
0x20: {  	[sflag:s8] =	ssyncset.s32 @!p0 $0xFFFFF086;
	s6 =	sadd.s32 @!p0 s3, s7;
	s7 =	simm.s32 @!p0 $0x108  }
0x21: {  	s3 =	sadd.s32 s3, s9;
	s6 =	sadd.s32 @!p0 $0x88, s6;
	s7 =	simm.s32 @p2 $0x1082  }
0x22: {  	[simem:s7], [sflag:s8] =	dma.local @!p0 [hbm:s6], $0xF7A  }
0x23: {  	s9 =	sor.u32 $0xD0000000, s2;
	s6 =	simm.s32 $0x108;
	_ =	swait.ge @!p0 [sflag:s8], $0x0  }
0x24: {  	s3 =	sadd.s32 $0x88, s3;
	s6 =	simm.s32 @!p1 $0x1082;
	[sflag:s4] =	ssyncset.s32 $0xFFFFF086  }
0x25: {  	[simem:s6], [sflag:s4] =	dma.local [hbm:s3], $0xF7A  }
0x26: {  	[smem:$0x3F95] =	sst s1;
	(tag) =	ssettag s2;
	_ =	strace s9  }
0x27: {  	s1 =	sld [smem:$0x3FA5]  }
0x28: {  	s2 =	sld [smem:$0x3FA6]  }
0x29: {  	s4 =	sld [smem:$0x3FA8]  }
0x2a: {  	p0 =	seq.s32 s5, $0x0;
	s5 =	sld [smem:$0x3FA9]  }
0x2b: {  	s6 =	sld [smem:$0x3FAA]  }
0x2c: {  	s7 =	sld [smem:$0x3FAB]  }
0x2d: {  	s3 =	simm.s32 $0x108;
	s8 =	sld [smem:$0x3FAC]  }
0x2e: {  	s3 =	simm.s32 @!p0 $0x1082;
	s9 =	sld [smem:$0x3FAD]  }
0x2f: {  	lr =	sadd.s32 s0, s3;
	s0 =	sld [smem:$0x3FA4]  }
0x30: {  	s3 =	sld [smem:$0x3FA7]  }
0x31: {  	[smem:$0x3FB0] =	sst s10  }
0x32: {  	s10 =	sld [smem:$0x3FAE];
	_ =	sdelay $0x3  }
0x33: {  	p0 =	seq.s32 s10, $0x1;
	s10 =	sld [smem:$0x3FB0];
	_ =	sdelay $0x3  }
0x34: {  	[smem:$0x3FB0] =	sst s10  }
0x35: {  	s10 =	sld [smem:$0x3FAF];
	_ =	sdelay $0x3  }
0x36: {  	p1 =	seq.s32 s10, $0x1;
	s10 =	sld [smem:$0x3FB0];
	_ =	sdelay $0x3  }
0x37: {  	[smem:$0x3FB0] =	sst s10  }
0x38: {  	s10 =	sld [smem:$0x3FB1]  }
0x39: {  	_ = 	snop;
	(pc) =	sbr.ind lr, $3  }
0x3a: {  	_ = 	snop  }
0x3b: {  	_ = 	snop  }
0x3c: {  	p2 =	seq.s32 s10, $0x1;
	s10 =	sld [smem:$0x3FB0]  }
0x3d: {  	_ =	shalt  }
0x3e: {  	_ =	shalt  }
0x3f: {  	_ =	shalt  }
0x40: {  	_ =	shalt  }
0x41: {  	_ =	shalt  }
0x42: {  	_ =	shalt  }
0x43: {  	_ =	shalt  }
0x44: {  	_ =	shalt  }
0x45: {  	_ =	shalt  }
0x46: {  	_ =	shalt  }
0x47: {  	_ =	shalt  }
0x48: {  	_ =	shalt  }
0x49: {  	_ =	shalt  }
0x4a: {  	_ =	shalt  }
0x4b: {  	_ =	shalt  }
0x4c: {  	_ =	shalt  }
0x4d: {  	_ =	shalt  }
0x4e: {  	_ =	shalt  }
0x4f: {  	_ =	shalt  }
0x50: {  	_ =	shalt  }
0x51: {  	_ =	shalt  }
0x52: {  	_ =	shalt  }
0x53: {  	_ =	shalt  }
0x54: {  	_ =	shalt  }
0x55: {  	_ =	shalt  }
0x56: {  	_ =	shalt  }
0x57: {  	_ =	shalt  }
0x58: {  	_ =	shalt  }
0x59: {  	_ =	shalt  }
0x5a: {  	_ =	shalt  }
0x5b: {  	_ =	shalt  }
0x5c: {  	_ =	shalt  }
0x5d: {  	_ =	shalt  }
0x5e: {  	_ =	shalt  }
0x5f: {  	_ =	shalt  }
0x60: {  	_ =	shalt  }
0x61: {  	_ =	shalt  }
0x62: {  	_ =	shalt  }
0x63: {  	_ =	shalt  }
0x64: {  	_ =	shalt  }
0x65: {  	_ =	shalt  }
0x66: {  	_ =	shalt  }
0x67: {  	_ =	shalt  }
0x68: {  	_ =	shalt  }
0x69: {  	_ =	shalt  }
0x6a: {  	_ =	shalt  }
0x6b: {  	_ =	shalt  }
0x6c: {  	_ =	shalt  }
0x6d: {  	_ =	shalt  }
0x6e: {  	_ =	shalt  }
0x6f: {  	_ =	shalt  }
0x70: {  	_ =	shalt  }
0x71: {  	_ =	shalt  }
0x72: {  	_ =	shalt  }
0x73: {  	_ =	shalt  }
0x74: {  	_ =	shalt  }
0x75: {  	_ =	shalt  }
0x76: {  	_ =	shalt  }
0x77: {  	_ =	shalt  }
0x78: {  	_ =	shalt  }
0x79: {  	_ =	shalt  }
0x7a: {  	_ =	shalt  }
0x7b: {  	_ =	shalt  }
0x7c: {  	_ =	shalt  }
0x7d: {  	_ =	shalt  }
0x7e: {  	_ =	shalt  }
0x7f: {  	_ =	shalt  }
0x80: {  	_ =	shalt  }
0x81: {  	_ =	shalt  }
0x82: {  	_ =	shalt  }
0x83: {  	_ =	shalt  }
0x84: {  	_ =	shalt  }
0x85: {  	_ =	shalt  }
0x86: {  	_ =	shalt  }
0x87: {  	_ =	shalt  }
.Lfunc_end0:
.L_simem_size_0:
called_computation.1_lowered:
.L_overlay_start_0:
0x88: {  	s2 =	sld [smem:$0x3FD9]  }
0x89: {  	s3 =	sld [smem:$0x3FFE];
	_ =	sdelay $0x1  }
0x8a: {  	s1 =	srdreg.scid  }
0x8b: {  	s0 =	sand.u32 $0x1, s1  }
0x8c: {  	s16 =	sshll.u32 s0, $0xA;
	s2 =	sadd.s32 s3, s2  }
0x8d: {  	s2 =	sadd.s32 s2, s16  }
0x8e: {  	[smem:$0x3FBC] =	sst s2  }
0x8f: {  	_ = 	snop  }
0x90: {  	(tm) =	ssettm $0x1  }
0x91: {  	s17 =	sld [smem:$0x3FFB];
	_ =	sdelay $0x3  }
0x92: {  	_ =	strace s17  }
0x93: {  	s2 =	sld [smem:$0x3FFC];
	_ =	sdelay $0x3  }
0x94: {  	_ =	strace s2  }
0x95: {  	s2 =	sld [smem:$0x3FFD];
	_ =	sdelay $0x3  }
0x96: {  	_ =	strace s2  }
0x97: {  	_ =	strace $0x8FFFFFFF  }
0x98: {  	s18 =	sld [smem:$0x3FDB];
	_ =	sdelay $0x1  }
0x99: {  	s19 =	simm.s32 $_scs_section_size  }
0x9a: {  	s4 =	simm.s32 $_size__tile_overlayer_lowered;
	s5 =	simm.s32 $_tile_overlayer_lowered  }
0x9b: {  	s22 =	simm.s32 $0x1BFF;
	s21 =	sshll.u32 s5, $0x1;
	s2 =	sadd.s32 s19, s18  }
0x9c: {  	s6 =	simm.s32 $0x0;
	s20 =	sshll.u32 s4, $0x1;
	s4 =	sadd.s32 s21, s2  }
0x9d: {  	[timem:s6], [sflag:s22] =	dma.local [hbm:s4], s20  }
0x9e: {  	_ =	swait.ge [sflag:s22], s20  }
0x9f: {  	s3 =	ssub.s32 $0x0, s20;
	[sflag:s22] =	ssyncset.done $0x0  }
0xa0: {  	[sflag:s22] =	ssyncadd.s32 s3;
	_ =	sdelay $0x1  }
0xa1: {  	s23 =	simm.s32 $0x1B8B  }
0xa2: {  	_ =	swait.ge [sflag:s23], $0x1  }
0xa3: {  	[sflag:s23] =	ssyncset.done $0x0  }
0xa4: {  	s25 =	simm.s32 $0x1B8E;
	s24 =	sld [smem:$0x3FFE];
	[sflag:s23] =	ssyncadd.s32 $0xFFFFFFFF  }
0xa5: {  	s26 =	simm.s32 $execute0_lowered;
	[smem:$0x3FD2] =	sst s25  }
0xa6: {  	s4 =	sshll.u32 s26, $0x1;
	_ =	strace $0x80000049;
	[dreg:$0x1] =	wrdreg $0xFFFFFFFF  }
0xa7: {  	s28 =	simm.s32 $_size_execute0_lowered;
	s2 =	sadd.s32 s2, s4;
	[dreg:$0x0] =	wrdreg $0x0  }
0xa8: {  	s4 =	sshll.u32 s28, $0x1;
	[dreg:$0x2] =	wrdreg s2  }
0xa9: {  	[dreg:$0x3] =	wrdreg s4  }
0xaa: {  	[dreg:$0x4] =	wrdreg $0xC0  }
0xab: {  	_ =	task [dreg:s6], $0x5FFFF  }
0xac: {  	[dreg:$0x1] =	wrdreg $0xFFFFFFFF  }
0xad: {  	[dreg:$0x0] =	wrdreg $0x60  }
0xae: {  	[dreg:$0x2] =	wrdreg s24  }
0xaf: {  	[dreg:$0x3] =	wrdreg $0x41000  }
0xb0: {  	[dreg:$0x4] =	wrdreg $0x9  }
0xb1: {  	_ =	task.clear_ibuf [dreg:s6], $0x5FFFF;
	_ =	strace $0x90000049  }
0xb2: {  	s29 =	simm.s32 $0x9;
	_ =	strace $0x8000004B  }
0xb3: {  	_ =	swait.ge [sflag:s29], $0x1  }
0xb4: {  	[sflag:s29] =	ssyncadd.s32 $0xFFFFFFFF  }
0xb5: {  	_ =	strace $0x9000004B  }
0xb6: {  	_ =	sfence  }
0xb7: {  	s30 =	sld [smem:$0x0];
	_ =	sdelay $0x2  }
0xb8: {  	s31 =	sshll.u32 s1, $0xD;
	s1 =	sshrl.u32 s1, $0x2  }
0xb9: {  	s3 =	sand.u32 $0x4000, s31;
	s1 =	sadd.s32 s1, s30  }
0xba: {  	s0 =	sor.u32 s3, s0;
	s1 =	sshll.u32 s1, $0x11  }
0xbb: {  	s0 =	sor.u32 s1, s0  }
0xbc: {  	s0 =	sadd.s32 $0x8F2B, s0  }
0xbd: {  	[sflag:s0] =	ssyncadd.remote.s32 $0x1  }
0xbe: {  	_ =	sfence.sel $0xFFFF  }
0xbf: {  	[dreg:$0x0] =	wrdreg $0xFFFFFFFF;
	(pc) =	sbr.abs _section_cstart, $3  }
0xc0: {  	[dreg:$0x1] =	wrdreg $0xFFFFFFFF  }
0xc1: {  	_ =	task.clear_ibuf [dreg:s6], $0x2FFFF;
	_ =	strace $0x9FFFFFFF  }
0xc2: {  	(tm) =	ssettm $0x7FFFFFFF  }
0xc3: {  	_ =	shalt  }
tec
execute0_lowered:
.L_overlay_start_1:
0x0: {  	(tag) =	ssettag $0x1  }
0x1: {  	s5 =	rddreg [dreg:$0x0]  }
0x2: {  	s1 =	rddreg [dreg:$0x1];
	s3 =	srdreg.scid  }
0x3: {  	s0 =	rddreg [dreg:$0x2];
	s6 =	sand.u32 $0x1, s3  }
0x4: {  	s2 =	simm.s32 $0x0;
	s3 =	stileid.u32;
	s7 =	smul.u32 $0x4F00, s6  }
0x5: {  	s13 =	simm.s32 $0x100;
	s14 =	simm.s32 $0x1;
	s15 =	smul.u32 $0x2780, s3  }
0x6: {  	[smem:$0x7FF] =	sst s2;
	s4 =	sadd.s32 $0x19000, s5;
	s8 =	smul.u32 $0x27800, s6  }
0x7: {  	_ =	strace $0x8000004A;
	s6 =	ssub.s32 $0x2, s6;
	s10 =	smul.u32 $0x4F000, s3  }
0x8: {  	s30 =	sshll.u32 s3, $0x6;
	s31 =	smul.u32 $0x4F0, s3;
	s28 =	sshrl.u32 s6, $0x1  }
0x9: {  	s9 =	sadd.s32 s7, s5;
	s11 =	sadd.s32 s15, s5;
	s8 =	sadd.s32 s8, s5  }
0xa: {  	s7 =	ssub.s32 s6, s28;
	s29 =	sshrl.u32 s10, $0x2;
	s6 =	sor.u32 $0x1C02, s30  }
0xb: {  	s12 =	sadd.s32 s29, s1;
	s5 =	sadd.s32 $0x8E400, s11;
	s16 =	sadd.s32 $0xB5C00, s8  }
0xc: {  	s7 =	smax.u32 s7, $0x1;
	s9 =	sadd.s32 s31, s9;
	s11 =	simm.s32 $0x2  }
0xd: {  	s8 =	sadd.s32 $0xF200, s9;
	s9 =	sadd.s32 $0x5400, s9;
	s10 =	sshrl.u32 s12, $0x3  }
0xe: {  	s12 =	simm.s32 $0x80;
	s15 =	sadd.s32 s15, s16;
	s16 =	simm.s32 $0x0  }
.LBB2_1:
0xf: {  	[spmem:s10], [sflag:s6] =	dma.local [hbm:s5], $0x2780  }
0x10: {  	_ =	swait.ge [sflag:s11], $0x2780  }
0x11: {  	[sflag:s11] =	ssyncset.done $0x0  }
0x12: {  	[sflag:s11] =	ssyncadd.s32 $0xFFFFD880  }
0x13: {  	s17 =	sadd.s32 $0x0, s9;
	[bflag:$0x0] =	sbarrier.arrive $0xFFFF  }
0x14: {  	[tilespmem:s2], [sflag:$0x2] =	stream.linear.gather [hbm4b:s17+s2], $0x80, $0x38;
	[tilespmem:$0x17D00] =	vst v63  }
0x15: {  	_ =	swait.ge [sflag:s11], $0x80  }
0x16: {  	[sflag:s11] =	ssyncset.done $0x0  }
0x17: {  	[sflag:s11] =	ssyncadd.s32 $0xFFFFFF80  }
0x18: {  	[tilespmem:s13], [sflag:$0x1] =	stream.indirect.gather [hbm4b:s4+s12], $0x80, s2, s12, $0xb8;
	[tilespmem:$0x17D00] =	vst v63  }
0x19: {  	_ =	swait.ge [sflag:s14], $0x4000  }
0x1a: {  	[sflag:s14] =	ssyncset.done $0x0  }
0x1b: {  	s31 =	sadd.s32 $0x0, s8;
	[sflag:s14] =	ssyncadd.s32 $0xFFFFC000  }
0x1c: {  	[tilespmem:s12], [sflag:$0x2] =	stream.linear.gather [hbm4b:s31+s2], $0x80, $0x38;
	[tilespmem:$0x17D00] =	vst v63  }
0x1d: {  	_ =	swait.ge [sflag:s11], $0x80  }
0x1e: {  	[sflag:s11] =	ssyncset.done $0x0  }
0x1f: {  	[sflag:s11] =	ssyncadd.s32 $0xFFFFFF80  }
0x20: {  	[spmem:s1] =	stream.indirect.scatter.add.f32 [tilespmem:s13], [sflag:$0x2], $0x80, s12, s12, $0xb8;
	[tilespmem:$0x17D00] =	vst v63  }
0x21: {  	_ =	swait.ge [sflag:s11], $0x4000  }
0x22: {  	s18 =	simm.s32 $0x20;
	s17 =	simm.s32 $0x10;
	[sflag:s11] =	ssyncset.done $0x0  }
.LBB2_2:
0x23: {  	s19 =	sadd.s32 s17, s9  }
0x24: {  	[sflag:s11] =	ssyncadd.s32 $0xFFFFC000;
	s20 =	smov.u32 s18;
	s21 =	sadd.s32 $0x10, s18  }
0x25: {  	[tilespmem:s2], [sflag:$0x2] =	stream.linear.gather [hbm4b:s19+s2], $0x80, $0x38;
	[tilespmem:$0x17D00] =	vst v63  }
0x26: {  	p0 =	sne.s32 s18, $0x4E0;
	_ =	swait.ge [sflag:s11], $0x80  }
0x27: {  	[sflag:s11] =	ssyncset.done $0x0  }
0x28: {  	[sflag:s11] =	ssyncadd.s32 $0xFFFFFF80  }
0x29: {  	[tilespmem:s13], [sflag:$0x1] =	stream.indirect.gather [hbm4b:s4+s12], $0x80, s2, s12, $0xb8;
	[tilespmem:$0x17D00] =	vst v63  }
0x2a: {  	_ =	swait.ge [sflag:s14], $0x4000  }
0x2b: {  	[sflag:s14] =	ssyncset.done $0x0  }
0x2c: {  	s18 =	sadd.s32 s17, s8;
	s17 =	smov.u32 s20;
	[sflag:s14] =	ssyncadd.s32 $0xFFFFC000  }
0x2d: {  	[tilespmem:s12], [sflag:$0x2] =	stream.linear.gather [hbm4b:s18+s2], $0x80, $0x38;
	[tilespmem:$0x17D00] =	vst v63  }
0x2e: {  	_ =	swait.ge [sflag:s11], $0x80  }
.Ltmp0:
0x2f: {  	[sflag:s11] =	ssyncset.done $0x0;
	(pc) =	sbr.rel @p0 .LBB2_2-.Ltmp0, $4  }
0x30: {  	[sflag:s11] =	ssyncadd.s32 $0xFFFFFF80  }
0x31: {  	[spmem:s1] =	stream.indirect.scatter.add.f32 [tilespmem:s13], [sflag:$0x2], $0x80, s12, s12, $0xb8;
	[tilespmem:$0x17D00] =	vst v63  }
0x32: {  	_ =	swait.ge [sflag:s11], $0x4000  }
0x33: {  	s18 =	smov.u32 s21;
	[sflag:s11] =	ssyncset.done $0x0  }
0x34: {  	s18 =	sadd.s32 s17, s9;
	[sflag:s11] =	ssyncadd.s32 $0xFFFFC000  }
0x35: {  	[tilespmem:s2], [sflag:$0x2] =	stream.linear.gather [hbm4b:s18+s2], $0x80, $0x38;
	[tilespmem:$0x17D00] =	vst v63  }
0x36: {  	_ =	swait.ge [sflag:s11], $0x80  }
0x37: {  	[sflag:s11] =	ssyncset.done $0x0  }
0x38: {  	[sflag:s11] =	ssyncadd.s32 $0xFFFFFF80  }
0x39: {  	[tilespmem:s13], [sflag:$0x1] =	stream.indirect.gather [hbm4b:s4+s12], $0x80, s2, s12, $0xb8;
	[tilespmem:$0x17D00] =	vst v63  }
0x3a: {  	_ =	swait.ge [sflag:s14], $0x4000  }
0x3b: {  	[sflag:s14] =	ssyncset.done $0x0  }
0x3c: {  	s31 =	sadd.s32 s17, s8;
	[sflag:s14] =	ssyncadd.s32 $0xFFFFC000  }
0x3d: {  	[tilespmem:s12], [sflag:$0x2] =	stream.linear.gather [hbm4b:s31+s2], $0x80, $0x38;
	[tilespmem:$0x17D00] =	vst v63  }
0x3e: {  	_ =	swait.ge [sflag:s11], $0x80  }
0x3f: {  	[sflag:s11] =	ssyncset.done $0x0  }
0x40: {  	[sflag:s11] =	ssyncadd.s32 $0xFFFFFF80  }
0x41: {  	[spmem:s1] =	stream.indirect.scatter.add.f32 [tilespmem:s13], [sflag:$0x2], $0x80, s12, s12, $0xb8;
	[tilespmem:$0x17D00] =	vst v63  }
0x42: {  	_ =	swait.ge [sflag:s11], $0x4000  }
0x43: {  	s16 =	sadd.s32 $0x1, s16;
	[sflag:s11] =	ssyncset.done $0x0  }
0x44: {  	p0 =	sne.s32 s16, s7;
	[sflag:s11] =	ssyncadd.s32 $0xFFFFC000  }
.Ltmp1:
0x45: {  	[bflag:$0x0] =	sbarrier.arrive $0xFFFF;
	(pc) =	sbr.rel @p0 .LBB2_1-.Ltmp1, $4  }
0x46: {  	[hbm:s15], [sflag:s6] =	dma.local [spmem:s10], $0x2780  }
0x47: {  	_ =	swait.ge [sflag:s11], $0x2780  }
0x48: {  	[sflag:s11] =	ssyncset.done $0x0  }
0x49: {  	[sflag:s11] =	ssyncadd.s32 $0xFFFFD880  }
0x4a: {  	_ =	sfence.sel $0x180000  }
0x4b: {  	[bflag:$0x0] =	sbarrier.arrive $0xFFFF  }
0x4c: {  	p0 =	sne.s32 s3, $0x0;
	_ =	strace $0x9000004A  }
0x4d: {  	s0 =	sadd.s32 @!p0 $0x100000, s0;
	[bflag:$0x2] =	sbarrier.arrive $0xFFFF  }
0x4e: {  	[sflag:s0] =	ssyncadd.tile.s32 @!p0 $0x1;
	_ =	shalt  }
.Lfunc_end2:
_tile_overlayer_lowered:
.L_overlay_start_2:
0x4f: {  	(tag) =	ssettag $0x2  }
0x50: {  	s0 =	rddreg [dreg:$0x0];
	s2 =	stileid.u32  }
0x51: {  	s1 =	rddreg [dreg:$0x1];
	p0 =	sne.s32 s2, $0x0  }
0x52: {  	s3 =	rddreg [dreg:$0x2];
	[bflag:$0x3] =	sbarrier.arrive $0xFFFF;
	s2 =	simm.s32 @!p0 $0x1C02  }
0x53: {  	[timem:s3], [sflag:s2] =	dma.local @!p0 [hbm:s0], s1  }
0x54: {  	s0 =	simm.s32 @!p0 $0x2  }
0x55: {  	_ =	swait.ge @!p0 [sflag:s0], s1  }
0x56: {  	s1 =	ssub.s32 @!p0 $0x0, s1;
	[sflag:s0] =	ssyncset.done @!p0 $0x0  }
0x57: {  	[sflag:s0] =	ssyncadd.s32 @!p0 s1  }
0x58: {  	[bflag:$0x3] =	sbarrier.arrive $0xFFFF  }
0x59: {  	_ =	shalt  }

// kernel: kernel.25.cloned.1.call-start
scs
__scs_entry_jumppad:
0x0: {  	(pc) =	sbr.rel $0x88, $3  }
0x1: {  	(tag) =	ssettag $0x0;
	lr =	simm.s32 $0x1  }
0x2: {  	[smem:$0x3F95] =	sst lr;
	_ =	strace $0xD0000000  }
0x3: {  	_ = 	snop  }
0x4: {  	_ = 	snop  }
0x5: {  	_ = 	snop  }
0x6: {  	_ = 	snop  }
0x7: {  	_ = 	snop  }
__scs_overlays_trampoline_lowered:
0x8: {  	[smem:$0x3FA4] =	sst s0  }
0x9: {  	[smem:$0x3FA5] =	sst s1  }
0xa: {  	[smem:$0x3FA6] =	sst s2  }
0xb: {  	[smem:$0x3FA7] =	sst s3  }
0xc: {  	[smem:$0x3FA8] =	sst s4  }
0xd: {  	[smem:$0x3FA9] =	sst s5  }
0xe: {  	[smem:$0x3FAA] =	sst s6  }
0xf: {  	[smem:$0x3FAB] =	sst s7  }
0x10: {  	[smem:$0x3FAC] =	sst s8  }
0x11: {  	[smem:$0x3FAD] =	sst s9;
	s0 =	simm.s32 @!p0 $0x0  }
0x12: {  	s1 =	sld [smem:$0x3F93];
	s0 =	simm.s32 @p0 $0x1  }
0x13: {  	[smem:$0x3FAE] =	sst s0;
	s0 =	simm.s32 @!p1 $0x0  }
0x14: {  	s2 =	sld [smem:$0x3F92];
	s0 =	simm.s32 @p1 $0x1  }
0x15: {  	[smem:$0x3FAF] =	sst s0;
	s0 =	simm.s32 @!p2 $0x0  }
0x16: {  	s3 =	sld [smem:$0x3FDB];
	s0 =	simm.s32 @p2 $0x1  }
0x17: {  	s4 =	simm.s32 $0x1BF5;
	[smem:$0x3FB1] =	sst s0  }
0x18: {  	s0 =	sld [smem:$0x3F94];
	_ =	swait.ge [sflag:s4], $0x0  }
0x19: {  	s7 =	sld [smem:$0x3F95]  }
0x1a: {  	s8 =	sadd.s32 $0xFFFFE003, lr  }
0x1b: {  	s9 =	sadd.s32 $0xFFFFFEF7, lr;
	s5 =	simm.s32 $0xFFFFFFFF;
	p2 =	slt.u32 s8, $0xFFFFF086  }
0x1c: {  	p1 =	slt.u32 s9, $0xF7A;
	s5 =	simm.s32 @!p2 $0x0  }
0x1d: {  	s5 =	simm.s32 @p1 $0x1;
	p0 =	seq.s32 s7, s2  }
0x1e: {  	s7 =	smul.u32 @!p0 $0xF7A, s2;
	p2 =	seq.s32 @!p0 s5, $0x0  }
0x1f: {  	s9 =	smul.u32 $0xF7A, s1;
	s8 =	simm.s32 @!p0 $0x1BF5;
	p2 =	por !p2, p0  }
0x20: {  	[sflag:s8] =	ssyncset.s32 @!p0 $0xFFFFF086;
	s6 =	sadd.s32 @!p0 s3, s7;
	s7 =	simm.s32 @!p0 $0x108  }
0x21: {  	s3 =	sadd.s32 s3, s9;
	s6 =	sadd.s32 @!p0 $0x88, s6;
	s7 =	simm.s32 @p2 $0x1082  }
0x22: {  	[simem:s7], [sflag:s8] =	dma.local @!p0 [hbm:s6], $0xF7A  }
0x23: {  	s9 =	sor.u32 $0xD0000000, s2;
	s6 =	simm.s32 $0x108;
	_ =	swait.ge @!p0 [sflag:s8], $0x0  }
0x24: {  	s3 =	sadd.s32 $0x88, s3;
	s6 =	simm.s32 @!p1 $0x1082;
	[sflag:s4] =	ssyncset.s32 $0xFFFFF086  }
0x25: {  	[simem:s6], [sflag:s4] =	dma.local [hbm:s3], $0xF7A  }
0x26: {  	[smem:$0x3F95] =	sst s1;
	(tag) =	ssettag s2;
	_ =	strace s9  }
0x27: {  	s1 =	sld [smem:$0x3FA5]  }
0x28: {  	s2 =	sld [smem:$0x3FA6]  }
0x29: {  	s4 =	sld [smem:$0x3FA8]  }
0x2a: {  	p0 =	seq.s32 s5, $0x0;
	s5 =	sld [smem:$0x3FA9]  }
0x2b: {  	s6 =	sld [smem:$0x3FAA]  }
0x2c: {  	s7 =	sld [smem:$0x3FAB]  }
0x2d: {  	s3 =	simm.s32 $0x108;
	s8 =	sld [smem:$0x3FAC]  }
0x2e: {  	s3 =	simm.s32 @!p0 $0x1082;
	s9 =	sld [smem:$0x3FAD]  }
0x2f: {  	lr =	sadd.s32 s0, s3;
	s0 =	sld [smem:$0x3FA4]  }
0x30: {  	s3 =	sld [smem:$0x3FA7]  }
0x31: {  	[smem:$0x3FB0] =	sst s10  }
0x32: {  	s10 =	sld [smem:$0x3FAE];
	_ =	sdelay $0x3  }
0x33: {  	p0 =	seq.s32 s10, $0x1;
	s10 =	sld [smem:$0x3FB0];
	_ =	sdelay $0x3  }
0x34: {  	[smem:$0x3FB0] =	sst s10  }
0x35: {  	s10 =	sld [smem:$0x3FAF];
	_ =	sdelay $0x3  }
0x36: {  	p1 =	seq.s32 s10, $0x1;
	s10 =	sld [smem:$0x3FB0];
	_ =	sdelay $0x3  }
0x37: {  	[smem:$0x3FB0] =	sst s10  }
0x38: {  	s10 =	sld [smem:$0x3FB1]  }
0x39: {  	_ = 	snop;
	(pc) =	sbr.ind lr, $3  }
0x3a: {  	_ = 	snop  }
0x3b: {  	_ = 	snop  }
0x3c: {  	p2 =	seq.s32 s10, $0x1;
	s10 =	sld [smem:$0x3FB0]  }
0x3d: {  	_ =	shalt  }
0x3e: {  	_ =	shalt  }
0x3f: {  	_ =	shalt  }
0x40: {  	_ =	shalt  }
0x41: {  	_ =	shalt  }
0x42: {  	_ =	shalt  }
0x43: {  	_ =	shalt  }
0x44: {  	_ =	shalt  }
0x45: {  	_ =	shalt  }
0x46: {  	_ =	shalt  }
0x47: {  	_ =	shalt  }
0x48: {  	_ =	shalt  }
0x49: {  	_ =	shalt  }
0x4a: {  	_ =	shalt  }
0x4b: {  	_ =	shalt  }
0x4c: {  	_ =	shalt  }
0x4d: {  	_ =	shalt  }
0x4e: {  	_ =	shalt  }
0x4f: {  	_ =	shalt  }
0x50: {  	_ =	shalt  }
0x51: {  	_ =	shalt  }
0x52: {  	_ =	shalt  }
0x53: {  	_ =	shalt  }
0x54: {  	_ =	shalt  }
0x55: {  	_ =	shalt  }
0x56: {  	_ =	shalt  }
0x57: {  	_ =	shalt  }
0x58: {  	_ =	shalt  }
0x59: {  	_ =	shalt  }
0x5a: {  	_ =	shalt  }
0x5b: {  	_ =	shalt  }
0x5c: {  	_ =	shalt  }
0x5d: {  	_ =	shalt  }
0x5e: {  	_ =	shalt  }
0x5f: {  	_ =	shalt  }
0x60: {  	_ =	shalt  }
0x61: {  	_ =	shalt  }
0x62: {  	_ =	shalt  }
0x63: {  	_ =	shalt  }
0x64: {  	_ =	shalt  }
0x65: {  	_ =	shalt  }
0x66: {  	_ =	shalt  }
0x67: {  	_ =	shalt  }
0x68: {  	_ =	shalt  }
0x69: {  	_ =	shalt  }
0x6a: {  	_ =	shalt  }
0x6b: {  	_ =	shalt  }
0x6c: {  	_ =	shalt  }
0x6d: {  	_ =	shalt  }
0x6e: {  	_ =	shalt  }
0x6f: {  	_ =	shalt  }
0x70: {  	_ =	shalt  }
0x71: {  	_ =	shalt  }
0x72: {  	_ =	shalt  }
0x73: {  	_ =	shalt  }
0x74: {  	_ =	shalt  }
0x75: {  	_ =	shalt  }
0x76: {  	_ =	shalt  }
0x77: {  	_ =	shalt  }
0x78: {  	_ =	shalt  }
0x79: {  	_ =	shalt  }
0x7a: {  	_ =	shalt  }
0x7b: {  	_ =	shalt  }
0x7c: {  	_ =	shalt  }
0x7d: {  	_ =	shalt  }
0x7e: {  	_ =	shalt  }
0x7f: {  	_ =	shalt  }
0x80: {  	_ =	shalt  }
0x81: {  	_ =	shalt  }
0x82: {  	_ =	shalt  }
0x83: {  	_ =	shalt  }
0x84: {  	_ =	shalt  }
0x85: {  	_ =	shalt  }
0x86: {  	_ =	shalt  }
0x87: {  	_ =	shalt  }
.Lfunc_end0:
.L_simem_size_0:
called_computation.2_lowered:
.L_overlay_start_0:
0x88: {  	s2 =	sld [smem:$0x3FD9]  }
0x89: {  	s3 =	sld [smem:$0x3FFE];
	_ =	sdelay $0x1  }
0x8a: {  	s1 =	srdreg.scid  }
0x8b: {  	s0 =	sand.u32 $0x1, s1  }
0x8c: {  	s16 =	sshll.u32 s0, $0xA;
	s2 =	sadd.s32 s3, s2  }
0x8d: {  	s2 =	sadd.s32 s2, s16  }
0x8e: {  	[smem:$0x3FBC] =	sst s2  }
0x8f: {  	_ = 	snop  }
0x90: {  	(tm) =	ssettm $0x1  }
0x91: {  	s17 =	sld [smem:$0x3FFB];
	_ =	sdelay $0x3  }
0x92: {  	_ =	strace s17  }
0x93: {  	s2 =	sld [smem:$0x3FFC];
	_ =	sdelay $0x3  }
0x94: {  	_ =	strace s2  }
0x95: {  	s2 =	sld [smem:$0x3FFD];
	_ =	sdelay $0x3  }
0x96: {  	_ =	strace s2  }
0x97: {  	_ =	strace $0x8FFFFFFF  }
0x98: {  	s18 =	sld [smem:$0x3FDB];
	_ =	sdelay $0x1  }
0x99: {  	s19 =	simm.s32 $_scs_section_size  }
0x9a: {  	s4 =	simm.s32 $_size__tile_overlayer_lowered;
	s5 =	simm.s32 $_tile_overlayer_lowered  }
0x9b: {  	s22 =	simm.s32 $0x1BFF;
	s21 =	sshll.u32 s5, $0x1;
	s2 =	sadd.s32 s19, s18  }
0x9c: {  	s6 =	simm.s32 $0x0;
	s20 =	sshll.u32 s4, $0x1;
	s4 =	sadd.s32 s21, s2  }
0x9d: {  	[timem:s6], [sflag:s22] =	dma.local [hbm:s4], s20  }
0x9e: {  	_ =	swait.ge [sflag:s22], s20  }
0x9f: {  	s3 =	ssub.s32 $0x0, s20;
	[sflag:s22] =	ssyncset.done $0x0  }
0xa0: {  	[sflag:s22] =	ssyncadd.s32 s3;
	_ =	sdelay $0x1  }
0xa1: {  	s23 =	simm.s32 $0x1B8B  }
0xa2: {  	_ =	swait.ge [sflag:s23], $0x1  }
0xa3: {  	[sflag:s23] =	ssyncset.done $0x0  }
0xa4: {  	s25 =	simm.s32 $0x1B8E;
	s24 =	sld [smem:$0x3FFE];
	[sflag:s23] =	ssyncadd.s32 $0xFFFFFFFF  }
0xa5: {  	s26 =	simm.s32 $execute0_lowered;
	[smem:$0x3FD2] =	sst s25  }
0xa6: {  	s4 =	sshll.u32 s26, $0x1;
	_ =	strace $0x8000004C;
	[dreg:$0x1] =	wrdreg $0xFFFFFFFF  }
0xa7: {  	s28 =	simm.s32 $_size_execute0_lowered;
	s2 =	sadd.s32 s2, s4;
	[dreg:$0x0] =	wrdreg $0x0  }
0xa8: {  	s4 =	sshll.u32 s28, $0x1;
	[dreg:$0x2] =	wrdreg s2  }
0xa9: {  	[dreg:$0x3] =	wrdreg s4  }
0xaa: {  	[dreg:$0x4] =	wrdreg $0xC0  }
0xab: {  	_ =	task [dreg:s6], $0x5FFFF  }
0xac: {  	[dreg:$0x1] =	wrdreg $0xFFFFFFFF  }
0xad: {  	[dreg:$0x0] =	wrdreg $0x60  }
0xae: {  	[dreg:$0x2] =	wrdreg s24  }
0xaf: {  	[dreg:$0x3] =	wrdreg $0x41000  }
0xb0: {  	[dreg:$0x4] =	wrdreg $0x9  }
0xb1: {  	_ =	task.clear_ibuf [dreg:s6], $0x5FFFF;
	_ =	strace $0x9000004C  }
0xb2: {  	s29 =	simm.s32 $0x9;
	_ =	strace $0x8000004E  }
0xb3: {  	_ =	swait.ge [sflag:s29], $0x1  }
0xb4: {  	[sflag:s29] =	ssyncadd.s32 $0xFFFFFFFF  }
0xb5: {  	_ =	strace $0x9000004E  }
0xb6: {  	_ =	sfence  }
0xb7: {  	s30 =	sld [smem:$0x0];
	_ =	sdelay $0x2  }
0xb8: {  	s31 =	sshll.u32 s1, $0xD;
	s1 =	sshrl.u32 s1, $0x2  }
0xb9: {  	s3 =	sand.u32 $0x4000, s31;
	s1 =	sadd.s32 s1, s30  }
0xba: {  	s0 =	sor.u32 s3, s0;
	s1 =	sshll.u32 s1, $0x11  }
0xbb: {  	s0 =	sor.u32 s1, s0  }
0xbc: {  	s0 =	sadd.s32 $0x8F2B, s0  }
0xbd: {  	[sflag:s0] =	ssyncadd.remote.s32 $0x1  }
0xbe: {  	_ =	sfence.sel $0xFFFF  }
0xbf: {  	[dreg:$0x0] =	wrdreg $0xFFFFFFFF;
	(pc) =	sbr.abs _section_cstart, $3  }
0xc0: {  	[dreg:$0x1] =	wrdreg $0xFFFFFFFF  }
0xc1: {  	_ =	task.clear_ibuf [dreg:s6], $0x2FFFF;
	_ =	strace $0x9FFFFFFF  }
0xc2: {  	(tm) =	ssettm $0x7FFFFFFF  }
0xc3: {  	_ =	shalt  }
tec
execute0_lowered:
.L_overlay_start_1:
0x0: {  	(tag) =	ssettag $0x1  }
0x1: {  	s5 =	rddreg [dreg:$0x0]  }
0x2: {  	s1 =	rddreg [dreg:$0x1];
	s3 =	srdreg.scid  }
0x3: {  	s0 =	rddreg [dreg:$0x2];
	s6 =	sand.u32 $0x1, s3  }
0x4: {  	s2 =	simm.s32 $0x0;
	s3 =	stileid.u32;
	s7 =	smul.u32 $0x4F00, s6  }
0x5: {  	s13 =	simm.s32 $0x100;
	s14 =	simm.s32 $0x1;
	s15 =	smul.u32 $0x2780, s3  }
0x6: {  	[smem:$0x7FF] =	sst s2;
	s4 =	sadd.s32 $0x19000, s5;
	s8 =	smul.u32 $0x27800, s6  }
0x7: {  	_ =	strace $0x8000004D;
	s6 =	ssub.s32 $0x2, s6;
	s10 =	smul.u32 $0x4F000, s3  }
0x8: {  	s30 =	sshll.u32 s3, $0x6;
	s31 =	smul.u32 $0x4F0, s3;
	s28 =	sshrl.u32 s6, $0x1  }
0x9: {  	s9 =	sadd.s32 s7, s5;
	s11 =	sadd.s32 s15, s5;
	s8 =	sadd.s32 s8, s5  }
0xa: {  	s7 =	ssub.s32 s6, s28;
	s29 =	sshrl.u32 s10, $0x2;
	s6 =	sor.u32 $0x1C02, s30  }
0xb: {  	s12 =	sadd.s32 s29, s1;
	s5 =	sadd.s32 $0x8E400, s11;
	s16 =	sadd.s32 $0xB5C00, s8  }
0xc: {  	s7 =	smax.u32 s7, $0x1;
	s9 =	sadd.s32 s31, s9;
	s11 =	simm.s32 $0x2  }
0xd: {  	s8 =	sadd.s32 $0xF200, s9;
	s9 =	sadd.s32 $0x5400, s9;
	s10 =	sshrl.u32 s12, $0x3  }
0xe: {  	s12 =	simm.s32 $0x80;
	s15 =	sadd.s32 s15, s16;
	s16 =	simm.s32 $0x0  }
.LBB2_1:
0xf: {  	[spmem:s10], [sflag:s6] =	dma.local [hbm:s5], $0x2780  }
0x10: {  	_ =	swait.ge [sflag:s11], $0x2780  }
0x11: {  	[sflag:s11] =	ssyncset.done $0x0  }
0x12: {  	[sflag:s11] =	ssyncadd.s32 $0xFFFFD880  }
0x13: {  	s17 =	sadd.s32 $0x0, s9;
	[bflag:$0x0] =	sbarrier.arrive $0xFFFF  }
0x14: {  	[tilespmem:s2], [sflag:$0x2] =	stream.linear.gather [hbm4b:s17+s2], $0x80, $0x38;
	[tilespmem:$0x17D00] =	vst v63  }
0x15: {  	_ =	swait.ge [sflag:s11], $0x80  }
0x16: {  	[sflag:s11] =	ssyncset.done $0x0  }
0x17: {  	[sflag:s11] =	ssyncadd.s32 $0xFFFFFF80  }
0x18: {  	[tilespmem:s13], [sflag:$0x1] =	stream.indirect.gather [hbm4b:s4+s12], $0x80, s2, s12, $0xb8;
	[tilespmem:$0x17D00] =	vst v63  }
0x19: {  	_ =	swait.ge [sflag:s14], $0x4000  }
0x1a: {  	[sflag:s14] =	ssyncset.done $0x0  }
0x1b: {  	s31 =	sadd.s32 $0x0, s8;
	[sflag:s14] =	ssyncadd.s32 $0xFFFFC000  }
0x1c: {  	[tilespmem:s12], [sflag:$0x2] =	stream.linear.gather [hbm4b:s31+s2], $0x80, $0x38;
	[tilespmem:$0x17D00] =	vst v63  }
0x1d: {  	_ =	swait.ge [sflag:s11], $0x80  }
0x1e: {  	[sflag:s11] =	ssyncset.done $0x0  }
0x1f: {  	[sflag:s11] =	ssyncadd.s32 $0xFFFFFF80  }
0x20: {  	[spmem:s1] =	stream.indirect.scatter.add.f32 [tilespmem:s13], [sflag:$0x2], $0x80, s12, s12, $0xb8;
	[tilespmem:$0x17D00] =	vst v63  }
0x21: {  	_ =	swait.ge [sflag:s11], $0x4000  }
0x22: {  	s18 =	simm.s32 $0x20;
	s17 =	simm.s32 $0x10;
	[sflag:s11] =	ssyncset.done $0x0  }
.LBB2_2:
0x23: {  	s19 =	sadd.s32 s17, s9  }
0x24: {  	[sflag:s11] =	ssyncadd.s32 $0xFFFFC000;
	s20 =	smov.u32 s18;
	s21 =	sadd.s32 $0x10, s18  }
0x25: {  	[tilespmem:s2], [sflag:$0x2] =	stream.linear.gather [hbm4b:s19+s2], $0x80, $0x38;
	[tilespmem:$0x17D00] =	vst v63  }
0x26: {  	p0 =	sne.s32 s18, $0x4E0;
	_ =	swait.ge [sflag:s11], $0x80  }
0x27: {  	[sflag:s11] =	ssyncset.done $0x0  }
0x28: {  	[sflag:s11] =	ssyncadd.s32 $0xFFFFFF80  }
0x29: {  	[tilespmem:s13], [sflag:$0x1] =	stream.indirect.gather [hbm4b:s4+s12], $0x80, s2, s12, $0xb8;
	[tilespmem:$0x17D00] =	vst v63  }
0x2a: {  	_ =	swait.ge [sflag:s14], $0x4000  }
0x2b: {  	[sflag:s14] =	ssyncset.done $0x0  }
0x2c: {  	s18 =	sadd.s32 s17, s8;
	s17 =	smov.u32 s20;
	[sflag:s14] =	ssyncadd.s32 $0xFFFFC000  }
0x2d: {  	[tilespmem:s12], [sflag:$0x2] =	stream.linear.gather [hbm4b:s18+s2], $0x80, $0x38;
	[tilespmem:$0x17D00] =	vst v63  }
0x2e: {  	_ =	swait.ge [sflag:s11], $0x80  }
.Ltmp0:
0x2f: {  	[sflag:s11] =	ssyncset.done $0x0;
	(pc) =	sbr.rel @p0 .LBB2_2-.Ltmp0, $4  }
0x30: {  	[sflag:s11] =	ssyncadd.s32 $0xFFFFFF80  }
0x31: {  	[spmem:s1] =	stream.indirect.scatter.add.f32 [tilespmem:s13], [sflag:$0x2], $0x80, s12, s12, $0xb8;
	[tilespmem:$0x17D00] =	vst v63  }
0x32: {  	_ =	swait.ge [sflag:s11], $0x4000  }
0x33: {  	s18 =	smov.u32 s21;
	[sflag:s11] =	ssyncset.done $0x0  }
0x34: {  	s18 =	sadd.s32 s17, s9;
	[sflag:s11] =	ssyncadd.s32 $0xFFFFC000  }
0x35: {  	[tilespmem:s2], [sflag:$0x2] =	stream.linear.gather [hbm4b:s18+s2], $0x80, $0x38;
	[tilespmem:$0x17D00] =	vst v63  }
0x36: {  	_ =	swait.ge [sflag:s11], $0x80  }
0x37: {  	[sflag:s11] =	ssyncset.done $0x0  }
0x38: {  	[sflag:s11] =	ssyncadd.s32 $0xFFFFFF80  }
0x39: {  	[tilespmem:s13], [sflag:$0x1] =	stream.indirect.gather [hbm4b:s4+s12], $0x80, s2, s12, $0xb8;
	[tilespmem:$0x17D00] =	vst v63  }
0x3a: {  	_ =	swait.ge [sflag:s14], $0x4000  }
0x3b: {  	[sflag:s14] =	ssyncset.done $0x0  }
0x3c: {  	s31 =	sadd.s32 s17, s8;
	[sflag:s14] =	ssyncadd.s32 $0xFFFFC000  }
0x3d: {  	[tilespmem:s12], [sflag:$0x2] =	stream.linear.gather [hbm4b:s31+s2], $0x80, $0x38;
	[tilespmem:$0x17D00] =	vst v63  }
0x3e: {  	_ =	swait.ge [sflag:s11], $0x80  }
0x3f: {  	[sflag:s11] =	ssyncset.done $0x0  }
0x40: {  	[sflag:s11] =	ssyncadd.s32 $0xFFFFFF80  }
0x41: {  	[spmem:s1] =	stream.indirect.scatter.add.f32 [tilespmem:s13], [sflag:$0x2], $0x80, s12, s12, $0xb8;
	[tilespmem:$0x17D00] =	vst v63  }
0x42: {  	_ =	swait.ge [sflag:s11], $0x4000  }
0x43: {  	s16 =	sadd.s32 $0x1, s16;
	[sflag:s11] =	ssyncset.done $0x0  }
0x44: {  	p0 =	sne.s32 s16, s7;
	[sflag:s11] =	ssyncadd.s32 $0xFFFFC000  }
.Ltmp1:
0x45: {  	[bflag:$0x0] =	sbarrier.arrive $0xFFFF;
	(pc) =	sbr.rel @p0 .LBB2_1-.Ltmp1, $4  }
0x46: {  	[hbm:s15], [sflag:s6] =	dma.local [spmem:s10], $0x2780  }
0x47: {  	_ =	swait.ge [sflag:s11], $0x2780  }
0x48: {  	[sflag:s11] =	ssyncset.done $0x0  }
0x49: {  	[sflag:s11] =	ssyncadd.s32 $0xFFFFD880  }
0x4a: {  	_ =	sfence.sel $0x180000  }
0x4b: {  	[bflag:$0x0] =	sbarrier.arrive $0xFFFF  }
0x4c: {  	p0 =	sne.s32 s3, $0x0;
	_ =	strace $0x9000004D  }
0x4d: {  	s0 =	sadd.s32 @!p0 $0x100000, s0;
	[bflag:$0x2] =	sbarrier.arrive $0xFFFF  }
0x4e: {  	[sflag:s0] =	ssyncadd.tile.s32 @!p0 $0x1;
	_ =	shalt  }
.Lfunc_end2:
_tile_overlayer_lowered:
.L_overlay_start_2:
0x4f: {  	(tag) =	ssettag $0x2  }
0x50: {  	s0 =	rddreg [dreg:$0x0];
	s2 =	stileid.u32  }
0x51: {  	s1 =	rddreg [dreg:$0x1];
	p0 =	sne.s32 s2, $0x0  }
0x52: {  	s3 =	rddreg [dreg:$0x2];
	[bflag:$0x3] =	sbarrier.arrive $0xFFFF;
	s2 =	simm.s32 @!p0 $0x1C02  }
0x53: {  	[timem:s3], [sflag:s2] =	dma.local @!p0 [hbm:s0], s1  }
0x54: {  	s0 =	simm.s32 @!p0 $0x2  }
0x55: {  	_ =	swait.ge @!p0 [sflag:s0], s1  }
0x56: {  	s1 =	ssub.s32 @!p0 $0x0, s1;
	[sflag:s0] =	ssyncset.done @!p0 $0x0  }
0x57: {  	[sflag:s0] =	ssyncadd.s32 @!p0 s1  }
0x58: {  	[bflag:$0x3] =	sbarrier.arrive $0xFFFF  }
0x59: {  	_ =	shalt  }

// kernel: kernel.28.cloned.1.call-start
scs
__scs_entry_jumppad:
0x0: {  	(pc) =	sbr.rel $0x88, $3  }
0x1: {  	(tag) =	ssettag $0x0;
	lr =	simm.s32 $0x1  }
0x2: {  	[smem:$0x3F95] =	sst lr;
	_ =	strace $0xD0000000  }
0x3: {  	_ = 	snop  }
0x4: {  	_ = 	snop  }
0x5: {  	_ = 	snop  }
0x6: {  	_ = 	snop  }
0x7: {  	_ = 	snop  }
__scs_overlays_trampoline_lowered:
0x8: {  	[smem:$0x3FA4] =	sst s0  }
0x9: {  	[smem:$0x3FA5] =	sst s1  }
0xa: {  	[smem:$0x3FA6] =	sst s2  }
0xb: {  	[smem:$0x3FA7] =	sst s3  }
0xc: {  	[smem:$0x3FA8] =	sst s4  }
0xd: {  	[smem:$0x3FA9] =	sst s5  }
0xe: {  	[smem:$0x3FAA] =	sst s6  }
0xf: {  	[smem:$0x3FAB] =	sst s7  }
0x10: {  	[smem:$0x3FAC] =	sst s8  }
0x11: {  	[smem:$0x3FAD] =	sst s9;
	s0 =	simm.s32 @!p0 $0x0  }
0x12: {  	s1 =	sld [smem:$0x3F93];
	s0 =	simm.s32 @p0 $0x1  }
0x13: {  	[smem:$0x3FAE] =	sst s0;
	s0 =	simm.s32 @!p1 $0x0  }
0x14: {  	s2 =	sld [smem:$0x3F92];
	s0 =	simm.s32 @p1 $0x1  }
0x15: {  	[smem:$0x3FAF] =	sst s0;
	s0 =	simm.s32 @!p2 $0x0  }
0x16: {  	s3 =	sld [smem:$0x3FDB];
	s0 =	simm.s32 @p2 $0x1  }
0x17: {  	s4 =	simm.s32 $0x1BF5;
	[smem:$0x3FB1] =	sst s0  }
0x18: {  	s0 =	sld [smem:$0x3F94];
	_ =	swait.ge [sflag:s4], $0x0  }
0x19: {  	s7 =	sld [smem:$0x3F95]  }
0x1a: {  	s8 =	sadd.s32 $0xFFFFE003, lr  }
0x1b: {  	s9 =	sadd.s32 $0xFFFFFEF7, lr;
	s5 =	simm.s32 $0xFFFFFFFF;
	p2 =	slt.u32 s8, $0xFFFFF086  }
0x1c: {  	p1 =	slt.u32 s9, $0xF7A;
	s5 =	simm.s32 @!p2 $0x0  }
0x1d: {  	s5 =	simm.s32 @p1 $0x1;
	p0 =	seq.s32 s7, s2  }
0x1e: {  	s7 =	smul.u32 @!p0 $0xF7A, s2;
	p2 =	seq.s32 @!p0 s5, $0x0  }
0x1f: {  	s9 =	smul.u32 $0xF7A, s1;
	s8 =	simm.s32 @!p0 $0x1BF5;
	p2 =	por !p2, p0  }
0x20: {  	[sflag:s8] =	ssyncset.s32 @!p0 $0xFFFFF086;
	s6 =	sadd.s32 @!p0 s3, s7;
	s7 =	simm.s32 @!p0 $0x108  }
0x21: {  	s3 =	sadd.s32 s3, s9;
	s6 =	sadd.s32 @!p0 $0x88, s6;
	s7 =	simm.s32 @p2 $0x1082  }
0x22: {  	[simem:s7], [sflag:s8] =	dma.local @!p0 [hbm:s6], $0xF7A  }
0x23: {  	s9 =	sor.u32 $0xD0000000, s2;
	s6 =	simm.s32 $0x108;
	_ =	swait.ge @!p0 [sflag:s8], $0x0  }
0x24: {  	s3 =	sadd.s32 $0x88, s3;
	s6 =	simm.s32 @!p1 $0x1082;
	[sflag:s4] =	ssyncset.s32 $0xFFFFF086  }
0x25: {  	[simem:s6], [sflag:s4] =	dma.local [hbm:s3], $0xF7A  }
0x26: {  	[smem:$0x3F95] =	sst s1;
	(tag) =	ssettag s2;
	_ =	strace s9  }
0x27: {  	s1 =	sld [smem:$0x3FA5]  }
0x28: {  	s2 =	sld [smem:$0x3FA6]  }
0x29: {  	s4 =	sld [smem:$0x3FA8]  }
0x2a: {  	p0 =	seq.s32 s5, $0x0;
	s5 =	sld [smem:$0x3FA9]  }
0x2b: {  	s6 =	sld [smem:$0x3FAA]  }
0x2c: {  	s7 =	sld [smem:$0x3FAB]  }
0x2d: {  	s3 =	simm.s32 $0x108;
	s8 =	sld [smem:$0x3FAC]  }
0x2e: {  	s3 =	simm.s32 @!p0 $0x1082;
	s9 =	sld [smem:$0x3FAD]  }
0x2f: {  	lr =	sadd.s32 s0, s3;
	s0 =	sld [smem:$0x3FA4]  }
0x30: {  	s3 =	sld [smem:$0x3FA7]  }
0x31: {  	[smem:$0x3FB0] =	sst s10  }
0x32: {  	s10 =	sld [smem:$0x3FAE];
	_ =	sdelay $0x3  }
0x33: {  	p0 =	seq.s32 s10, $0x1;
	s10 =	sld [smem:$0x3FB0];
	_ =	sdelay $0x3  }
0x34: {  	[smem:$0x3FB0] =	sst s10  }
0x35: {  	s10 =	sld [smem:$0x3FAF];
	_ =	sdelay $0x3  }
0x36: {  	p1 =	seq.s32 s10, $0x1;
	s10 =	sld [smem:$0x3FB0];
	_ =	sdelay $0x3  }
0x37: {  	[smem:$0x3FB0] =	sst s10  }
0x38: {  	s10 =	sld [smem:$0x3FB1]  }
0x39: {  	_ = 	snop;
	(pc) =	sbr.ind lr, $3  }
0x3a: {  	_ = 	snop  }
0x3b: {  	_ = 	snop  }
0x3c: {  	p2 =	seq.s32 s10, $0x1;
	s10 =	sld [smem:$0x3FB0]  }
0x3d: {  	_ =	shalt  }
0x3e: {  	_ =	shalt  }
0x3f: {  	_ =	shalt  }
0x40: {  	_ =	shalt  }
0x41: {  	_ =	shalt  }
0x42: {  	_ =	shalt  }
0x43: {  	_ =	shalt  }
0x44: {  	_ =	shalt  }
0x45: {  	_ =	shalt  }
0x46: {  	_ =	shalt  }
0x47: {  	_ =	shalt  }
0x48: {  	_ =	shalt  }
0x49: {  	_ =	shalt  }
0x4a: {  	_ =	shalt  }
0x4b: {  	_ =	shalt  }
0x4c: {  	_ =	shalt  }
0x4d: {  	_ =	shalt  }
0x4e: {  	_ =	shalt  }
0x4f: {  	_ =	shalt  }
0x50: {  	_ =	shalt  }
0x51: {  	_ =	shalt  }
0x52: {  	_ =	shalt  }
0x53: {  	_ =	shalt  }
0x54: {  	_ =	shalt  }
0x55: {  	_ =	shalt  }
0x56: {  	_ =	shalt  }
0x57: {  	_ =	shalt  }
0x58: {  	_ =	shalt  }
0x59: {  	_ =	shalt  }
0x5a: {  	_ =	shalt  }
0x5b: {  	_ =	shalt  }
0x5c: {  	_ =	shalt  }
0x5d: {  	_ =	shalt  }
0x5e: {  	_ =	shalt  }
0x5f: {  	_ =	shalt  }
0x60: {  	_ =	shalt  }
0x61: {  	_ =	shalt  }
0x62: {  	_ =	shalt  }
0x63: {  	_ =	shalt  }
0x64: {  	_ =	shalt  }
0x65: {  	_ =	shalt  }
0x66: {  	_ =	shalt  }
0x67: {  	_ =	shalt  }
0x68: {  	_ =	shalt  }
0x69: {  	_ =	shalt  }
0x6a: {  	_ =	shalt  }
0x6b: {  	_ =	shalt  }
0x6c: {  	_ =	shalt  }
0x6d: {  	_ =	shalt  }
0x6e: {  	_ =	shalt  }
0x6f: {  	_ =	shalt  }
0x70: {  	_ =	shalt  }
0x71: {  	_ =	shalt  }
0x72: {  	_ =	shalt  }
0x73: {  	_ =	shalt  }
0x74: {  	_ =	shalt  }
0x75: {  	_ =	shalt  }
0x76: {  	_ =	shalt  }
0x77: {  	_ =	shalt  }
0x78: {  	_ =	shalt  }
0x79: {  	_ =	shalt  }
0x7a: {  	_ =	shalt  }
0x7b: {  	_ =	shalt  }
0x7c: {  	_ =	shalt  }
0x7d: {  	_ =	shalt  }
0x7e: {  	_ =	shalt  }
0x7f: {  	_ =	shalt  }
0x80: {  	_ =	shalt  }
0x81: {  	_ =	shalt  }
0x82: {  	_ =	shalt  }
0x83: {  	_ =	shalt  }
0x84: {  	_ =	shalt  }
0x85: {  	_ =	shalt  }
0x86: {  	_ =	shalt  }
0x87: {  	_ =	shalt  }
.Lfunc_end0:
.L_simem_size_0:
called_computation.3_lowered:
.L_overlay_start_0:
0x88: {  	s2 =	sld [smem:$0x3FD9]  }
0x89: {  	s3 =	sld [smem:$0x3FFE];
	_ =	sdelay $0x1  }
0x8a: {  	s1 =	srdreg.scid  }
0x8b: {  	s0 =	sand.u32 $0x1, s1  }
0x8c: {  	s16 =	sshll.u32 s0, $0xA;
	s2 =	sadd.s32 s3, s2  }
0x8d: {  	s2 =	sadd.s32 s2, s16  }
0x8e: {  	[smem:$0x3FBC] =	sst s2  }
0x8f: {  	_ = 	snop  }
0x90: {  	(tm) =	ssettm $0x1  }
0x91: {  	s17 =	sld [smem:$0x3FFB];
	_ =	sdelay $0x3  }
0x92: {  	_ =	strace s17  }
0x93: {  	s2 =	sld [smem:$0x3FFC];
	_ =	sdelay $0x3  }
0x94: {  	_ =	strace s2  }
0x95: {  	s2 =	sld [smem:$0x3FFD];
	_ =	sdelay $0x3  }
0x96: {  	_ =	strace s2  }
0x97: {  	_ =	strace $0x8FFFFFFF  }
0x98: {  	s18 =	sld [smem:$0x3FDB];
	_ =	sdelay $0x1  }
0x99: {  	s19 =	simm.s32 $_scs_section_size  }
0x9a: {  	s4 =	simm.s32 $_size__tile_overlayer_lowered;
	s5 =	simm.s32 $_tile_overlayer_lowered  }
0x9b: {  	s22 =	simm.s32 $0x1BFF;
	s21 =	sshll.u32 s5, $0x1;
	s2 =	sadd.s32 s19, s18  }
0x9c: {  	s6 =	simm.s32 $0x0;
	s20 =	sshll.u32 s4, $0x1;
	s4 =	sadd.s32 s21, s2  }
0x9d: {  	[timem:s6], [sflag:s22] =	dma.local [hbm:s4], s20  }
0x9e: {  	_ =	swait.ge [sflag:s22], s20  }
0x9f: {  	s3 =	ssub.s32 $0x0, s20;
	[sflag:s22] =	ssyncset.done $0x0  }
0xa0: {  	[sflag:s22] =	ssyncadd.s32 s3;
	_ =	sdelay $0x1  }
0xa1: {  	s23 =	simm.s32 $0x1B8B  }
0xa2: {  	_ =	swait.ge [sflag:s23], $0x1  }
0xa3: {  	[sflag:s23] =	ssyncset.done $0x0  }
0xa4: {  	s25 =	simm.s32 $0x1B8E;
	s24 =	sld [smem:$0x3FFE];
	[sflag:s23] =	ssyncadd.s32 $0xFFFFFFFF  }
0xa5: {  	s26 =	simm.s32 $execute0_lowered;
	[smem:$0x3FD2] =	sst s25  }
0xa6: {  	s4 =	sshll.u32 s26, $0x1;
	_ =	strace $0x8000004F;
	[dreg:$0x1] =	wrdreg $0xFFFFFFFF  }
0xa7: {  	s28 =	simm.s32 $_size_execute0_lowered;
	s2 =	sadd.s32 s2, s4;
	[dreg:$0x0] =	wrdreg $0x0  }
0xa8: {  	s4 =	sshll.u32 s28, $0x1;
	[dreg:$0x2] =	wrdreg s2  }
0xa9: {  	[dreg:$0x3] =	wrdreg s4  }
0xaa: {  	[dreg:$0x4] =	wrdreg $0xC0  }
0xab: {  	_ =	task [dreg:s6], $0x5FFFF  }
0xac: {  	[dreg:$0x1] =	wrdreg $0xFFFFFFFF  }
0xad: {  	[dreg:$0x0] =	wrdreg $0x60  }
0xae: {  	[dreg:$0x2] =	wrdreg s24  }
0xaf: {  	[dreg:$0x3] =	wrdreg $0x41000  }
0xb0: {  	[dreg:$0x4] =	wrdreg $0x9  }
0xb1: {  	_ =	task.clear_ibuf [dreg:s6], $0x5FFFF;
	_ =	strace $0x9000004F  }
0xb2: {  	s29 =	simm.s32 $0x9;
	_ =	strace $0x80000051  }
0xb3: {  	_ =	swait.ge [sflag:s29], $0x1  }
0xb4: {  	[sflag:s29] =	ssyncadd.s32 $0xFFFFFFFF  }
0xb5: {  	_ =	strace $0x90000051  }
0xb6: {  	_ =	sfence  }
0xb7: {  	s30 =	sld [smem:$0x0];
	_ =	sdelay $0x2  }
0xb8: {  	s31 =	sshll.u32 s1, $0xD;
	s1 =	sshrl.u32 s1, $0x2  }
0xb9: {  	s3 =	sand.u32 $0x4000, s31;
	s1 =	sadd.s32 s1, s30  }
0xba: {  	s0 =	sor.u32 s3, s0;
	s1 =	sshll.u32 s1, $0x11  }
0xbb: {  	s0 =	sor.u32 s1, s0  }
0xbc: {  	s0 =	sadd.s32 $0x8F2B, s0  }
0xbd: {  	[sflag:s0] =	ssyncadd.remote.s32 $0x1  }
0xbe: {  	_ =	sfence.sel $0xFFFF  }
0xbf: {  	[dreg:$0x0] =	wrdreg $0xFFFFFFFF;
	(pc) =	sbr.abs _section_cstart, $3  }
0xc0: {  	[dreg:$0x1] =	wrdreg $0xFFFFFFFF  }
0xc1: {  	_ =	task.clear_ibuf [dreg:s6], $0x2FFFF;
	_ =	strace $0x9FFFFFFF  }
0xc2: {  	(tm) =	ssettm $0x7FFFFFFF  }
0xc3: {  	_ =	shalt  }
tec
execute0_lowered:
.L_overlay_start_1:
0x0: {  	(tag) =	ssettag $0x1  }
0x1: {  	s5 =	rddreg [dreg:$0x0]  }
0x2: {  	s1 =	rddreg [dreg:$0x1];
	s3 =	srdreg.scid  }
0x3: {  	s0 =	rddreg [dreg:$0x2];
	s6 =	sand.u32 $0x1, s3  }
0x4: {  	s2 =	simm.s32 $0x0;
	s3 =	stileid.u32;
	s7 =	smul.u32 $0x4F00, s6  }
0x5: {  	s13 =	simm.s32 $0x100;
	s14 =	simm.s32 $0x1;
	s15 =	smul.u32 $0x2780, s3  }
0x6: {  	[smem:$0x7FF] =	sst s2;
	s4 =	sadd.s32 $0x19000, s5;
	s8 =	smul.u32 $0x27800, s6  }
0x7: {  	_ =	strace $0x80000050;
	s6 =	ssub.s32 $0x2, s6;
	s10 =	smul.u32 $0x4F000, s3  }
0x8: {  	s30 =	sshll.u32 s3, $0x6;
	s31 =	smul.u32 $0x4F0, s3;
	s28 =	sshrl.u32 s6, $0x1  }
0x9: {  	s9 =	sadd.s32 s7, s5;
	s11 =	sadd.s32 s15, s5;
	s8 =	sadd.s32 s8, s5  }
0xa: {  	s7 =	ssub.s32 s6, s28;
	s29 =	sshrl.u32 s10, $0x2;
	s6 =	sor.u32 $0x1C02, s30  }
0xb: {  	s12 =	sadd.s32 s29, s1;
	s5 =	sadd.s32 $0x8E400, s11;
	s16 =	sadd.s32 $0xB5C00, s8  }
0xc: {  	s7 =	smax.u32 s7, $0x1;
	s9 =	sadd.s32 s31, s9;
	s11 =	simm.s32 $0x2  }
0xd: {  	s8 =	sadd.s32 $0xF200, s9;
	s9 =	sadd.s32 $0x5400, s9;
	s10 =	sshrl.u32 s12, $0x3  }
0xe: {  	s12 =	simm.s32 $0x80;
	s15 =	sadd.s32 s15, s16;
	s16 =	simm.s32 $0x0  }
.LBB2_1:
0xf: {  	[spmem:s10], [sflag:s6] =	dma.local [hbm:s5], $0x2780  }
0x10: {  	_ =	swait.ge [sflag:s11], $0x2780  }
0x11: {  	[sflag:s11] =	ssyncset.done $0x0  }
0x12: {  	[sflag:s11] =	ssyncadd.s32 $0xFFFFD880  }
0x13: {  	s17 =	sadd.s32 $0x0, s9;
	[bflag:$0x0] =	sbarrier.arrive $0xFFFF  }
0x14: {  	[tilespmem:s2], [sflag:$0x2] =	stream.linear.gather [hbm4b:s17+s2], $0x80, $0x38;
	[tilespmem:$0x17D00] =	vst v63  }
0x15: {  	_ =	swait.ge [sflag:s11], $0x80  }
0x16: {  	[sflag:s11] =	ssyncset.done $0x0  }
0x17: {  	[sflag:s11] =	ssyncadd.s32 $0xFFFFFF80  }
0x18: {  	[tilespmem:s13], [sflag:$0x1] =	stream.indirect.gather [hbm4b:s4+s12], $0x80, s2, s12, $0xb8;
	[tilespmem:$0x17D00] =	vst v63  }
0x19: {  	_ =	swait.ge [sflag:s14], $0x4000  }
0x1a: {  	[sflag:s14] =	ssyncset.done $0x0  }
0x1b: {  	s31 =	sadd.s32 $0x0, s8;
	[sflag:s14] =	ssyncadd.s32 $0xFFFFC000  }
0x1c: {  	[tilespmem:s12], [sflag:$0x2] =	stream.linear.gather [hbm4b:s31+s2], $0x80, $0x38;
	[tilespmem:$0x17D00] =	vst v63  }
0x1d: {  	_ =	swait.ge [sflag:s11], $0x80  }
0x1e: {  	[sflag:s11] =	ssyncset.done $0x0  }
0x1f: {  	[sflag:s11] =	ssyncadd.s32 $0xFFFFFF80  }
0x20: {  	[spmem:s1] =	stream.indirect.scatter.add.f32 [tilespmem:s13], [sflag:$0x2], $0x80, s12, s12, $0xb8;
	[tilespmem:$0x17D00] =	vst v63  }
0x21: {  	_ =	swait.ge [sflag:s11], $0x4000  }
0x22: {  	s18 =	simm.s32 $0x20;
	s17 =	simm.s32 $0x10;
	[sflag:s11] =	ssyncset.done $0x0  }
.LBB2_2:
0x23: {  	s19 =	sadd.s32 s17, s9  }
0x24: {  	[sflag:s11] =	ssyncadd.s32 $0xFFFFC000;
	s20 =	smov.u32 s18;
	s21 =	sadd.s32 $0x10, s18  }
0x25: {  	[tilespmem:s2], [sflag:$0x2] =	stream.linear.gather [hbm4b:s19+s2], $0x80, $0x38;
	[tilespmem:$0x17D00] =	vst v63  }
0x26: {  	p0 =	sne.s32 s18, $0x4E0;
	_ =	swait.ge [sflag:s11], $0x80  }
0x27: {  	[sflag:s11] =	ssyncset.done $0x0  }
0x28: {  	[sflag:s11] =	ssyncadd.s32 $0xFFFFFF80  }
0x29: {  	[tilespmem:s13], [sflag:$0x1] =	stream.indirect.gather [hbm4b:s4+s12], $0x80, s2, s12, $0xb8;
	[tilespmem:$0x17D00] =	vst v63  }
0x2a: {  	_ =	swait.ge [sflag:s14], $0x4000  }
0x2b: {  	[sflag:s14] =	ssyncset.done $0x0  }
0x2c: {  	s18 =	sadd.s32 s17, s8;
	s17 =	smov.u32 s20;
	[sflag:s14] =	ssyncadd.s32 $0xFFFFC000  }
0x2d: {  	[tilespmem:s12], [sflag:$0x2] =	stream.linear.gather [hbm4b:s18+s2], $0x80, $0x38;
	[tilespmem:$0x17D00] =	vst v63  }
0x2e: {  	_ =	swait.ge [sflag:s11], $0x80  }
.Ltmp0:
0x2f: {  	[sflag:s11] =	ssyncset.done $0x0;
	(pc) =	sbr.rel @p0 .LBB2_2-.Ltmp0, $4  }
0x30: {  	[sflag:s11] =	ssyncadd.s32 $0xFFFFFF80  }
0x31: {  	[spmem:s1] =	stream.indirect.scatter.add.f32 [tilespmem:s13], [sflag:$0x2], $0x80, s12, s12, $0xb8;
	[tilespmem:$0x17D00] =	vst v63  }
0x32: {  	_ =	swait.ge [sflag:s11], $0x4000  }
0x33: {  	s18 =	smov.u32 s21;
	[sflag:s11] =	ssyncset.done $0x0  }
0x34: {  	s18 =	sadd.s32 s17, s9;
	[sflag:s11] =	ssyncadd.s32 $0xFFFFC000  }
0x35: {  	[tilespmem:s2], [sflag:$0x2] =	stream.linear.gather [hbm4b:s18+s2], $0x80, $0x38;
	[tilespmem:$0x17D00] =	vst v63  }
0x36: {  	_ =	swait.ge [sflag:s11], $0x80  }
0x37: {  	[sflag:s11] =	ssyncset.done $0x0  }
0x38: {  	[sflag:s11] =	ssyncadd.s32 $0xFFFFFF80  }
0x39: {  	[tilespmem:s13], [sflag:$0x1] =	stream.indirect.gather [hbm4b:s4+s12], $0x80, s2, s12, $0xb8;
	[tilespmem:$0x17D00] =	vst v63  }
0x3a: {  	_ =	swait.ge [sflag:s14], $0x4000  }
0x3b: {  	[sflag:s14] =	ssyncset.done $0x0  }
0x3c: {  	s31 =	sadd.s32 s17, s8;
	[sflag:s14] =	ssyncadd.s32 $0xFFFFC000  }
0x3d: {  	[tilespmem:s12], [sflag:$0x2] =	stream.linear.gather [hbm4b:s31+s2], $0x80, $0x38;
	[tilespmem:$0x17D00] =	vst v63  }
0x3e: {  	_ =	swait.ge [sflag:s11], $0x80  }
0x3f: {  	[sflag:s11] =	ssyncset.done $0x0  }
0x40: {  	[sflag:s11] =	ssyncadd.s32 $0xFFFFFF80  }
0x41: {  	[spmem:s1] =	stream.indirect.scatter.add.f32 [tilespmem:s13], [sflag:$0x2], $0x80, s12, s12, $0xb8;
	[tilespmem:$0x17D00] =	vst v63  }
0x42: {  	_ =	swait.ge [sflag:s11], $0x4000  }
0x43: {  	s16 =	sadd.s32 $0x1, s16;
	[sflag:s11] =	ssyncset.done $0x0  }
0x44: {  	p0 =	sne.s32 s16, s7;
	[sflag:s11] =	ssyncadd.s32 $0xFFFFC000  }
.Ltmp1:
0x45: {  	[bflag:$0x0] =	sbarrier.arrive $0xFFFF;
	(pc) =	sbr.rel @p0 .LBB2_1-.Ltmp1, $4  }
0x46: {  	[hbm:s15], [sflag:s6] =	dma.local [spmem:s10], $0x2780  }
0x47: {  	_ =	swait.ge [sflag:s11], $0x2780  }
0x48: {  	[sflag:s11] =	ssyncset.done $0x0  }
0x49: {  	[sflag:s11] =	ssyncadd.s32 $0xFFFFD880  }
0x4a: {  	_ =	sfence.sel $0x180000  }
0x4b: {  	[bflag:$0x0] =	sbarrier.arrive $0xFFFF  }
0x4c: {  	p0 =	sne.s32 s3, $0x0;
	_ =	strace $0x90000050  }
0x4d: {  	s0 =	sadd.s32 @!p0 $0x100000, s0;
	[bflag:$0x2] =	sbarrier.arrive $0xFFFF  }
0x4e: {  	[sflag:s0] =	ssyncadd.tile.s32 @!p0 $0x1;
	_ =	shalt  }
.Lfunc_end2:
_tile_overlayer_lowered:
.L_overlay_start_2:
0x4f: {  	(tag) =	ssettag $0x2  }
0x50: {  	s0 =	rddreg [dreg:$0x0];
	s2 =	stileid.u32  }
0x51: {  	s1 =	rddreg [dreg:$0x1];
	p0 =	sne.s32 s2, $0x0  }
0x52: {  	s3 =	rddreg [dreg:$0x2];
	[bflag:$0x3] =	sbarrier.arrive $0xFFFF;
	s2 =	simm.s32 @!p0 $0x1C02  }
0x53: {  	[timem:s3], [sflag:s2] =	dma.local @!p0 [hbm:s0], s1  }
0x54: {  	s0 =	simm.s32 @!p0 $0x2  }
0x55: {  	_ =	swait.ge @!p0 [sflag:s0], s1  }
0x56: {  	s1 =	ssub.s32 @!p0 $0x0, s1;
	[sflag:s0] =	ssyncset.done @!p0 $0x0  }
0x57: {  	[sflag:s0] =	ssyncadd.s32 @!p0 s1  }
0x58: {  	[bflag:$0x3] =	sbarrier.arrive $0xFFFF  }
0x59: {  	_ =	shalt  }

// kernel: kernel.31.cloned.1.call-start
scs
__scs_entry_jumppad:
0x0: {  	(pc) =	sbr.rel $0x88, $3  }
0x1: {  	(tag) =	ssettag $0x0;
	lr =	simm.s32 $0x1  }
0x2: {  	[smem:$0x3F95] =	sst lr;
	_ =	strace $0xD0000000  }
0x3: {  	_ = 	snop  }
0x4: {  	_ = 	snop  }
0x5: {  	_ = 	snop  }
0x6: {  	_ = 	snop  }
0x7: {  	_ = 	snop  }
__scs_overlays_trampoline_lowered:
0x8: {  	[smem:$0x3FA4] =	sst s0  }
0x9: {  	[smem:$0x3FA5] =	sst s1  }
0xa: {  	[smem:$0x3FA6] =	sst s2  }
0xb: {  	[smem:$0x3FA7] =	sst s3  }
0xc: {  	[smem:$0x3FA8] =	sst s4  }
0xd: {  	[smem:$0x3FA9] =	sst s5  }
0xe: {  	[smem:$0x3FAA] =	sst s6  }
0xf: {  	[smem:$0x3FAB] =	sst s7  }
0x10: {  	[smem:$0x3FAC] =	sst s8  }
0x11: {  	[smem:$0x3FAD] =	sst s9;
	s0 =	simm.s32 @!p0 $0x0  }
0x12: {  	s1 =	sld [smem:$0x3F93];
	s0 =	simm.s32 @p0 $0x1  }
0x13: {  	[smem:$0x3FAE] =	sst s0;
	s0 =	simm.s32 @!p1 $0x0  }
0x14: {  	s2 =	sld [smem:$0x3F92];
	s0 =	simm.s32 @p1 $0x1  }
0x15: {  	[smem:$0x3FAF] =	sst s0;
	s0 =	simm.s32 @!p2 $0x0  }
0x16: {  	s3 =	sld [smem:$0x3FDB];
	s0 =	simm.s32 @p2 $0x1  }
0x17: {  	s4 =	simm.s32 $0x1BF5;
	[smem:$0x3FB1] =	sst s0  }
0x18: {  	s0 =	sld [smem:$0x3F94];
	_ =	swait.ge [sflag:s4], $0x0  }
0x19: {  	s7 =	sld [smem:$0x3F95]  }
0x1a: {  	s8 =	sadd.s32 $0xFFFFE003, lr  }
0x1b: {  	s9 =	sadd.s32 $0xFFFFFEF7, lr;
	s5 =	simm.s32 $0xFFFFFFFF;
	p2 =	slt.u32 s8, $0xFFFFF086  }
0x1c: {  	p1 =	slt.u32 s9, $0xF7A;
	s5 =	simm.s32 @!p2 $0x0  }
0x1d: {  	s5 =	simm.s32 @p1 $0x1;
	p0 =	seq.s32 s7, s2  }
0x1e: {  	s7 =	smul.u32 @!p0 $0xF7A, s2;
	p2 =	seq.s32 @!p0 s5, $0x0  }
0x1f: {  	s9 =	smul.u32 $0xF7A, s1;
	s8 =	simm.s32 @!p0 $0x1BF5;
	p2 =	por !p2, p0  }
0x20: {  	[sflag:s8] =	ssyncset.s32 @!p0 $0xFFFFF086;
	s6 =	sadd.s32 @!p0 s3, s7;
	s7 =	simm.s32 @!p0 $0x108  }
0x21: {  	s3 =	sadd.s32 s3, s9;
	s6 =	sadd.s32 @!p0 $0x88, s6;
	s7 =	simm.s32 @p2 $0x1082  }
0x22: {  	[simem:s7], [sflag:s8] =	dma.local @!p0 [hbm:s6], $0xF7A  }
0x23: {  	s9 =	sor.u32 $0xD0000000, s2;
	s6 =	simm.s32 $0x108;
	_ =	swait.ge @!p0 [sflag:s8], $0x0  }
0x24: {  	s3 =	sadd.s32 $0x88, s3;
	s6 =	simm.s32 @!p1 $0x1082;
	[sflag:s4] =	ssyncset.s32 $0xFFFFF086  }
0x25: {  	[simem:s6], [sflag:s4] =	dma.local [hbm:s3], $0xF7A  }
0x26: {  	[smem:$0x3F95] =	sst s1;
	(tag) =	ssettag s2;
	_ =	strace s9  }
0x27: {  	s1 =	sld [smem:$0x3FA5]  }
0x28: {  	s2 =	sld [smem:$0x3FA6]  }
0x29: {  	s4 =	sld [smem:$0x3FA8]  }
0x2a: {  	p0 =	seq.s32 s5, $0x0;
	s5 =	sld [smem:$0x3FA9]  }
0x2b: {  	s6 =	sld [smem:$0x3FAA]  }
0x2c: {  	s7 =	sld [smem:$0x3FAB]  }
0x2d: {  	s3 =	simm.s32 $0x108;
	s8 =	sld [smem:$0x3FAC]  }
0x2e: {  	s3 =	simm.s32 @!p0 $0x1082;
	s9 =	sld [smem:$0x3FAD]  }
0x2f: {  	lr =	sadd.s32 s0, s3;
	s0 =	sld [smem:$0x3FA4]  }
0x30: {  	s3 =	sld [smem:$0x3FA7]  }
0x31: {  	[smem:$0x3FB0] =	sst s10  }
0x32: {  	s10 =	sld [smem:$0x3FAE];
	_ =	sdelay $0x3  }
0x33: {  	p0 =	seq.s32 s10, $0x1;
	s10 =	sld [smem:$0x3FB0];
	_ =	sdelay $0x3  }
0x34: {  	[smem:$0x3FB0] =	sst s10  }
0x35: {  	s10 =	sld [smem:$0x3FAF];
	_ =	sdelay $0x3  }
0x36: {  	p1 =	seq.s32 s10, $0x1;
	s10 =	sld [smem:$0x3FB0];
	_ =	sdelay $0x3  }
0x37: {  	[smem:$0x3FB0] =	sst s10  }
0x38: {  	s10 =	sld [smem:$0x3FB1]  }
0x39: {  	_ = 	snop;
	(pc) =	sbr.ind lr, $3  }
0x3a: {  	_ = 	snop  }
0x3b: {  	_ = 	snop  }
0x3c: {  	p2 =	seq.s32 s10, $0x1;
	s10 =	sld [smem:$0x3FB0]  }
0x3d: {  	_ =	shalt  }
0x3e: {  	_ =	shalt  }
0x3f: {  	_ =	shalt  }
0x40: {  	_ =	shalt  }
0x41: {  	_ =	shalt  }
0x42: {  	_ =	shalt  }
0x43: {  	_ =	shalt  }
0x44: {  	_ =	shalt  }
0x45: {  	_ =	shalt  }
0x46: {  	_ =	shalt  }
0x47: {  	_ =	shalt  }
0x48: {  	_ =	shalt  }
0x49: {  	_ =	shalt  }
0x4a: {  	_ =	shalt  }
0x4b: {  	_ =	shalt  }
0x4c: {  	_ =	shalt  }
0x4d: {  	_ =	shalt  }
0x4e: {  	_ =	shalt  }
0x4f: {  	_ =	shalt  }
0x50: {  	_ =	shalt  }
0x51: {  	_ =	shalt  }
0x52: {  	_ =	shalt  }
0x53: {  	_ =	shalt  }
0x54: {  	_ =	shalt  }
0x55: {  	_ =	shalt  }
0x56: {  	_ =	shalt  }
0x57: {  	_ =	shalt  }
0x58: {  	_ =	shalt  }
0x59: {  	_ =	shalt  }
0x5a: {  	_ =	shalt  }
0x5b: {  	_ =	shalt  }
0x5c: {  	_ =	shalt  }
0x5d: {  	_ =	shalt  }
0x5e: {  	_ =	shalt  }
0x5f: {  	_ =	shalt  }
0x60: {  	_ =	shalt  }
0x61: {  	_ =	shalt  }
0x62: {  	_ =	shalt  }
0x63: {  	_ =	shalt  }
0x64: {  	_ =	shalt  }
0x65: {  	_ =	shalt  }
0x66: {  	_ =	shalt  }
0x67: {  	_ =	shalt  }
0x68: {  	_ =	shalt  }
0x69: {  	_ =	shalt  }
0x6a: {  	_ =	shalt  }
0x6b: {  	_ =	shalt  }
0x6c: {  	_ =	shalt  }
0x6d: {  	_ =	shalt  }
0x6e: {  	_ =	shalt  }
0x6f: {  	_ =	shalt  }
0x70: {  	_ =	shalt  }
0x71: {  	_ =	shalt  }
0x72: {  	_ =	shalt  }
0x73: {  	_ =	shalt  }
0x74: {  	_ =	shalt  }
0x75: {  	_ =	shalt  }
0x76: {  	_ =	shalt  }
0x77: {  	_ =	shalt  }
0x78: {  	_ =	shalt  }
0x79: {  	_ =	shalt  }
0x7a: {  	_ =	shalt  }
0x7b: {  	_ =	shalt  }
0x7c: {  	_ =	shalt  }
0x7d: {  	_ =	shalt  }
0x7e: {  	_ =	shalt  }
0x7f: {  	_ =	shalt  }
0x80: {  	_ =	shalt  }
0x81: {  	_ =	shalt  }
0x82: {  	_ =	shalt  }
0x83: {  	_ =	shalt  }
0x84: {  	_ =	shalt  }
0x85: {  	_ =	shalt  }
0x86: {  	_ =	shalt  }
0x87: {  	_ =	shalt  }
.Lfunc_end0:
.L_simem_size_0:
called_computation.4_lowered:
.L_overlay_start_0:
0x88: {  	s2 =	sld [smem:$0x3FD9]  }
0x89: {  	s3 =	sld [smem:$0x3FFE];
	_ =	sdelay $0x1  }
0x8a: {  	s1 =	srdreg.scid  }
0x8b: {  	s0 =	sand.u32 $0x1, s1  }
0x8c: {  	s16 =	sshll.u32 s0, $0xA;
	s2 =	sadd.s32 s3, s2  }
0x8d: {  	s2 =	sadd.s32 s2, s16  }
0x8e: {  	[smem:$0x3FBC] =	sst s2  }
0x8f: {  	_ = 	snop  }
0x90: {  	(tm) =	ssettm $0x1  }
0x91: {  	s17 =	sld [smem:$0x3FFB];
	_ =	sdelay $0x3  }
0x92: {  	_ =	strace s17  }
0x93: {  	s2 =	sld [smem:$0x3FFC];
	_ =	sdelay $0x3  }
0x94: {  	_ =	strace s2  }
0x95: {  	s2 =	sld [smem:$0x3FFD];
	_ =	sdelay $0x3  }
0x96: {  	_ =	strace s2  }
0x97: {  	_ =	strace $0x8FFFFFFF  }
0x98: {  	s18 =	sld [smem:$0x3FDB];
	_ =	sdelay $0x1  }
0x99: {  	s19 =	simm.s32 $_scs_section_size  }
0x9a: {  	s4 =	simm.s32 $_size__tile_overlayer_lowered;
	s5 =	simm.s32 $_tile_overlayer_lowered  }
0x9b: {  	s22 =	simm.s32 $0x1BFF;
	s21 =	sshll.u32 s5, $0x1;
	s2 =	sadd.s32 s19, s18  }
0x9c: {  	s6 =	simm.s32 $0x0;
	s20 =	sshll.u32 s4, $0x1;
	s4 =	sadd.s32 s21, s2  }
0x9d: {  	[timem:s6], [sflag:s22] =	dma.local [hbm:s4], s20  }
0x9e: {  	_ =	swait.ge [sflag:s22], s20  }
0x9f: {  	s3 =	ssub.s32 $0x0, s20;
	[sflag:s22] =	ssyncset.done $0x0  }
0xa0: {  	[sflag:s22] =	ssyncadd.s32 s3;
	_ =	sdelay $0x1  }
0xa1: {  	s23 =	simm.s32 $0x1B8B  }
0xa2: {  	_ =	swait.ge [sflag:s23], $0x1  }
0xa3: {  	[sflag:s23] =	ssyncset.done $0x0  }
0xa4: {  	s25 =	simm.s32 $0x1B8E;
	s24 =	sld [smem:$0x3FFE];
	[sflag:s23] =	ssyncadd.s32 $0xFFFFFFFF  }
0xa5: {  	s26 =	simm.s32 $execute0_lowered;
	[smem:$0x3FD2] =	sst s25  }
0xa6: {  	s4 =	sshll.u32 s26, $0x1;
	_ =	strace $0x80000052;
	[dreg:$0x1] =	wrdreg $0xFFFFFFFF  }
0xa7: {  	s28 =	simm.s32 $_size_execute0_lowered;
	s2 =	sadd.s32 s2, s4;
	[dreg:$0x0] =	wrdreg $0x0  }
0xa8: {  	s4 =	sshll.u32 s28, $0x1;
	[dreg:$0x2] =	wrdreg s2  }
0xa9: {  	[dreg:$0x3] =	wrdreg s4  }
0xaa: {  	[dreg:$0x4] =	wrdreg $0xC0  }
0xab: {  	_ =	task [dreg:s6], $0x5FFFF  }
0xac: {  	[dreg:$0x1] =	wrdreg $0xFFFFFFFF  }
0xad: {  	[dreg:$0x0] =	wrdreg $0x60  }
0xae: {  	[dreg:$0x2] =	wrdreg s24  }
0xaf: {  	[dreg:$0x3] =	wrdreg $0x41000  }
0xb0: {  	[dreg:$0x4] =	wrdreg $0x9  }
0xb1: {  	_ =	task.clear_ibuf [dreg:s6], $0x5FFFF;
	_ =	strace $0x90000052  }
0xb2: {  	s29 =	simm.s32 $0x9;
	_ =	strace $0x80000054  }
0xb3: {  	_ =	swait.ge [sflag:s29], $0x1  }
0xb4: {  	[sflag:s29] =	ssyncadd.s32 $0xFFFFFFFF  }
0xb5: {  	_ =	strace $0x90000054  }
0xb6: {  	_ =	sfence  }
0xb7: {  	s30 =	sld [smem:$0x0];
	_ =	sdelay $0x2  }
0xb8: {  	s31 =	sshll.u32 s1, $0xD;
	s1 =	sshrl.u32 s1, $0x2  }
0xb9: {  	s3 =	sand.u32 $0x4000, s31;
	s1 =	sadd.s32 s1, s30  }
0xba: {  	s0 =	sor.u32 s3, s0;
	s1 =	sshll.u32 s1, $0x11  }
0xbb: {  	s0 =	sor.u32 s1, s0  }
0xbc: {  	s0 =	sadd.s32 $0x8F2B, s0  }
0xbd: {  	[sflag:s0] =	ssyncadd.remote.s32 $0x1  }
0xbe: {  	_ =	sfence.sel $0xFFFF  }
0xbf: {  	[dreg:$0x0] =	wrdreg $0xFFFFFFFF;
	(pc) =	sbr.abs _section_cstart, $3  }
0xc0: {  	[dreg:$0x1] =	wrdreg $0xFFFFFFFF  }
0xc1: {  	_ =	task.clear_ibuf [dreg:s6], $0x2FFFF;
	_ =	strace $0x9FFFFFFF  }
0xc2: {  	(tm) =	ssettm $0x7FFFFFFF  }
0xc3: {  	_ =	shalt  }
tec
execute0_lowered:
.L_overlay_start_1:
0x0: {  	(tag) =	ssettag $0x1  }
0x1: {  	s5 =	rddreg [dreg:$0x0]  }
0x2: {  	s1 =	rddreg [dreg:$0x1];
	s3 =	srdreg.scid  }
0x3: {  	s0 =	rddreg [dreg:$0x2];
	s6 =	sand.u32 $0x1, s3  }
0x4: {  	s2 =	simm.s32 $0x0;
	s3 =	stileid.u32;
	s7 =	smul.u32 $0x4F00, s6  }
0x5: {  	s13 =	simm.s32 $0x100;
	s14 =	simm.s32 $0x1;
	s15 =	smul.u32 $0x2780, s3  }
0x6: {  	[smem:$0x7FF] =	sst s2;
	s4 =	sadd.s32 $0x19000, s5;
	s8 =	smul.u32 $0x27800, s6  }
0x7: {  	_ =	strace $0x80000053;
	s6 =	ssub.s32 $0x2, s6;
	s10 =	smul.u32 $0x4F000, s3  }
0x8: {  	s30 =	sshll.u32 s3, $0x6;
	s31 =	smul.u32 $0x4F0, s3;
	s28 =	sshrl.u32 s6, $0x1  }
0x9: {  	s9 =	sadd.s32 s7, s5;
	s11 =	sadd.s32 s15, s5;
	s8 =	sadd.s32 s8, s5  }
0xa: {  	s7 =	ssub.s32 s6, s28;
	s29 =	sshrl.u32 s10, $0x2;
	s6 =	sor.u32 $0x1C02, s30  }
0xb: {  	s12 =	sadd.s32 s29, s1;
	s5 =	sadd.s32 $0x8E400, s11;
	s16 =	sadd.s32 $0xB5C00, s8  }
0xc: {  	s7 =	smax.u32 s7, $0x1;
	s9 =	sadd.s32 s31, s9;
	s11 =	simm.s32 $0x2  }
0xd: {  	s8 =	sadd.s32 $0xF200, s9;
	s9 =	sadd.s32 $0x5400, s9;
	s10 =	sshrl.u32 s12, $0x3  }
0xe: {  	s12 =	simm.s32 $0x80;
	s15 =	sadd.s32 s15, s16;
	s16 =	simm.s32 $0x0  }
.LBB2_1:
0xf: {  	[spmem:s10], [sflag:s6] =	dma.local [hbm:s5], $0x2780  }
0x10: {  	_ =	swait.ge [sflag:s11], $0x2780  }
0x11: {  	[sflag:s11] =	ssyncset.done $0x0  }
0x12: {  	[sflag:s11] =	ssyncadd.s32 $0xFFFFD880  }
0x13: {  	s17 =	sadd.s32 $0x0, s9;
	[bflag:$0x0] =	sbarrier.arrive $0xFFFF  }
0x14: {  	[tilespmem:s2], [sflag:$0x2] =	stream.linear.gather [hbm4b:s17+s2], $0x80, $0x38;
	[tilespmem:$0x17D00] =	vst v63  }
0x15: {  	_ =	swait.ge [sflag:s11], $0x80  }
0x16: {  	[sflag:s11] =	ssyncset.done $0x0  }
0x17: {  	[sflag:s11] =	ssyncadd.s32 $0xFFFFFF80  }
0x18: {  	[tilespmem:s13], [sflag:$0x1] =	stream.indirect.gather [hbm4b:s4+s12], $0x80, s2, s12, $0xb8;
	[tilespmem:$0x17D00] =	vst v63  }
0x19: {  	_ =	swait.ge [sflag:s14], $0x4000  }
0x1a: {  	[sflag:s14] =	ssyncset.done $0x0  }
0x1b: {  	s31 =	sadd.s32 $0x0, s8;
	[sflag:s14] =	ssyncadd.s32 $0xFFFFC000  }
0x1c: {  	[tilespmem:s12], [sflag:$0x2] =	stream.linear.gather [hbm4b:s31+s2], $0x80, $0x38;
	[tilespmem:$0x17D00] =	vst v63  }
0x1d: {  	_ =	swait.ge [sflag:s11], $0x80  }
0x1e: {  	[sflag:s11] =	ssyncset.done $0x0  }
0x1f: {  	[sflag:s11] =	ssyncadd.s32 $0xFFFFFF80  }
0x20: {  	[spmem:s1] =	stream.indirect.scatter.add.f32 [tilespmem:s13], [sflag:$0x2], $0x80, s12, s12, $0xb8;
	[tilespmem:$0x17D00] =	vst v63  }
0x21: {  	_ =	swait.ge [sflag:s11], $0x4000  }
0x22: {  	s18 =	simm.s32 $0x20;
	s17 =	simm.s32 $0x10;
	[sflag:s11] =	ssyncset.done $0x0  }
.LBB2_2:
0x23: {  	s19 =	sadd.s32 s17, s9  }
0x24: {  	[sflag:s11] =	ssyncadd.s32 $0xFFFFC000;
	s20 =	smov.u32 s18;
	s21 =	sadd.s32 $0x10, s18  }
0x25: {  	[tilespmem:s2], [sflag:$0x2] =	stream.linear.gather [hbm4b:s19+s2], $0x80, $0x38;
	[tilespmem:$0x17D00] =	vst v63  }
0x26: {  	p0 =	sne.s32 s18, $0x4E0;
	_ =	swait.ge [sflag:s11], $0x80  }
0x27: {  	[sflag:s11] =	ssyncset.done $0x0  }
0x28: {  	[sflag:s11] =	ssyncadd.s32 $0xFFFFFF80  }
0x29: {  	[tilespmem:s13], [sflag:$0x1] =	stream.indirect.gather [hbm4b:s4+s12], $0x80, s2, s12, $0xb8;
	[tilespmem:$0x17D00] =	vst v63  }
0x2a: {  	_ =	swait.ge [sflag:s14], $0x4000  }
0x2b: {  	[sflag:s14] =	ssyncset.done $0x0  }
0x2c: {  	s18 =	sadd.s32 s17, s8;
	s17 =	smov.u32 s20;
	[sflag:s14] =	ssyncadd.s32 $0xFFFFC000  }
0x2d: {  	[tilespmem:s12], [sflag:$0x2] =	stream.linear.gather [hbm4b:s18+s2], $0x80, $0x38;
	[tilespmem:$0x17D00] =	vst v63  }
0x2e: {  	_ =	swait.ge [sflag:s11], $0x80  }
.Ltmp0:
0x2f: {  	[sflag:s11] =	ssyncset.done $0x0;
	(pc) =	sbr.rel @p0 .LBB2_2-.Ltmp0, $4  }
0x30: {  	[sflag:s11] =	ssyncadd.s32 $0xFFFFFF80  }
0x31: {  	[spmem:s1] =	stream.indirect.scatter.add.f32 [tilespmem:s13], [sflag:$0x2], $0x80, s12, s12, $0xb8;
	[tilespmem:$0x17D00] =	vst v63  }
0x32: {  	_ =	swait.ge [sflag:s11], $0x4000  }
0x33: {  	s18 =	smov.u32 s21;
	[sflag:s11] =	ssyncset.done $0x0  }
0x34: {  	s18 =	sadd.s32 s17, s9;
	[sflag:s11] =	ssyncadd.s32 $0xFFFFC000  }
0x35: {  	[tilespmem:s2], [sflag:$0x2] =	stream.linear.gather [hbm4b:s18+s2], $0x80, $0x38;
	[tilespmem:$0x17D00] =	vst v63  }
0x36: {  	_ =	swait.ge [sflag:s11], $0x80  }
0x37: {  	[sflag:s11] =	ssyncset.done $0x0  }
0x38: {  	[sflag:s11] =	ssyncadd.s32 $0xFFFFFF80  }
0x39: {  	[tilespmem:s13], [sflag:$0x1] =	stream.indirect.gather [hbm4b:s4+s12], $0x80, s2, s12, $0xb8;
	[tilespmem:$0x17D00] =	vst v63  }
0x3a: {  	_ =	swait.ge [sflag:s14], $0x4000  }
0x3b: {  	[sflag:s14] =	ssyncset.done $0x0  }
0x3c: {  	s31 =	sadd.s32 s17, s8;
	[sflag:s14] =	ssyncadd.s32 $0xFFFFC000  }
0x3d: {  	[tilespmem:s12], [sflag:$0x2] =	stream.linear.gather [hbm4b:s31+s2], $0x80, $0x38;
	[tilespmem:$0x17D00] =	vst v63  }
0x3e: {  	_ =	swait.ge [sflag:s11], $0x80  }
0x3f: {  	[sflag:s11] =	ssyncset.done $0x0  }
0x40: {  	[sflag:s11] =	ssyncadd.s32 $0xFFFFFF80  }
0x41: {  	[spmem:s1] =	stream.indirect.scatter.add.f32 [tilespmem:s13], [sflag:$0x2], $0x80, s12, s12, $0xb8;
	[tilespmem:$0x17D00] =	vst v63  }
0x42: {  	_ =	swait.ge [sflag:s11], $0x4000  }
0x43: {  	s16 =	sadd.s32 $0x1, s16;
	[sflag:s11] =	ssyncset.done $0x0  }
0x44: {  	p0 =	sne.s32 s16, s7;
	[sflag:s11] =	ssyncadd.s32 $0xFFFFC000  }
.Ltmp1:
0x45: {  	[bflag:$0x0] =	sbarrier.arrive $0xFFFF;
	(pc) =	sbr.rel @p0 .LBB2_1-.Ltmp1, $4  }
0x46: {  	[hbm:s15], [sflag:s6] =	dma.local [spmem:s10], $0x2780  }
0x47: {  	_ =	swait.ge [sflag:s11], $0x2780  }
0x48: {  	[sflag:s11] =	ssyncset.done $0x0  }
0x49: {  	[sflag:s11] =	ssyncadd.s32 $0xFFFFD880  }
0x4a: {  	_ =	sfence.sel $0x180000  }
0x4b: {  	[bflag:$0x0] =	sbarrier.arrive $0xFFFF  }
0x4c: {  	p0 =	sne.s32 s3, $0x0;
	_ =	strace $0x90000053  }
0x4d: {  	s0 =	sadd.s32 @!p0 $0x100000, s0;
	[bflag:$0x2] =	sbarrier.arrive $0xFFFF  }
0x4e: {  	[sflag:s0] =	ssyncadd.tile.s32 @!p0 $0x1;
	_ =	shalt  }
.Lfunc_end2:
_tile_overlayer_lowered:
.L_overlay_start_2:
0x4f: {  	(tag) =	ssettag $0x2  }
0x50: {  	s0 =	rddreg [dreg:$0x0];
	s2 =	stileid.u32  }
0x51: {  	s1 =	rddreg [dreg:$0x1];
	p0 =	sne.s32 s2, $0x0  }
0x52: {  	s3 =	rddreg [dreg:$0x2];
	[bflag:$0x3] =	sbarrier.arrive $0xFFFF;
	s2 =	simm.s32 @!p0 $0x1C02  }
0x53: {  	[timem:s3], [sflag:s2] =	dma.local @!p0 [hbm:s0], s1  }
0x54: {  	s0 =	simm.s32 @!p0 $0x2  }
0x55: {  	_ =	swait.ge @!p0 [sflag:s0], s1  }
0x56: {  	s1 =	ssub.s32 @!p0 $0x0, s1;
	[sflag:s0] =	ssyncset.done @!p0 $0x0  }
0x57: {  	[sflag:s0] =	ssyncadd.s32 @!p0 s1  }
0x58: {  	[bflag:$0x3] =	sbarrier.arrive $0xFFFF  }
0x59: {  	_ =	shalt  }

// kernel: kernel.34.cloned.1.call-start
scs
__scs_entry_jumppad:
0x0: {  	(pc) =	sbr.rel $0x88, $3  }
0x1: {  	(tag) =	ssettag $0x0;
	lr =	simm.s32 $0x1  }
0x2: {  	[smem:$0x3F95] =	sst lr;
	_ =	strace $0xD0000000  }
0x3: {  	_ = 	snop  }
0x4: {  	_ = 	snop  }
0x5: {  	_ = 	snop  }
0x6: {  	_ = 	snop  }
0x7: {  	_ = 	snop  }
__scs_overlays_trampoline_lowered:
0x8: {  	[smem:$0x3FA4] =	sst s0  }
0x9: {  	[smem:$0x3FA5] =	sst s1  }
0xa: {  	[smem:$0x3FA6] =	sst s2  }
0xb: {  	[smem:$0x3FA7] =	sst s3  }
0xc: {  	[smem:$0x3FA8] =	sst s4  }
0xd: {  	[smem:$0x3FA9] =	sst s5  }
0xe: {  	[smem:$0x3FAA] =	sst s6  }
0xf: {  	[smem:$0x3FAB] =	sst s7  }
0x10: {  	[smem:$0x3FAC] =	sst s8  }
0x11: {  	[smem:$0x3FAD] =	sst s9;
	s0 =	simm.s32 @!p0 $0x0  }
0x12: {  	s1 =	sld [smem:$0x3F93];
	s0 =	simm.s32 @p0 $0x1  }
0x13: {  	[smem:$0x3FAE] =	sst s0;
	s0 =	simm.s32 @!p1 $0x0  }
0x14: {  	s2 =	sld [smem:$0x3F92];
	s0 =	simm.s32 @p1 $0x1  }
0x15: {  	[smem:$0x3FAF] =	sst s0;
	s0 =	simm.s32 @!p2 $0x0  }
0x16: {  	s3 =	sld [smem:$0x3FDB];
	s0 =	simm.s32 @p2 $0x1  }
0x17: {  	s4 =	simm.s32 $0x1BF5;
	[smem:$0x3FB1] =	sst s0  }
0x18: {  	s0 =	sld [smem:$0x3F94];
	_ =	swait.ge [sflag:s4], $0x0  }
0x19: {  	s7 =	sld [smem:$0x3F95]  }
0x1a: {  	s8 =	sadd.s32 $0xFFFFE003, lr  }
0x1b: {  	s9 =	sadd.s32 $0xFFFFFEF7, lr;
	s5 =	simm.s32 $0xFFFFFFFF;
	p2 =	slt.u32 s8, $0xFFFFF086  }
0x1c: {  	p1 =	slt.u32 s9, $0xF7A;
	s5 =	simm.s32 @!p2 $0x0  }
0x1d: {  	s5 =	simm.s32 @p1 $0x1;
	p0 =	seq.s32 s7, s2  }
0x1e: {  	s7 =	smul.u32 @!p0 $0xF7A, s2;
	p2 =	seq.s32 @!p0 s5, $0x0  }
0x1f: {  	s9 =	smul.u32 $0xF7A, s1;
	s8 =	simm.s32 @!p0 $0x1BF5;
	p2 =	por !p2, p0  }
0x20: {  	[sflag:s8] =	ssyncset.s32 @!p0 $0xFFFFF086;
	s6 =	sadd.s32 @!p0 s3, s7;
	s7 =	simm.s32 @!p0 $0x108  }
0x21: {  	s3 =	sadd.s32 s3, s9;
	s6 =	sadd.s32 @!p0 $0x88, s6;
	s7 =	simm.s32 @p2 $0x1082  }
0x22: {  	[simem:s7], [sflag:s8] =	dma.local @!p0 [hbm:s6], $0xF7A  }
0x23: {  	s9 =	sor.u32 $0xD0000000, s2;
	s6 =	simm.s32 $0x108;
	_ =	swait.ge @!p0 [sflag:s8], $0x0  }
0x24: {  	s3 =	sadd.s32 $0x88, s3;
	s6 =	simm.s32 @!p1 $0x1082;
	[sflag:s4] =	ssyncset.s32 $0xFFFFF086  }
0x25: {  	[simem:s6], [sflag:s4] =	dma.local [hbm:s3], $0xF7A  }
0x26: {  	[smem:$0x3F95] =	sst s1;
	(tag) =	ssettag s2;
	_ =	strace s9  }
0x27: {  	s1 =	sld [smem:$0x3FA5]  }
0x28: {  	s2 =	sld [smem:$0x3FA6]  }
0x29: {  	s4 =	sld [smem:$0x3FA8]  }
0x2a: {  	p0 =	seq.s32 s5, $0x0;
	s5 =	sld [smem:$0x3FA9]  }
0x2b: {  	s6 =	sld [smem:$0x3FAA]  }
0x2c: {  	s7 =	sld [smem:$0x3FAB]  }
0x2d: {  	s3 =	simm.s32 $0x108;
	s8 =	sld [smem:$0x3FAC]  }
0x2e: {  	s3 =	simm.s32 @!p0 $0x1082;
	s9 =	sld [smem:$0x3FAD]  }
0x2f: {  	lr =	sadd.s32 s0, s3;
	s0 =	sld [smem:$0x3FA4]  }
0x30: {  	s3 =	sld [smem:$0x3FA7]  }
0x31: {  	[smem:$0x3FB0] =	sst s10  }
0x32: {  	s10 =	sld [smem:$0x3FAE];
	_ =	sdelay $0x3  }
0x33: {  	p0 =	seq.s32 s10, $0x1;
	s10 =	sld [smem:$0x3FB0];
	_ =	sdelay $0x3  }
0x34: {  	[smem:$0x3FB0] =	sst s10  }
0x35: {  	s10 =	sld [smem:$0x3FAF];
	_ =	sdelay $0x3  }
0x36: {  	p1 =	seq.s32 s10, $0x1;
	s10 =	sld [smem:$0x3FB0];
	_ =	sdelay $0x3  }
0x37: {  	[smem:$0x3FB0] =	sst s10  }
0x38: {  	s10 =	sld [smem:$0x3FB1]  }
0x39: {  	_ = 	snop;
	(pc) =	sbr.ind lr, $3  }
0x3a: {  	_ = 	snop  }
0x3b: {  	_ = 	snop  }
0x3c: {  	p2 =	seq.s32 s10, $0x1;
	s10 =	sld [smem:$0x3FB0]  }
0x3d: {  	_ =	shalt  }
0x3e: {  	_ =	shalt  }
0x3f: {  	_ =	shalt  }
0x40: {  	_ =	shalt  }
0x41: {  	_ =	shalt  }
0x42: {  	_ =	shalt  }
0x43: {  	_ =	shalt  }
0x44: {  	_ =	shalt  }
0x45: {  	_ =	shalt  }
0x46: {  	_ =	shalt  }
0x47: {  	_ =	shalt  }
0x48: {  	_ =	shalt  }
0x49: {  	_ =	shalt  }
0x4a: {  	_ =	shalt  }
0x4b: {  	_ =	shalt  }
0x4c: {  	_ =	shalt  }
0x4d: {  	_ =	shalt  }
0x4e: {  	_ =	shalt  }
0x4f: {  	_ =	shalt  }
0x50: {  	_ =	shalt  }
0x51: {  	_ =	shalt  }
0x52: {  	_ =	shalt  }
0x53: {  	_ =	shalt  }
0x54: {  	_ =	shalt  }
0x55: {  	_ =	shalt  }
0x56: {  	_ =	shalt  }
0x57: {  	_ =	shalt  }
0x58: {  	_ =	shalt  }
0x59: {  	_ =	shalt  }
0x5a: {  	_ =	shalt  }
0x5b: {  	_ =	shalt  }
0x5c: {  	_ =	shalt  }
0x5d: {  	_ =	shalt  }
0x5e: {  	_ =	shalt  }
0x5f: {  	_ =	shalt  }
0x60: {  	_ =	shalt  }
0x61: {  	_ =	shalt  }
0x62: {  	_ =	shalt  }
0x63: {  	_ =	shalt  }
0x64: {  	_ =	shalt  }
0x65: {  	_ =	shalt  }
0x66: {  	_ =	shalt  }
0x67: {  	_ =	shalt  }
0x68: {  	_ =	shalt  }
0x69: {  	_ =	shalt  }
0x6a: {  	_ =	shalt  }
0x6b: {  	_ =	shalt  }
0x6c: {  	_ =	shalt  }
0x6d: {  	_ =	shalt  }
0x6e: {  	_ =	shalt  }
0x6f: {  	_ =	shalt  }
0x70: {  	_ =	shalt  }
0x71: {  	_ =	shalt  }
0x72: {  	_ =	shalt  }
0x73: {  	_ =	shalt  }
0x74: {  	_ =	shalt  }
0x75: {  	_ =	shalt  }
0x76: {  	_ =	shalt  }
0x77: {  	_ =	shalt  }
0x78: {  	_ =	shalt  }
0x79: {  	_ =	shalt  }
0x7a: {  	_ =	shalt  }
0x7b: {  	_ =	shalt  }
0x7c: {  	_ =	shalt  }
0x7d: {  	_ =	shalt  }
0x7e: {  	_ =	shalt  }
0x7f: {  	_ =	shalt  }
0x80: {  	_ =	shalt  }
0x81: {  	_ =	shalt  }
0x82: {  	_ =	shalt  }
0x83: {  	_ =	shalt  }
0x84: {  	_ =	shalt  }
0x85: {  	_ =	shalt  }
0x86: {  	_ =	shalt  }
0x87: {  	_ =	shalt  }
.Lfunc_end0:
.L_simem_size_0:
called_computation.5_lowered:
.L_overlay_start_0:
0x88: {  	s2 =	sld [smem:$0x3FD9]  }
0x89: {  	s3 =	sld [smem:$0x3FFE];
	_ =	sdelay $0x1  }
0x8a: {  	s1 =	srdreg.scid  }
0x8b: {  	s0 =	sand.u32 $0x1, s1  }
0x8c: {  	s16 =	sshll.u32 s0, $0xA;
	s2 =	sadd.s32 s3, s2  }
0x8d: {  	s2 =	sadd.s32 s2, s16  }
0x8e: {  	[smem:$0x3FBC] =	sst s2  }
0x8f: {  	_ = 	snop  }
0x90: {  	(tm) =	ssettm $0x1  }
0x91: {  	s17 =	sld [smem:$0x3FFB];
	_ =	sdelay $0x3  }
0x92: {  	_ =	strace s17  }
0x93: {  	s2 =	sld [smem:$0x3FFC];
	_ =	sdelay $0x3  }
0x94: {  	_ =	strace s2  }
0x95: {  	s2 =	sld [smem:$0x3FFD];
	_ =	sdelay $0x3  }
0x96: {  	_ =	strace s2  }
0x97: {  	_ =	strace $0x8FFFFFFF  }
0x98: {  	s18 =	sld [smem:$0x3FDB];
	_ =	sdelay $0x1  }
0x99: {  	s19 =	simm.s32 $_scs_section_size  }
0x9a: {  	s4 =	simm.s32 $_size__tile_overlayer_lowered;
	s5 =	simm.s32 $_tile_overlayer_lowered  }
0x9b: {  	s22 =	simm.s32 $0x1BFF;
	s21 =	sshll.u32 s5, $0x1;
	s2 =	sadd.s32 s19, s18  }
0x9c: {  	s6 =	simm.s32 $0x0;
	s20 =	sshll.u32 s4, $0x1;
	s4 =	sadd.s32 s21, s2  }
0x9d: {  	[timem:s6], [sflag:s22] =	dma.local [hbm:s4], s20  }
0x9e: {  	_ =	swait.ge [sflag:s22], s20  }
0x9f: {  	s3 =	ssub.s32 $0x0, s20;
	[sflag:s22] =	ssyncset.done $0x0  }
0xa0: {  	[sflag:s22] =	ssyncadd.s32 s3;
	_ =	sdelay $0x1  }
0xa1: {  	s23 =	simm.s32 $0x1B8B  }
0xa2: {  	_ =	swait.ge [sflag:s23], $0x1  }
0xa3: {  	[sflag:s23] =	ssyncset.done $0x0  }
0xa4: {  	s25 =	simm.s32 $0x1B8E;
	s24 =	sld [smem:$0x3FFE];
	[sflag:s23] =	ssyncadd.s32 $0xFFFFFFFF  }
0xa5: {  	s26 =	simm.s32 $execute0_lowered;
	[smem:$0x3FD2] =	sst s25  }
0xa6: {  	s4 =	sshll.u32 s26, $0x1;
	_ =	strace $0x80000055;
	[dreg:$0x1] =	wrdreg $0xFFFFFFFF  }
0xa7: {  	s28 =	simm.s32 $_size_execute0_lowered;
	s2 =	sadd.s32 s2, s4;
	[dreg:$0x0] =	wrdreg $0x0  }
0xa8: {  	s4 =	sshll.u32 s28, $0x1;
	[dreg:$0x2] =	wrdreg s2  }
0xa9: {  	[dreg:$0x3] =	wrdreg s4  }
0xaa: {  	[dreg:$0x4] =	wrdreg $0xC0  }
0xab: {  	_ =	task [dreg:s6], $0x5FFFF  }
0xac: {  	[dreg:$0x1] =	wrdreg $0xFFFFFFFF  }
0xad: {  	[dreg:$0x0] =	wrdreg $0x60  }
0xae: {  	[dreg:$0x2] =	wrdreg s24  }
0xaf: {  	[dreg:$0x3] =	wrdreg $0x41000  }
0xb0: {  	[dreg:$0x4] =	wrdreg $0x9  }
0xb1: {  	_ =	task.clear_ibuf [dreg:s6], $0x5FFFF;
	_ =	strace $0x90000055  }
0xb2: {  	s29 =	simm.s32 $0x9;
	_ =	strace $0x80000057  }
0xb3: {  	_ =	swait.ge [sflag:s29], $0x1  }
0xb4: {  	[sflag:s29] =	ssyncadd.s32 $0xFFFFFFFF  }
0xb5: {  	_ =	strace $0x90000057  }
0xb6: {  	_ =	sfence  }
0xb7: {  	s30 =	sld [smem:$0x0];
	_ =	sdelay $0x2  }
0xb8: {  	s31 =	sshll.u32 s1, $0xD;
	s1 =	sshrl.u32 s1, $0x2  }
0xb9: {  	s3 =	sand.u32 $0x4000, s31;
	s1 =	sadd.s32 s1, s30  }
0xba: {  	s0 =	sor.u32 s3, s0;
	s1 =	sshll.u32 s1, $0x11  }
0xbb: {  	s0 =	sor.u32 s1, s0  }
0xbc: {  	s0 =	sadd.s32 $0x8F2B, s0  }
0xbd: {  	[sflag:s0] =	ssyncadd.remote.s32 $0x1  }
0xbe: {  	_ =	sfence.sel $0xFFFF  }
0xbf: {  	[dreg:$0x0] =	wrdreg $0xFFFFFFFF;
	(pc) =	sbr.abs _section_cstart, $3  }
0xc0: {  	[dreg:$0x1] =	wrdreg $0xFFFFFFFF  }
0xc1: {  	_ =	task.clear_ibuf [dreg:s6], $0x2FFFF;
	_ =	strace $0x9FFFFFFF  }
0xc2: {  	(tm) =	ssettm $0x7FFFFFFF  }
0xc3: {  	_ =	shalt  }
tec
execute0_lowered:
.L_overlay_start_1:
0x0: {  	(tag) =	ssettag $0x1  }
0x1: {  	s5 =	rddreg [dreg:$0x0]  }
0x2: {  	s1 =	rddreg [dreg:$0x1];
	s3 =	srdreg.scid  }
0x3: {  	s0 =	rddreg [dreg:$0x2];
	s6 =	sand.u32 $0x1, s3  }
0x4: {  	s2 =	simm.s32 $0x0;
	s3 =	stileid.u32;
	s7 =	smul.u32 $0x4F00, s6  }
0x5: {  	s13 =	simm.s32 $0x100;
	s14 =	simm.s32 $0x1;
	s15 =	smul.u32 $0x2780, s3  }
0x6: {  	[smem:$0x7FF] =	sst s2;
	s4 =	sadd.s32 $0x19000, s5;
	s8 =	smul.u32 $0x27800, s6  }
0x7: {  	_ =	strace $0x80000056;
	s6 =	ssub.s32 $0x2, s6;
	s10 =	smul.u32 $0x4F000, s3  }
0x8: {  	s30 =	sshll.u32 s3, $0x6;
	s31 =	smul.u32 $0x4F0, s3;
	s28 =	sshrl.u32 s6, $0x1  }
0x9: {  	s9 =	sadd.s32 s7, s5;
	s11 =	sadd.s32 s15, s5;
	s8 =	sadd.s32 s8, s5  }
0xa: {  	s7 =	ssub.s32 s6, s28;
	s29 =	sshrl.u32 s10, $0x2;
	s6 =	sor.u32 $0x1C02, s30  }
0xb: {  	s12 =	sadd.s32 s29, s1;
	s5 =	sadd.s32 $0x8E400, s11;
	s16 =	sadd.s32 $0xB5C00, s8  }
0xc: {  	s7 =	smax.u32 s7, $0x1;
	s9 =	sadd.s32 s31, s9;
	s11 =	simm.s32 $0x2  }
0xd: {  	s8 =	sadd.s32 $0xF200, s9;
	s9 =	sadd.s32 $0x5400, s9;
	s10 =	sshrl.u32 s12, $0x3  }
0xe: {  	s12 =	simm.s32 $0x80;
	s15 =	sadd.s32 s15, s16;
	s16 =	simm.s32 $0x0  }
.LBB2_1:
0xf: {  	[spmem:s10], [sflag:s6] =	dma.local [hbm:s5], $0x2780  }
0x10: {  	_ =	swait.ge [sflag:s11], $0x2780  }
0x11: {  	[sflag:s11] =	ssyncset.done $0x0  }
0x12: {  	[sflag:s11] =	ssyncadd.s32 $0xFFFFD880  }
0x13: {  	s17 =	sadd.s32 $0x0, s9;
	[bflag:$0x0] =	sbarrier.arrive $0xFFFF  }
0x14: {  	[tilespmem:s2], [sflag:$0x2] =	stream.linear.gather [hbm4b:s17+s2], $0x80, $0x38;
	[tilespmem:$0x17D00] =	vst v63  }
0x15: {  	_ =	swait.ge [sflag:s11], $0x80  }
0x16: {  	[sflag:s11] =	ssyncset.done $0x0  }
0x17: {  	[sflag:s11] =	ssyncadd.s32 $0xFFFFFF80  }
0x18: {  	[tilespmem:s13], [sflag:$0x1] =	stream.indirect.gather [hbm4b:s4+s12], $0x80, s2, s12, $0xb8;
	[tilespmem:$0x17D00] =	vst v63  }
0x19: {  	_ =	swait.ge [sflag:s14], $0x4000  }
0x1a: {  	[sflag:s14] =	ssyncset.done $0x0  }
0x1b: {  	s31 =	sadd.s32 $0x0, s8;
	[sflag:s14] =	ssyncadd.s32 $0xFFFFC000  }
0x1c: {  	[tilespmem:s12], [sflag:$0x2] =	stream.linear.gather [hbm4b:s31+s2], $0x80, $0x38;
	[tilespmem:$0x17D00] =	vst v63  }
0x1d: {  	_ =	swait.ge [sflag:s11], $0x80  }
0x1e: {  	[sflag:s11] =	ssyncset.done $0x0  }
0x1f: {  	[sflag:s11] =	ssyncadd.s32 $0xFFFFFF80  }
0x20: {  	[spmem:s1] =	stream.indirect.scatter.add.f32 [tilespmem:s13], [sflag:$0x2], $0x80, s12, s12, $0xb8;
	[tilespmem:$0x17D00] =	vst v63  }
0x21: {  	_ =	swait.ge [sflag:s11], $0x4000  }
0x22: {  	s18 =	simm.s32 $0x20;
	s17 =	simm.s32 $0x10;
	[sflag:s11] =	ssyncset.done $0x0  }
.LBB2_2:
0x23: {  	s19 =	sadd.s32 s17, s9  }
0x24: {  	[sflag:s11] =	ssyncadd.s32 $0xFFFFC000;
	s20 =	smov.u32 s18;
	s21 =	sadd.s32 $0x10, s18  }
0x25: {  	[tilespmem:s2], [sflag:$0x2] =	stream.linear.gather [hbm4b:s19+s2], $0x80, $0x38;
	[tilespmem:$0x17D00] =	vst v63  }
0x26: {  	p0 =	sne.s32 s18, $0x4E0;
	_ =	swait.ge [sflag:s11], $0x80  }
0x27: {  	[sflag:s11] =	ssyncset.done $0x0  }
0x28: {  	[sflag:s11] =	ssyncadd.s32 $0xFFFFFF80  }
0x29: {  	[tilespmem:s13], [sflag:$0x1] =	stream.indirect.gather [hbm4b:s4+s12], $0x80, s2, s12, $0xb8;
	[tilespmem:$0x17D00] =	vst v63  }
0x2a: {  	_ =	swait.ge [sflag:s14], $0x4000  }
0x2b: {  	[sflag:s14] =	ssyncset.done $0x0  }
0x2c: {  	s18 =	sadd.s32 s17, s8;
	s17 =	smov.u32 s20;
	[sflag:s14] =	ssyncadd.s32 $0xFFFFC000  }
0x2d: {  	[tilespmem:s12], [sflag:$0x2] =	stream.linear.gather [hbm4b:s18+s2], $0x80, $0x38;
	[tilespmem:$0x17D00] =	vst v63  }
0x2e: {  	_ =	swait.ge [sflag:s11], $0x80  }
.Ltmp0:
0x2f: {  	[sflag:s11] =	ssyncset.done $0x0;
	(pc) =	sbr.rel @p0 .LBB2_2-.Ltmp0, $4  }
0x30: {  	[sflag:s11] =	ssyncadd.s32 $0xFFFFFF80  }
0x31: {  	[spmem:s1] =	stream.indirect.scatter.add.f32 [tilespmem:s13], [sflag:$0x2], $0x80, s12, s12, $0xb8;
	[tilespmem:$0x17D00] =	vst v63  }
0x32: {  	_ =	swait.ge [sflag:s11], $0x4000  }
0x33: {  	s18 =	smov.u32 s21;
	[sflag:s11] =	ssyncset.done $0x0  }
0x34: {  	s18 =	sadd.s32 s17, s9;
	[sflag:s11] =	ssyncadd.s32 $0xFFFFC000  }
0x35: {  	[tilespmem:s2], [sflag:$0x2] =	stream.linear.gather [hbm4b:s18+s2], $0x80, $0x38;
	[tilespmem:$0x17D00] =	vst v63  }
0x36: {  	_ =	swait.ge [sflag:s11], $0x80  }
0x37: {  	[sflag:s11] =	ssyncset.done $0x0  }
0x38: {  	[sflag:s11] =	ssyncadd.s32 $0xFFFFFF80  }
0x39: {  	[tilespmem:s13], [sflag:$0x1] =	stream.indirect.gather [hbm4b:s4+s12], $0x80, s2, s12, $0xb8;
	[tilespmem:$0x17D00] =	vst v63  }
0x3a: {  	_ =	swait.ge [sflag:s14], $0x4000  }
0x3b: {  	[sflag:s14] =	ssyncset.done $0x0  }
0x3c: {  	s31 =	sadd.s32 s17, s8;
	[sflag:s14] =	ssyncadd.s32 $0xFFFFC000  }
0x3d: {  	[tilespmem:s12], [sflag:$0x2] =	stream.linear.gather [hbm4b:s31+s2], $0x80, $0x38;
	[tilespmem:$0x17D00] =	vst v63  }
0x3e: {  	_ =	swait.ge [sflag:s11], $0x80  }
0x3f: {  	[sflag:s11] =	ssyncset.done $0x0  }
0x40: {  	[sflag:s11] =	ssyncadd.s32 $0xFFFFFF80  }
0x41: {  	[spmem:s1] =	stream.indirect.scatter.add.f32 [tilespmem:s13], [sflag:$0x2], $0x80, s12, s12, $0xb8;
	[tilespmem:$0x17D00] =	vst v63  }
0x42: {  	_ =	swait.ge [sflag:s11], $0x4000  }
0x43: {  	s16 =	sadd.s32 $0x1, s16;
	[sflag:s11] =	ssyncset.done $0x0  }
0x44: {  	p0 =	sne.s32 s16, s7;
	[sflag:s11] =	ssyncadd.s32 $0xFFFFC000  }
.Ltmp1:
0x45: {  	[bflag:$0x0] =	sbarrier.arrive $0xFFFF;
	(pc) =	sbr.rel @p0 .LBB2_1-.Ltmp1, $4  }
0x46: {  	[hbm:s15], [sflag:s6] =	dma.local [spmem:s10], $0x2780  }
0x47: {  	_ =	swait.ge [sflag:s11], $0x2780  }
0x48: {  	[sflag:s11] =	ssyncset.done $0x0  }
0x49: {  	[sflag:s11] =	ssyncadd.s32 $0xFFFFD880  }
0x4a: {  	_ =	sfence.sel $0x180000  }
0x4b: {  	[bflag:$0x0] =	sbarrier.arrive $0xFFFF  }
0x4c: {  	p0 =	sne.s32 s3, $0x0;
	_ =	strace $0x90000056  }
0x4d: {  	s0 =	sadd.s32 @!p0 $0x100000, s0;
	[bflag:$0x2] =	sbarrier.arrive $0xFFFF  }
0x4e: {  	[sflag:s0] =	ssyncadd.tile.s32 @!p0 $0x1;
	_ =	shalt  }
.Lfunc_end2:
_tile_overlayer_lowered:
.L_overlay_start_2:
0x4f: {  	(tag) =	ssettag $0x2  }
0x50: {  	s0 =	rddreg [dreg:$0x0];
	s2 =	stileid.u32  }
0x51: {  	s1 =	rddreg [dreg:$0x1];
	p0 =	sne.s32 s2, $0x0  }
0x52: {  	s3 =	rddreg [dreg:$0x2];
	[bflag:$0x3] =	sbarrier.arrive $0xFFFF;
	s2 =	simm.s32 @!p0 $0x1C02  }
0x53: {  	[timem:s3], [sflag:s2] =	dma.local @!p0 [hbm:s0], s1  }
0x54: {  	s0 =	simm.s32 @!p0 $0x2  }
0x55: {  	_ =	swait.ge @!p0 [sflag:s0], s1  }
0x56: {  	s1 =	ssub.s32 @!p0 $0x0, s1;
	[sflag:s0] =	ssyncset.done @!p0 $0x0  }
0x57: {  	[sflag:s0] =	ssyncadd.s32 @!p0 s1  }
0x58: {  	[bflag:$0x3] =	sbarrier.arrive $0xFFFF  }
0x59: {  	_ =	shalt  }

// kernel: kernel.37.cloned.1.call-start
scs
__scs_entry_jumppad:
0x0: {  	(pc) =	sbr.rel $0x88, $3  }
0x1: {  	(tag) =	ssettag $0x0;
	lr =	simm.s32 $0x1  }
0x2: {  	[smem:$0x3F95] =	sst lr;
	_ =	strace $0xD0000000  }
0x3: {  	_ = 	snop  }
0x4: {  	_ = 	snop  }
0x5: {  	_ = 	snop  }
0x6: {  	_ = 	snop  }
0x7: {  	_ = 	snop  }
__scs_overlays_trampoline_lowered:
0x8: {  	[smem:$0x3FA4] =	sst s0  }
0x9: {  	[smem:$0x3FA5] =	sst s1  }
0xa: {  	[smem:$0x3FA6] =	sst s2  }
0xb: {  	[smem:$0x3FA7] =	sst s3  }
0xc: {  	[smem:$0x3FA8] =	sst s4  }
0xd: {  	[smem:$0x3FA9] =	sst s5  }
0xe: {  	[smem:$0x3FAA] =	sst s6  }
0xf: {  	[smem:$0x3FAB] =	sst s7  }
0x10: {  	[smem:$0x3FAC] =	sst s8  }
0x11: {  	[smem:$0x3FAD] =	sst s9;
	s0 =	simm.s32 @!p0 $0x0  }
0x12: {  	s1 =	sld [smem:$0x3F93];
	s0 =	simm.s32 @p0 $0x1  }
0x13: {  	[smem:$0x3FAE] =	sst s0;
	s0 =	simm.s32 @!p1 $0x0  }
0x14: {  	s2 =	sld [smem:$0x3F92];
	s0 =	simm.s32 @p1 $0x1  }
0x15: {  	[smem:$0x3FAF] =	sst s0;
	s0 =	simm.s32 @!p2 $0x0  }
0x16: {  	s3 =	sld [smem:$0x3FDB];
	s0 =	simm.s32 @p2 $0x1  }
0x17: {  	s4 =	simm.s32 $0x1BF5;
	[smem:$0x3FB1] =	sst s0  }
0x18: {  	s0 =	sld [smem:$0x3F94];
	_ =	swait.ge [sflag:s4], $0x0  }
0x19: {  	s7 =	sld [smem:$0x3F95]  }
0x1a: {  	s8 =	sadd.s32 $0xFFFFE003, lr  }
0x1b: {  	s9 =	sadd.s32 $0xFFFFFEF7, lr;
	s5 =	simm.s32 $0xFFFFFFFF;
	p2 =	slt.u32 s8, $0xFFFFF086  }
0x1c: {  	p1 =	slt.u32 s9, $0xF7A;
	s5 =	simm.s32 @!p2 $0x0  }
0x1d: {  	s5 =	simm.s32 @p1 $0x1;
	p0 =	seq.s32 s7, s2  }
0x1e: {  	s7 =	smul.u32 @!p0 $0xF7A, s2;
	p2 =	seq.s32 @!p0 s5, $0x0  }
0x1f: {  	s9 =	smul.u32 $0xF7A, s1;
	s8 =	simm.s32 @!p0 $0x1BF5;
	p2 =	por !p2, p0  }
0x20: {  	[sflag:s8] =	ssyncset.s32 @!p0 $0xFFFFF086;
	s6 =	sadd.s32 @!p0 s3, s7;
	s7 =	simm.s32 @!p0 $0x108  }
0x21: {  	s3 =	sadd.s32 s3, s9;
	s6 =	sadd.s32 @!p0 $0x88, s6;
	s7 =	simm.s32 @p2 $0x1082  }
0x22: {  	[simem:s7], [sflag:s8] =	dma.local @!p0 [hbm:s6], $0xF7A  }
0x23: {  	s9 =	sor.u32 $0xD0000000, s2;
	s6 =	simm.s32 $0x108;
	_ =	swait.ge @!p0 [sflag:s8], $0x0  }
0x24: {  	s3 =	sadd.s32 $0x88, s3;
	s6 =	simm.s32 @!p1 $0x1082;
	[sflag:s4] =	ssyncset.s32 $0xFFFFF086  }
0x25: {  	[simem:s6], [sflag:s4] =	dma.local [hbm:s3], $0xF7A  }
0x26: {  	[smem:$0x3F95] =	sst s1;
	(tag) =	ssettag s2;
	_ =	strace s9  }
0x27: {  	s1 =	sld [smem:$0x3FA5]  }
0x28: {  	s2 =	sld [smem:$0x3FA6]  }
0x29: {  	s4 =	sld [smem:$0x3FA8]  }
0x2a: {  	p0 =	seq.s32 s5, $0x0;
	s5 =	sld [smem:$0x3FA9]  }
0x2b: {  	s6 =	sld [smem:$0x3FAA]  }
0x2c: {  	s7 =	sld [smem:$0x3FAB]  }
0x2d: {  	s3 =	simm.s32 $0x108;
	s8 =	sld [smem:$0x3FAC]  }
0x2e: {  	s3 =	simm.s32 @!p0 $0x1082;
	s9 =	sld [smem:$0x3FAD]  }
0x2f: {  	lr =	sadd.s32 s0, s3;
	s0 =	sld [smem:$0x3FA4]  }
0x30: {  	s3 =	sld [smem:$0x3FA7]  }
0x31: {  	[smem:$0x3FB0] =	sst s10  }
0x32: {  	s10 =	sld [smem:$0x3FAE];
	_ =	sdelay $0x3  }
0x33: {  	p0 =	seq.s32 s10, $0x1;
	s10 =	sld [smem:$0x3FB0];
	_ =	sdelay $0x3  }
0x34: {  	[smem:$0x3FB0] =	sst s10  }
0x35: {  	s10 =	sld [smem:$0x3FAF];
	_ =	sdelay $0x3  }
0x36: {  	p1 =	seq.s32 s10, $0x1;
	s10 =	sld [smem:$0x3FB0];
	_ =	sdelay $0x3  }
0x37: {  	[smem:$0x3FB0] =	sst s10  }
0x38: {  	s10 =	sld [smem:$0x3FB1]  }
0x39: {  	_ = 	snop;
	(pc) =	sbr.ind lr, $3  }
0x3a: {  	_ = 	snop  }
0x3b: {  	_ = 	snop  }
0x3c: {  	p2 =	seq.s32 s10, $0x1;
	s10 =	sld [smem:$0x3FB0]  }
0x3d: {  	_ =	shalt  }
0x3e: {  	_ =	shalt  }
0x3f: {  	_ =	shalt  }
0x40: {  	_ =	shalt  }
0x41: {  	_ =	shalt  }
0x42: {  	_ =	shalt  }
0x43: {  	_ =	shalt  }
0x44: {  	_ =	shalt  }
0x45: {  	_ =	shalt  }
0x46: {  	_ =	shalt  }
0x47: {  	_ =	shalt  }
0x48: {  	_ =	shalt  }
0x49: {  	_ =	shalt  }
0x4a: {  	_ =	shalt  }
0x4b: {  	_ =	shalt  }
0x4c: {  	_ =	shalt  }
0x4d: {  	_ =	shalt  }
0x4e: {  	_ =	shalt  }
0x4f: {  	_ =	shalt  }
0x50: {  	_ =	shalt  }
0x51: {  	_ =	shalt  }
0x52: {  	_ =	shalt  }
0x53: {  	_ =	shalt  }
0x54: {  	_ =	shalt  }
0x55: {  	_ =	shalt  }
0x56: {  	_ =	shalt  }
0x57: {  	_ =	shalt  }
0x58: {  	_ =	shalt  }
0x59: {  	_ =	shalt  }
0x5a: {  	_ =	shalt  }
0x5b: {  	_ =	shalt  }
0x5c: {  	_ =	shalt  }
0x5d: {  	_ =	shalt  }
0x5e: {  	_ =	shalt  }
0x5f: {  	_ =	shalt  }
0x60: {  	_ =	shalt  }
0x61: {  	_ =	shalt  }
0x62: {  	_ =	shalt  }
0x63: {  	_ =	shalt  }
0x64: {  	_ =	shalt  }
0x65: {  	_ =	shalt  }
0x66: {  	_ =	shalt  }
0x67: {  	_ =	shalt  }
0x68: {  	_ =	shalt  }
0x69: {  	_ =	shalt  }
0x6a: {  	_ =	shalt  }
0x6b: {  	_ =	shalt  }
0x6c: {  	_ =	shalt  }
0x6d: {  	_ =	shalt  }
0x6e: {  	_ =	shalt  }
0x6f: {  	_ =	shalt  }
0x70: {  	_ =	shalt  }
0x71: {  	_ =	shalt  }
0x72: {  	_ =	shalt  }
0x73: {  	_ =	shalt  }
0x74: {  	_ =	shalt  }
0x75: {  	_ =	shalt  }
0x76: {  	_ =	shalt  }
0x77: {  	_ =	shalt  }
0x78: {  	_ =	shalt  }
0x79: {  	_ =	shalt  }
0x7a: {  	_ =	shalt  }
0x7b: {  	_ =	shalt  }
0x7c: {  	_ =	shalt  }
0x7d: {  	_ =	shalt  }
0x7e: {  	_ =	shalt  }
0x7f: {  	_ =	shalt  }
0x80: {  	_ =	shalt  }
0x81: {  	_ =	shalt  }
0x82: {  	_ =	shalt  }
0x83: {  	_ =	shalt  }
0x84: {  	_ =	shalt  }
0x85: {  	_ =	shalt  }
0x86: {  	_ =	shalt  }
0x87: {  	_ =	shalt  }
.Lfunc_end0:
.L_simem_size_0:
called_computation.6_lowered:
.L_overlay_start_0:
0x88: {  	s2 =	sld [smem:$0x3FD9]  }
0x89: {  	s3 =	sld [smem:$0x3FFE];
	_ =	sdelay $0x1  }
0x8a: {  	s1 =	srdreg.scid  }
0x8b: {  	s0 =	sand.u32 $0x1, s1  }
0x8c: {  	s16 =	sshll.u32 s0, $0xA;
	s2 =	sadd.s32 s3, s2  }
0x8d: {  	s2 =	sadd.s32 s2, s16  }
0x8e: {  	[smem:$0x3FBC] =	sst s2  }
0x8f: {  	_ = 	snop  }
0x90: {  	(tm) =	ssettm $0x1  }
0x91: {  	s17 =	sld [smem:$0x3FFB];
	_ =	sdelay $0x3  }
0x92: {  	_ =	strace s17  }
0x93: {  	s2 =	sld [smem:$0x3FFC];
	_ =	sdelay $0x3  }
0x94: {  	_ =	strace s2  }
0x95: {  	s2 =	sld [smem:$0x3FFD];
	_ =	sdelay $0x3  }
0x96: {  	_ =	strace s2  }
0x97: {  	_ =	strace $0x8FFFFFFF  }
0x98: {  	s18 =	sld [smem:$0x3FDB];
	_ =	sdelay $0x1  }
0x99: {  	s19 =	simm.s32 $_scs_section_size  }
0x9a: {  	s4 =	simm.s32 $_size__tile_overlayer_lowered;
	s5 =	simm.s32 $_tile_overlayer_lowered  }
0x9b: {  	s22 =	simm.s32 $0x1BFF;
	s21 =	sshll.u32 s5, $0x1;
	s2 =	sadd.s32 s19, s18  }
0x9c: {  	s6 =	simm.s32 $0x0;
	s20 =	sshll.u32 s4, $0x1;
	s4 =	sadd.s32 s21, s2  }
0x9d: {  	[timem:s6], [sflag:s22] =	dma.local [hbm:s4], s20  }
0x9e: {  	_ =	swait.ge [sflag:s22], s20  }
0x9f: {  	s3 =	ssub.s32 $0x0, s20;
	[sflag:s22] =	ssyncset.done $0x0  }
0xa0: {  	[sflag:s22] =	ssyncadd.s32 s3;
	_ =	sdelay $0x1  }
0xa1: {  	s23 =	simm.s32 $0x1B8B  }
0xa2: {  	_ =	swait.ge [sflag:s23], $0x1  }
0xa3: {  	[sflag:s23] =	ssyncset.done $0x0  }
0xa4: {  	s25 =	simm.s32 $0x1B8E;
	s24 =	sld [smem:$0x3FFE];
	[sflag:s23] =	ssyncadd.s32 $0xFFFFFFFF  }
0xa5: {  	s26 =	simm.s32 $execute0_lowered;
	[smem:$0x3FD2] =	sst s25  }
0xa6: {  	s4 =	sshll.u32 s26, $0x1;
	_ =	strace $0x80000058;
	[dreg:$0x1] =	wrdreg $0xFFFFFFFF  }
0xa7: {  	s28 =	simm.s32 $_size_execute0_lowered;
	s2 =	sadd.s32 s2, s4;
	[dreg:$0x0] =	wrdreg $0x0  }
0xa8: {  	s4 =	sshll.u32 s28, $0x1;
	[dreg:$0x2] =	wrdreg s2  }
0xa9: {  	[dreg:$0x3] =	wrdreg s4  }
0xaa: {  	[dreg:$0x4] =	wrdreg $0xC0  }
0xab: {  	_ =	task [dreg:s6], $0x5FFFF  }
0xac: {  	[dreg:$0x1] =	wrdreg $0xFFFFFFFF  }
0xad: {  	[dreg:$0x0] =	wrdreg $0x60  }
0xae: {  	[dreg:$0x2] =	wrdreg s24  }
0xaf: {  	[dreg:$0x3] =	wrdreg $0x41000  }
0xb0: {  	[dreg:$0x4] =	wrdreg $0x9  }
0xb1: {  	_ =	task.clear_ibuf [dreg:s6], $0x5FFFF;
	_ =	strace $0x90000058  }
0xb2: {  	s29 =	simm.s32 $0x9;
	_ =	strace $0x8000005A  }
0xb3: {  	_ =	swait.ge [sflag:s29], $0x1  }
0xb4: {  	[sflag:s29] =	ssyncadd.s32 $0xFFFFFFFF  }
0xb5: {  	_ =	strace $0x9000005A  }
0xb6: {  	_ =	sfence  }
0xb7: {  	s30 =	sld [smem:$0x0];
	_ =	sdelay $0x2  }
0xb8: {  	s31 =	sshll.u32 s1, $0xD;
	s1 =	sshrl.u32 s1, $0x2  }
0xb9: {  	s3 =	sand.u32 $0x4000, s31;
	s1 =	sadd.s32 s1, s30  }
0xba: {  	s0 =	sor.u32 s3, s0;
	s1 =	sshll.u32 s1, $0x11  }
0xbb: {  	s0 =	sor.u32 s1, s0  }
0xbc: {  	s0 =	sadd.s32 $0x8F2B, s0  }
0xbd: {  	[sflag:s0] =	ssyncadd.remote.s32 $0x1  }
0xbe: {  	_ =	sfence.sel $0xFFFF  }
0xbf: {  	[dreg:$0x0] =	wrdreg $0xFFFFFFFF;
	(pc) =	sbr.abs _section_cstart, $3  }
0xc0: {  	[dreg:$0x1] =	wrdreg $0xFFFFFFFF  }
0xc1: {  	_ =	task.clear_ibuf [dreg:s6], $0x2FFFF;
	_ =	strace $0x9FFFFFFF  }
0xc2: {  	(tm) =	ssettm $0x7FFFFFFF  }
0xc3: {  	_ =	shalt  }
tec
execute0_lowered:
.L_overlay_start_1:
0x0: {  	(tag) =	ssettag $0x1  }
0x1: {  	s5 =	rddreg [dreg:$0x0]  }
0x2: {  	s1 =	rddreg [dreg:$0x1];
	s3 =	srdreg.scid  }
0x3: {  	s0 =	rddreg [dreg:$0x2];
	s6 =	sand.u32 $0x1, s3  }
0x4: {  	s2 =	simm.s32 $0x0;
	s3 =	stileid.u32;
	s7 =	smul.u32 $0x4F00, s6  }
0x5: {  	s13 =	simm.s32 $0x100;
	s14 =	simm.s32 $0x1;
	s15 =	smul.u32 $0x2780, s3  }
0x6: {  	[smem:$0x7FF] =	sst s2;
	s4 =	sadd.s32 $0x19000, s5;
	s8 =	smul.u32 $0x27800, s6  }
0x7: {  	_ =	strace $0x80000059;
	s6 =	ssub.s32 $0x2, s6;
	s10 =	smul.u32 $0x4F000, s3  }
0x8: {  	s30 =	sshll.u32 s3, $0x6;
	s31 =	smul.u32 $0x4F0, s3;
	s28 =	sshrl.u32 s6, $0x1  }
0x9: {  	s9 =	sadd.s32 s7, s5;
	s11 =	sadd.s32 s15, s5;
	s8 =	sadd.s32 s8, s5  }
0xa: {  	s7 =	ssub.s32 s6, s28;
	s29 =	sshrl.u32 s10, $0x2;
	s6 =	sor.u32 $0x1C02, s30  }
0xb: {  	s12 =	sadd.s32 s29, s1;
	s5 =	sadd.s32 $0x8E400, s11;
	s16 =	sadd.s32 $0xB5C00, s8  }
0xc: {  	s7 =	smax.u32 s7, $0x1;
	s9 =	sadd.s32 s31, s9;
	s11 =	simm.s32 $0x2  }
0xd: {  	s8 =	sadd.s32 $0xF200, s9;
	s9 =	sadd.s32 $0x5400, s9;
	s10 =	sshrl.u32 s12, $0x3  }
0xe: {  	s12 =	simm.s32 $0x80;
	s15 =	sadd.s32 s15, s16;
	s16 =	simm.s32 $0x0  }
.LBB2_1:
0xf: {  	[spmem:s10], [sflag:s6] =	dma.local [hbm:s5], $0x2780  }
0x10: {  	_ =	swait.ge [sflag:s11], $0x2780  }
0x11: {  	[sflag:s11] =	ssyncset.done $0x0  }
0x12: {  	[sflag:s11] =	ssyncadd.s32 $0xFFFFD880  }
0x13: {  	s17 =	sadd.s32 $0x0, s9;
	[bflag:$0x0] =	sbarrier.arrive $0xFFFF  }
0x14: {  	[tilespmem:s2], [sflag:$0x2] =	stream.linear.gather [hbm4b:s17+s2], $0x80, $0x38;
	[tilespmem:$0x17D00] =	vst v63  }
0x15: {  	_ =	swait.ge [sflag:s11], $0x80  }
0x16: {  	[sflag:s11] =	ssyncset.done $0x0  }
0x17: {  	[sflag:s11] =	ssyncadd.s32 $0xFFFFFF80  }
0x18: {  	[tilespmem:s13], [sflag:$0x1] =	stream.indirect.gather [hbm4b:s4+s12], $0x80, s2, s12, $0xb8;
	[tilespmem:$0x17D00] =	vst v63  }
0x19: {  	_ =	swait.ge [sflag:s14], $0x4000  }
0x1a: {  	[sflag:s14] =	ssyncset.done $0x0  }
0x1b: {  	s31 =	sadd.s32 $0x0, s8;
	[sflag:s14] =	ssyncadd.s32 $0xFFFFC000  }
0x1c: {  	[tilespmem:s12], [sflag:$0x2] =	stream.linear.gather [hbm4b:s31+s2], $0x80, $0x38;
	[tilespmem:$0x17D00] =	vst v63  }
0x1d: {  	_ =	swait.ge [sflag:s11], $0x80  }
0x1e: {  	[sflag:s11] =	ssyncset.done $0x0  }
0x1f: {  	[sflag:s11] =	ssyncadd.s32 $0xFFFFFF80  }
0x20: {  	[spmem:s1] =	stream.indirect.scatter.add.f32 [tilespmem:s13], [sflag:$0x2], $0x80, s12, s12, $0xb8;
	[tilespmem:$0x17D00] =	vst v63  }
0x21: {  	_ =	swait.ge [sflag:s11], $0x4000  }
0x22: {  	s18 =	simm.s32 $0x20;
	s17 =	simm.s32 $0x10;
	[sflag:s11] =	ssyncset.done $0x0  }
.LBB2_2:
0x23: {  	s19 =	sadd.s32 s17, s9  }
0x24: {  	[sflag:s11] =	ssyncadd.s32 $0xFFFFC000;
	s20 =	smov.u32 s18;
	s21 =	sadd.s32 $0x10, s18  }
0x25: {  	[tilespmem:s2], [sflag:$0x2] =	stream.linear.gather [hbm4b:s19+s2], $0x80, $0x38;
	[tilespmem:$0x17D00] =	vst v63  }
0x26: {  	p0 =	sne.s32 s18, $0x4E0;
	_ =	swait.ge [sflag:s11], $0x80  }
0x27: {  	[sflag:s11] =	ssyncset.done $0x0  }
0x28: {  	[sflag:s11] =	ssyncadd.s32 $0xFFFFFF80  }
0x29: {  	[tilespmem:s13], [sflag:$0x1] =	stream.indirect.gather [hbm4b:s4+s12], $0x80, s2, s12, $0xb8;
	[tilespmem:$0x17D00] =	vst v63  }
0x2a: {  	_ =	swait.ge [sflag:s14], $0x4000  }
0x2b: {  	[sflag:s14] =	ssyncset.done $0x0  }
0x2c: {  	s18 =	sadd.s32 s17, s8;
	s17 =	smov.u32 s20;
	[sflag:s14] =	ssyncadd.s32 $0xFFFFC000  }
0x2d: {  	[tilespmem:s12], [sflag:$0x2] =	stream.linear.gather [hbm4b:s18+s2], $0x80, $0x38;
	[tilespmem:$0x17D00] =	vst v63  }
0x2e: {  	_ =	swait.ge [sflag:s11], $0x80  }
.Ltmp0:
0x2f: {  	[sflag:s11] =	ssyncset.done $0x0;
	(pc) =	sbr.rel @p0 .LBB2_2-.Ltmp0, $4  }
0x30: {  	[sflag:s11] =	ssyncadd.s32 $0xFFFFFF80  }
0x31: {  	[spmem:s1] =	stream.indirect.scatter.add.f32 [tilespmem:s13], [sflag:$0x2], $0x80, s12, s12, $0xb8;
	[tilespmem:$0x17D00] =	vst v63  }
0x32: {  	_ =	swait.ge [sflag:s11], $0x4000  }
0x33: {  	s18 =	smov.u32 s21;
	[sflag:s11] =	ssyncset.done $0x0  }
0x34: {  	s18 =	sadd.s32 s17, s9;
	[sflag:s11] =	ssyncadd.s32 $0xFFFFC000  }
0x35: {  	[tilespmem:s2], [sflag:$0x2] =	stream.linear.gather [hbm4b:s18+s2], $0x80, $0x38;
	[tilespmem:$0x17D00] =	vst v63  }
0x36: {  	_ =	swait.ge [sflag:s11], $0x80  }
0x37: {  	[sflag:s11] =	ssyncset.done $0x0  }
0x38: {  	[sflag:s11] =	ssyncadd.s32 $0xFFFFFF80  }
0x39: {  	[tilespmem:s13], [sflag:$0x1] =	stream.indirect.gather [hbm4b:s4+s12], $0x80, s2, s12, $0xb8;
	[tilespmem:$0x17D00] =	vst v63  }
0x3a: {  	_ =	swait.ge [sflag:s14], $0x4000  }
0x3b: {  	[sflag:s14] =	ssyncset.done $0x0  }
0x3c: {  	s31 =	sadd.s32 s17, s8;
	[sflag:s14] =	ssyncadd.s32 $0xFFFFC000  }
0x3d: {  	[tilespmem:s12], [sflag:$0x2] =	stream.linear.gather [hbm4b:s31+s2], $0x80, $0x38;
	[tilespmem:$0x17D00] =	vst v63  }
0x3e: {  	_ =	swait.ge [sflag:s11], $0x80  }
0x3f: {  	[sflag:s11] =	ssyncset.done $0x0  }
0x40: {  	[sflag:s11] =	ssyncadd.s32 $0xFFFFFF80  }
0x41: {  	[spmem:s1] =	stream.indirect.scatter.add.f32 [tilespmem:s13], [sflag:$0x2], $0x80, s12, s12, $0xb8;
	[tilespmem:$0x17D00] =	vst v63  }
0x42: {  	_ =	swait.ge [sflag:s11], $0x4000  }
0x43: {  	s16 =	sadd.s32 $0x1, s16;
	[sflag:s11] =	ssyncset.done $0x0  }
0x44: {  	p0 =	sne.s32 s16, s7;
	[sflag:s11] =	ssyncadd.s32 $0xFFFFC000  }
.Ltmp1:
0x45: {  	[bflag:$0x0] =	sbarrier.arrive $0xFFFF;
	(pc) =	sbr.rel @p0 .LBB2_1-.Ltmp1, $4  }
0x46: {  	[hbm:s15], [sflag:s6] =	dma.local [spmem:s10], $0x2780  }
0x47: {  	_ =	swait.ge [sflag:s11], $0x2780  }
0x48: {  	[sflag:s11] =	ssyncset.done $0x0  }
0x49: {  	[sflag:s11] =	ssyncadd.s32 $0xFFFFD880  }
0x4a: {  	_ =	sfence.sel $0x180000  }
0x4b: {  	[bflag:$0x0] =	sbarrier.arrive $0xFFFF  }
0x4c: {  	p0 =	sne.s32 s3, $0x0;
	_ =	strace $0x90000059  }
0x4d: {  	s0 =	sadd.s32 @!p0 $0x100000, s0;
	[bflag:$0x2] =	sbarrier.arrive $0xFFFF  }
0x4e: {  	[sflag:s0] =	ssyncadd.tile.s32 @!p0 $0x1;
	_ =	shalt  }
.Lfunc_end2:
_tile_overlayer_lowered:
.L_overlay_start_2:
0x4f: {  	(tag) =	ssettag $0x2  }
0x50: {  	s0 =	rddreg [dreg:$0x0];
	s2 =	stileid.u32  }
0x51: {  	s1 =	rddreg [dreg:$0x1];
	p0 =	sne.s32 s2, $0x0  }
0x52: {  	s3 =	rddreg [dreg:$0x2];
	[bflag:$0x3] =	sbarrier.arrive $0xFFFF;
	s2 =	simm.s32 @!p0 $0x1C02  }
0x53: {  	[timem:s3], [sflag:s2] =	dma.local @!p0 [hbm:s0], s1  }
0x54: {  	s0 =	simm.s32 @!p0 $0x2  }
0x55: {  	_ =	swait.ge @!p0 [sflag:s0], s1  }
0x56: {  	s1 =	ssub.s32 @!p0 $0x0, s1;
	[sflag:s0] =	ssyncset.done @!p0 $0x0  }
0x57: {  	[sflag:s0] =	ssyncadd.s32 @!p0 s1  }
0x58: {  	[bflag:$0x3] =	sbarrier.arrive $0xFFFF  }
0x59: {  	_ =	shalt  }

// kernel: kernel.40.cloned.1.call-start
scs
__scs_entry_jumppad:
0x0: {  	(pc) =	sbr.rel $0x88, $3  }
0x1: {  	(tag) =	ssettag $0x0;
	lr =	simm.s32 $0x1  }
0x2: {  	[smem:$0x3F95] =	sst lr;
	_ =	strace $0xD0000000  }
0x3: {  	_ = 	snop  }
0x4: {  	_ = 	snop  }
0x5: {  	_ = 	snop  }
0x6: {  	_ = 	snop  }
0x7: {  	_ = 	snop  }
__scs_overlays_trampoline_lowered:
0x8: {  	[smem:$0x3FA4] =	sst s0  }
0x9: {  	[smem:$0x3FA5] =	sst s1  }
0xa: {  	[smem:$0x3FA6] =	sst s2  }
0xb: {  	[smem:$0x3FA7] =	sst s3  }
0xc: {  	[smem:$0x3FA8] =	sst s4  }
0xd: {  	[smem:$0x3FA9] =	sst s5  }
0xe: {  	[smem:$0x3FAA] =	sst s6  }
0xf: {  	[smem:$0x3FAB] =	sst s7  }
0x10: {  	[smem:$0x3FAC] =	sst s8  }
0x11: {  	[smem:$0x3FAD] =	sst s9;
	s0 =	simm.s32 @!p0 $0x0  }
0x12: {  	s1 =	sld [smem:$0x3F93];
	s0 =	simm.s32 @p0 $0x1  }
0x13: {  	[smem:$0x3FAE] =	sst s0;
	s0 =	simm.s32 @!p1 $0x0  }
0x14: {  	s2 =	sld [smem:$0x3F92];
	s0 =	simm.s32 @p1 $0x1  }
0x15: {  	[smem:$0x3FAF] =	sst s0;
	s0 =	simm.s32 @!p2 $0x0  }
0x16: {  	s3 =	sld [smem:$0x3FDB];
	s0 =	simm.s32 @p2 $0x1  }
0x17: {  	s4 =	simm.s32 $0x1BF5;
	[smem:$0x3FB1] =	sst s0  }
0x18: {  	s0 =	sld [smem:$0x3F94];
	_ =	swait.ge [sflag:s4], $0x0  }
0x19: {  	s7 =	sld [smem:$0x3F95]  }
0x1a: {  	s8 =	sadd.s32 $0xFFFFE003, lr  }
0x1b: {  	s9 =	sadd.s32 $0xFFFFFEF7, lr;
	s5 =	simm.s32 $0xFFFFFFFF;
	p2 =	slt.u32 s8, $0xFFFFF086  }
0x1c: {  	p1 =	slt.u32 s9, $0xF7A;
	s5 =	simm.s32 @!p2 $0x0  }
0x1d: {  	s5 =	simm.s32 @p1 $0x1;
	p0 =	seq.s32 s7, s2  }
0x1e: {  	s7 =	smul.u32 @!p0 $0xF7A, s2;
	p2 =	seq.s32 @!p0 s5, $0x0  }
0x1f: {  	s9 =	smul.u32 $0xF7A, s1;
	s8 =	simm.s32 @!p0 $0x1BF5;
	p2 =	por !p2, p0  }
0x20: {  	[sflag:s8] =	ssyncset.s32 @!p0 $0xFFFFF086;
	s6 =	sadd.s32 @!p0 s3, s7;
	s7 =	simm.s32 @!p0 $0x108  }
0x21: {  	s3 =	sadd.s32 s3, s9;
	s6 =	sadd.s32 @!p0 $0x88, s6;
	s7 =	simm.s32 @p2 $0x1082  }
0x22: {  	[simem:s7], [sflag:s8] =	dma.local @!p0 [hbm:s6], $0xF7A  }
0x23: {  	s9 =	sor.u32 $0xD0000000, s2;
	s6 =	simm.s32 $0x108;
	_ =	swait.ge @!p0 [sflag:s8], $0x0  }
0x24: {  	s3 =	sadd.s32 $0x88, s3;
	s6 =	simm.s32 @!p1 $0x1082;
	[sflag:s4] =	ssyncset.s32 $0xFFFFF086  }
0x25: {  	[simem:s6], [sflag:s4] =	dma.local [hbm:s3], $0xF7A  }
0x26: {  	[smem:$0x3F95] =	sst s1;
	(tag) =	ssettag s2;
	_ =	strace s9  }
0x27: {  	s1 =	sld [smem:$0x3FA5]  }
0x28: {  	s2 =	sld [smem:$0x3FA6]  }
0x29: {  	s4 =	sld [smem:$0x3FA8]  }
0x2a: {  	p0 =	seq.s32 s5, $0x0;
	s5 =	sld [smem:$0x3FA9]  }
0x2b: {  	s6 =	sld [smem:$0x3FAA]  }
0x2c: {  	s7 =	sld [smem:$0x3FAB]  }
0x2d: {  	s3 =	simm.s32 $0x108;
	s8 =	sld [smem:$0x3FAC]  }
0x2e: {  	s3 =	simm.s32 @!p0 $0x1082;
	s9 =	sld [smem:$0x3FAD]  }
0x2f: {  	lr =	sadd.s32 s0, s3;
	s0 =	sld [smem:$0x3FA4]  }
0x30: {  	s3 =	sld [smem:$0x3FA7]  }
0x31: {  	[smem:$0x3FB0] =	sst s10  }
0x32: {  	s10 =	sld [smem:$0x3FAE];
	_ =	sdelay $0x3  }
0x33: {  	p0 =	seq.s32 s10, $0x1;
	s10 =	sld [smem:$0x3FB0];
	_ =	sdelay $0x3  }
0x34: {  	[smem:$0x3FB0] =	sst s10  }
0x35: {  	s10 =	sld [smem:$0x3FAF];
	_ =	sdelay $0x3  }
0x36: {  	p1 =	seq.s32 s10, $0x1;
	s10 =	sld [smem:$0x3FB0];
	_ =	sdelay $0x3  }
0x37: {  	[smem:$0x3FB0] =	sst s10  }
0x38: {  	s10 =	sld [smem:$0x3FB1]  }
0x39: {  	_ = 	snop;
	(pc) =	sbr.ind lr, $3  }
0x3a: {  	_ = 	snop  }
0x3b: {  	_ = 	snop  }
0x3c: {  	p2 =	seq.s32 s10, $0x1;
	s10 =	sld [smem:$0x3FB0]  }
0x3d: {  	_ =	shalt  }
0x3e: {  	_ =	shalt  }
0x3f: {  	_ =	shalt  }
0x40: {  	_ =	shalt  }
0x41: {  	_ =	shalt  }
0x42: {  	_ =	shalt  }
0x43: {  	_ =	shalt  }
0x44: {  	_ =	shalt  }
0x45: {  	_ =	shalt  }
0x46: {  	_ =	shalt  }
0x47: {  	_ =	shalt  }
0x48: {  	_ =	shalt  }
0x49: {  	_ =	shalt  }
0x4a: {  	_ =	shalt  }
0x4b: {  	_ =	shalt  }
0x4c: {  	_ =	shalt  }
0x4d: {  	_ =	shalt  }
0x4e: {  	_ =	shalt  }
0x4f: {  	_ =	shalt  }
0x50: {  	_ =	shalt  }
0x51: {  	_ =	shalt  }
0x52: {  	_ =	shalt  }
0x53: {  	_ =	shalt  }
0x54: {  	_ =	shalt  }
0x55: {  	_ =	shalt  }
0x56: {  	_ =	shalt  }
0x57: {  	_ =	shalt  }
0x58: {  	_ =	shalt  }
0x59: {  	_ =	shalt  }
0x5a: {  	_ =	shalt  }
0x5b: {  	_ =	shalt  }
0x5c: {  	_ =	shalt  }
0x5d: {  	_ =	shalt  }
0x5e: {  	_ =	shalt  }
0x5f: {  	_ =	shalt  }
0x60: {  	_ =	shalt  }
0x61: {  	_ =	shalt  }
0x62: {  	_ =	shalt  }
0x63: {  	_ =	shalt  }
0x64: {  	_ =	shalt  }
0x65: {  	_ =	shalt  }
0x66: {  	_ =	shalt  }
0x67: {  	_ =	shalt  }
0x68: {  	_ =	shalt  }
0x69: {  	_ =	shalt  }
0x6a: {  	_ =	shalt  }
0x6b: {  	_ =	shalt  }
0x6c: {  	_ =	shalt  }
0x6d: {  	_ =	shalt  }
0x6e: {  	_ =	shalt  }
0x6f: {  	_ =	shalt  }
0x70: {  	_ =	shalt  }
0x71: {  	_ =	shalt  }
0x72: {  	_ =	shalt  }
0x73: {  	_ =	shalt  }
0x74: {  	_ =	shalt  }
0x75: {  	_ =	shalt  }
0x76: {  	_ =	shalt  }
0x77: {  	_ =	shalt  }
0x78: {  	_ =	shalt  }
0x79: {  	_ =	shalt  }
0x7a: {  	_ =	shalt  }
0x7b: {  	_ =	shalt  }
0x7c: {  	_ =	shalt  }
0x7d: {  	_ =	shalt  }
0x7e: {  	_ =	shalt  }
0x7f: {  	_ =	shalt  }
0x80: {  	_ =	shalt  }
0x81: {  	_ =	shalt  }
0x82: {  	_ =	shalt  }
0x83: {  	_ =	shalt  }
0x84: {  	_ =	shalt  }
0x85: {  	_ =	shalt  }
0x86: {  	_ =	shalt  }
0x87: {  	_ =	shalt  }
.Lfunc_end0:
.L_simem_size_0:
called_computation.7_lowered:
.L_overlay_start_0:
0x88: {  	s2 =	sld [smem:$0x3FD9]  }
0x89: {  	s3 =	sld [smem:$0x3FFE];
	_ =	sdelay $0x1  }
0x8a: {  	s1 =	srdreg.scid  }
0x8b: {  	s0 =	sand.u32 $0x1, s1  }
0x8c: {  	s16 =	sshll.u32 s0, $0xA;
	s2 =	sadd.s32 s3, s2  }
0x8d: {  	s2 =	sadd.s32 s2, s16  }
0x8e: {  	[smem:$0x3FBC] =	sst s2  }
0x8f: {  	_ = 	snop  }
0x90: {  	(tm) =	ssettm $0x1  }
0x91: {  	s17 =	sld [smem:$0x3FFB];
	_ =	sdelay $0x3  }
0x92: {  	_ =	strace s17  }
0x93: {  	s2 =	sld [smem:$0x3FFC];
	_ =	sdelay $0x3  }
0x94: {  	_ =	strace s2  }
0x95: {  	s2 =	sld [smem:$0x3FFD];
	_ =	sdelay $0x3  }
0x96: {  	_ =	strace s2  }
0x97: {  	_ =	strace $0x8FFFFFFF  }
0x98: {  	s18 =	sld [smem:$0x3FDB];
	_ =	sdelay $0x1  }
0x99: {  	s19 =	simm.s32 $_scs_section_size  }
0x9a: {  	s4 =	simm.s32 $_size__tile_overlayer_lowered;
	s5 =	simm.s32 $_tile_overlayer_lowered  }
0x9b: {  	s22 =	simm.s32 $0x1BFF;
	s21 =	sshll.u32 s5, $0x1;
	s2 =	sadd.s32 s19, s18  }
0x9c: {  	s6 =	simm.s32 $0x0;
	s20 =	sshll.u32 s4, $0x1;
	s4 =	sadd.s32 s21, s2  }
0x9d: {  	[timem:s6], [sflag:s22] =	dma.local [hbm:s4], s20  }
0x9e: {  	_ =	swait.ge [sflag:s22], s20  }
0x9f: {  	s3 =	ssub.s32 $0x0, s20;
	[sflag:s22] =	ssyncset.done $0x0  }
0xa0: {  	[sflag:s22] =	ssyncadd.s32 s3;
	_ =	sdelay $0x1  }
0xa1: {  	s23 =	simm.s32 $0x1B8B  }
0xa2: {  	_ =	swait.ge [sflag:s23], $0x1  }
0xa3: {  	[sflag:s23] =	ssyncset.done $0x0  }
0xa4: {  	s25 =	simm.s32 $0x1B8E;
	s24 =	sld [smem:$0x3FFE];
	[sflag:s23] =	ssyncadd.s32 $0xFFFFFFFF  }
0xa5: {  	s26 =	simm.s32 $execute0_lowered;
	[smem:$0x3FD2] =	sst s25  }
0xa6: {  	s4 =	sshll.u32 s26, $0x1;
	_ =	strace $0x8000005B;
	[dreg:$0x1] =	wrdreg $0xFFFFFFFF  }
0xa7: {  	s28 =	simm.s32 $_size_execute0_lowered;
	s2 =	sadd.s32 s2, s4;
	[dreg:$0x0] =	wrdreg $0x0  }
0xa8: {  	s4 =	sshll.u32 s28, $0x1;
	[dreg:$0x2] =	wrdreg s2  }
0xa9: {  	[dreg:$0x3] =	wrdreg s4  }
0xaa: {  	[dreg:$0x4] =	wrdreg $0xC0  }
0xab: {  	_ =	task [dreg:s6], $0x5FFFF  }
0xac: {  	[dreg:$0x1] =	wrdreg $0xFFFFFFFF  }
0xad: {  	[dreg:$0x0] =	wrdreg $0x60  }
0xae: {  	[dreg:$0x2] =	wrdreg s24  }
0xaf: {  	[dreg:$0x3] =	wrdreg $0x41000  }
0xb0: {  	[dreg:$0x4] =	wrdreg $0x9  }
0xb1: {  	_ =	task.clear_ibuf [dreg:s6], $0x5FFFF;
	_ =	strace $0x9000005B  }
0xb2: {  	s29 =	simm.s32 $0x9;
	_ =	strace $0x8000005D  }
0xb3: {  	_ =	swait.ge [sflag:s29], $0x1  }
0xb4: {  	[sflag:s29] =	ssyncadd.s32 $0xFFFFFFFF  }
0xb5: {  	_ =	strace $0x9000005D  }
0xb6: {  	_ =	sfence  }
0xb7: {  	s30 =	sld [smem:$0x0];
	_ =	sdelay $0x2  }
0xb8: {  	s31 =	sshll.u32 s1, $0xD;
	s1 =	sshrl.u32 s1, $0x2  }
0xb9: {  	s3 =	sand.u32 $0x4000, s31;
	s1 =	sadd.s32 s1, s30  }
0xba: {  	s0 =	sor.u32 s3, s0;
	s1 =	sshll.u32 s1, $0x11  }
0xbb: {  	s0 =	sor.u32 s1, s0  }
0xbc: {  	s0 =	sadd.s32 $0x8F2B, s0  }
0xbd: {  	[sflag:s0] =	ssyncadd.remote.s32 $0x1  }
0xbe: {  	_ =	sfence.sel $0xFFFF  }
0xbf: {  	[dreg:$0x0] =	wrdreg $0xFFFFFFFF;
	(pc) =	sbr.abs _section_cstart, $3  }
0xc0: {  	[dreg:$0x1] =	wrdreg $0xFFFFFFFF  }
0xc1: {  	_ =	task.clear_ibuf [dreg:s6], $0x2FFFF;
	_ =	strace $0x9FFFFFFF  }
0xc2: {  	(tm) =	ssettm $0x7FFFFFFF  }
0xc3: {  	_ =	shalt  }
tec
execute0_lowered:
.L_overlay_start_1:
0x0: {  	(tag) =	ssettag $0x1  }
0x1: {  	s5 =	rddreg [dreg:$0x0]  }
0x2: {  	s1 =	rddreg [dreg:$0x1];
	s3 =	srdreg.scid  }
0x3: {  	s0 =	rddreg [dreg:$0x2];
	s6 =	sand.u32 $0x1, s3  }
0x4: {  	s2 =	simm.s32 $0x0;
	s3 =	stileid.u32;
	s7 =	smul.u32 $0x4F00, s6  }
0x5: {  	s13 =	simm.s32 $0x100;
	s14 =	simm.s32 $0x1;
	s15 =	smul.u32 $0x2780, s3  }
0x6: {  	[smem:$0x7FF] =	sst s2;
	s4 =	sadd.s32 $0x19000, s5;
	s8 =	smul.u32 $0x27800, s6  }
0x7: {  	_ =	strace $0x8000005C;
	s6 =	ssub.s32 $0x2, s6;
	s10 =	smul.u32 $0x4F000, s3  }
0x8: {  	s30 =	sshll.u32 s3, $0x6;
	s31 =	smul.u32 $0x4F0, s3;
	s28 =	sshrl.u32 s6, $0x1  }
0x9: {  	s9 =	sadd.s32 s7, s5;
	s11 =	sadd.s32 s15, s5;
	s8 =	sadd.s32 s8, s5  }
0xa: {  	s7 =	ssub.s32 s6, s28;
	s29 =	sshrl.u32 s10, $0x2;
	s6 =	sor.u32 $0x1C02, s30  }
0xb: {  	s12 =	sadd.s32 s29, s1;
	s5 =	sadd.s32 $0x8E400, s11;
	s16 =	sadd.s32 $0xB5C00, s8  }
0xc: {  	s7 =	smax.u32 s7, $0x1;
	s9 =	sadd.s32 s31, s9;
	s11 =	simm.s32 $0x2  }
0xd: {  	s8 =	sadd.s32 $0xF200, s9;
	s9 =	sadd.s32 $0x5400, s9;
	s10 =	sshrl.u32 s12, $0x3  }
0xe: {  	s12 =	simm.s32 $0x80;
	s15 =	sadd.s32 s15, s16;
	s16 =	simm.s32 $0x0  }
.LBB2_1:
0xf: {  	[spmem:s10], [sflag:s6] =	dma.local [hbm:s5], $0x2780  }
0x10: {  	_ =	swait.ge [sflag:s11], $0x2780  }
0x11: {  	[sflag:s11] =	ssyncset.done $0x0  }
0x12: {  	[sflag:s11] =	ssyncadd.s32 $0xFFFFD880  }
0x13: {  	s17 =	sadd.s32 $0x0, s9;
	[bflag:$0x0] =	sbarrier.arrive $0xFFFF  }
0x14: {  	[tilespmem:s2], [sflag:$0x2] =	stream.linear.gather [hbm4b:s17+s2], $0x80, $0x38;
	[tilespmem:$0x17D00] =	vst v63  }
0x15: {  	_ =	swait.ge [sflag:s11], $0x80  }
0x16: {  	[sflag:s11] =	ssyncset.done $0x0  }
0x17: {  	[sflag:s11] =	ssyncadd.s32 $0xFFFFFF80  }
0x18: {  	[tilespmem:s13], [sflag:$0x1] =	stream.indirect.gather [hbm4b:s4+s12], $0x80, s2, s12, $0xb8;
	[tilespmem:$0x17D00] =	vst v63  }
0x19: {  	_ =	swait.ge [sflag:s14], $0x4000  }
0x1a: {  	[sflag:s14] =	ssyncset.done $0x0  }
0x1b: {  	s31 =	sadd.s32 $0x0, s8;
	[sflag:s14] =	ssyncadd.s32 $0xFFFFC000  }
0x1c: {  	[tilespmem:s12], [sflag:$0x2] =	stream.linear.gather [hbm4b:s31+s2], $0x80, $0x38;
	[tilespmem:$0x17D00] =	vst v63  }
0x1d: {  	_ =	swait.ge [sflag:s11], $0x80  }
0x1e: {  	[sflag:s11] =	ssyncset.done $0x0  }
0x1f: {  	[sflag:s11] =	ssyncadd.s32 $0xFFFFFF80  }
0x20: {  	[spmem:s1] =	stream.indirect.scatter.add.f32 [tilespmem:s13], [sflag:$0x2], $0x80, s12, s12, $0xb8;
	[tilespmem:$0x17D00] =	vst v63  }
0x21: {  	_ =	swait.ge [sflag:s11], $0x4000  }
0x22: {  	s18 =	simm.s32 $0x20;
	s17 =	simm.s32 $0x10;
	[sflag:s11] =	ssyncset.done $0x0  }
.LBB2_2:
0x23: {  	s19 =	sadd.s32 s17, s9  }
0x24: {  	[sflag:s11] =	ssyncadd.s32 $0xFFFFC000;
	s20 =	smov.u32 s18;
	s21 =	sadd.s32 $0x10, s18  }
0x25: {  	[tilespmem:s2], [sflag:$0x2] =	stream.linear.gather [hbm4b:s19+s2], $0x80, $0x38;
	[tilespmem:$0x17D00] =	vst v63  }
0x26: {  	p0 =	sne.s32 s18, $0x4E0;
	_ =	swait.ge [sflag:s11], $0x80  }
0x27: {  	[sflag:s11] =	ssyncset.done $0x0  }
0x28: {  	[sflag:s11] =	ssyncadd.s32 $0xFFFFFF80  }
0x29: {  	[tilespmem:s13], [sflag:$0x1] =	stream.indirect.gather [hbm4b:s4+s12], $0x80, s2, s12, $0xb8;
	[tilespmem:$0x17D00] =	vst v63  }
0x2a: {  	_ =	swait.ge [sflag:s14], $0x4000  }
0x2b: {  	[sflag:s14] =	ssyncset.done $0x0  }
0x2c: {  	s18 =	sadd.s32 s17, s8;
	s17 =	smov.u32 s20;
	[sflag:s14] =	ssyncadd.s32 $0xFFFFC000  }
0x2d: {  	[tilespmem:s12], [sflag:$0x2] =	stream.linear.gather [hbm4b:s18+s2], $0x80, $0x38;
	[tilespmem:$0x17D00] =	vst v63  }
0x2e: {  	_ =	swait.ge [sflag:s11], $0x80  }
.Ltmp0:
0x2f: {  	[sflag:s11] =	ssyncset.done $0x0;
	(pc) =	sbr.rel @p0 .LBB2_2-.Ltmp0, $4  }
0x30: {  	[sflag:s11] =	ssyncadd.s32 $0xFFFFFF80  }
0x31: {  	[spmem:s1] =	stream.indirect.scatter.add.f32 [tilespmem:s13], [sflag:$0x2], $0x80, s12, s12, $0xb8;
	[tilespmem:$0x17D00] =	vst v63  }
0x32: {  	_ =	swait.ge [sflag:s11], $0x4000  }
0x33: {  	s18 =	smov.u32 s21;
	[sflag:s11] =	ssyncset.done $0x0  }
0x34: {  	s18 =	sadd.s32 s17, s9;
	[sflag:s11] =	ssyncadd.s32 $0xFFFFC000  }
0x35: {  	[tilespmem:s2], [sflag:$0x2] =	stream.linear.gather [hbm4b:s18+s2], $0x80, $0x38;
	[tilespmem:$0x17D00] =	vst v63  }
0x36: {  	_ =	swait.ge [sflag:s11], $0x80  }
0x37: {  	[sflag:s11] =	ssyncset.done $0x0  }
0x38: {  	[sflag:s11] =	ssyncadd.s32 $0xFFFFFF80  }
0x39: {  	[tilespmem:s13], [sflag:$0x1] =	stream.indirect.gather [hbm4b:s4+s12], $0x80, s2, s12, $0xb8;
	[tilespmem:$0x17D00] =	vst v63  }
0x3a: {  	_ =	swait.ge [sflag:s14], $0x4000  }
0x3b: {  	[sflag:s14] =	ssyncset.done $0x0  }
0x3c: {  	s31 =	sadd.s32 s17, s8;
	[sflag:s14] =	ssyncadd.s32 $0xFFFFC000  }
0x3d: {  	[tilespmem:s12], [sflag:$0x2] =	stream.linear.gather [hbm4b:s31+s2], $0x80, $0x38;
	[tilespmem:$0x17D00] =	vst v63  }
0x3e: {  	_ =	swait.ge [sflag:s11], $0x80  }
0x3f: {  	[sflag:s11] =	ssyncset.done $0x0  }
0x40: {  	[sflag:s11] =	ssyncadd.s32 $0xFFFFFF80  }
0x41: {  	[spmem:s1] =	stream.indirect.scatter.add.f32 [tilespmem:s13], [sflag:$0x2], $0x80, s12, s12, $0xb8;
	[tilespmem:$0x17D00] =	vst v63  }
0x42: {  	_ =	swait.ge [sflag:s11], $0x4000  }
0x43: {  	s16 =	sadd.s32 $0x1, s16;
	[sflag:s11] =	ssyncset.done $0x0  }
0x44: {  	p0 =	sne.s32 s16, s7;
	[sflag:s11] =	ssyncadd.s32 $0xFFFFC000  }
.Ltmp1:
0x45: {  	[bflag:$0x0] =	sbarrier.arrive $0xFFFF;
	(pc) =	sbr.rel @p0 .LBB2_1-.Ltmp1, $4  }
0x46: {  	[hbm:s15], [sflag:s6] =	dma.local [spmem:s10], $0x2780  }
0x47: {  	_ =	swait.ge [sflag:s11], $0x2780  }
0x48: {  	[sflag:s11] =	ssyncset.done $0x0  }
0x49: {  	[sflag:s11] =	ssyncadd.s32 $0xFFFFD880  }
0x4a: {  	_ =	sfence.sel $0x180000  }
0x4b: {  	[bflag:$0x0] =	sbarrier.arrive $0xFFFF  }
0x4c: {  	p0 =	sne.s32 s3, $0x0;
	_ =	strace $0x9000005C  }
0x4d: {  	s0 =	sadd.s32 @!p0 $0x100000, s0;
	[bflag:$0x2] =	sbarrier.arrive $0xFFFF  }
0x4e: {  	[sflag:s0] =	ssyncadd.tile.s32 @!p0 $0x1;
	_ =	shalt  }
.Lfunc_end2:
_tile_overlayer_lowered:
.L_overlay_start_2:
0x4f: {  	(tag) =	ssettag $0x2  }
0x50: {  	s0 =	rddreg [dreg:$0x0];
	s2 =	stileid.u32  }
0x51: {  	s1 =	rddreg [dreg:$0x1];
	p0 =	sne.s32 s2, $0x0  }
0x52: {  	s3 =	rddreg [dreg:$0x2];
	[bflag:$0x3] =	sbarrier.arrive $0xFFFF;
	s2 =	simm.s32 @!p0 $0x1C02  }
0x53: {  	[timem:s3], [sflag:s2] =	dma.local @!p0 [hbm:s0], s1  }
0x54: {  	s0 =	simm.s32 @!p0 $0x2  }
0x55: {  	_ =	swait.ge @!p0 [sflag:s0], s1  }
0x56: {  	s1 =	ssub.s32 @!p0 $0x0, s1;
	[sflag:s0] =	ssyncset.done @!p0 $0x0  }
0x57: {  	[sflag:s0] =	ssyncadd.s32 @!p0 s1  }
0x58: {  	[bflag:$0x3] =	sbarrier.arrive $0xFFFF  }
0x59: {  	_ =	shalt  }

</sc_bundles>
